<compile_context>
chip_gen: v7x
topology: tpu7x:2x2x1
jax: 0.10.2.dev20260603
libtpu: 0.0.44.dev20260713+nightly
codegen_flags: <defaults>
</compile_context>

<pallas_src>
import jax
import jax.numpy as jnp
from jax import lax
from jax.experimental import pallas as pl
from jax.experimental.pallas import tpu as pltpu
from jax.experimental.pallas import tpu_sc as plsc

NUM_USERS = 2000
NUM_ITEMS = 8000
N = NUM_USERS + NUM_ITEMS
NPAD = 10240
E = 160000
D = 256
H1 = 512
H2 = 256

NCORES = 2
NSUB = 16
NTILES = NCORES * NSUB
EPT = E // NTILES
BLK = 128
NBLK = 40
EPAD = NBLK * BLK - EPT

NODE_BLK = 512
N_NODE_BLK = NPAD // NODE_BLK

_mesh = plsc.VectorSubcoreMesh(core_axis_name="c", subcore_axis_name="s")


def _deg_body(dst_hbm, ones_hbm, zdeg_hbm, out_hbm, dst_v, ones_v, acc):
    cid = lax.axis_index("c")
    sid = lax.axis_index("s")
    wid = cid * NSUB + sid
    rows = NPAD // NSUB
    rsl = pl.ds(sid * rows, rows)
    pltpu.sync_copy(dst_hbm.at[wid], dst_v)
    pltpu.sync_copy(ones_hbm, ones_v)
    pltpu.sync_copy(zdeg_hbm.at[rsl], acc.at[rsl])
    plsc.subcore_barrier()
    def dbody(j, carry):
        pltpu.sync_copy(ones_v, acc.at[dst_v.at[j]], add=True)
        return carry

    lax.fori_loop(0, NBLK, dbody, 0)
    plsc.subcore_barrier()
    pltpu.sync_copy(acc.at[rsl], out_hbm.at[cid, rsl])


_deg = pl.kernel(
    _deg_body,
    mesh=_mesh,
    out_type=jax.ShapeDtypeStruct((NCORES, NPAD), jnp.float32),
    scratch_types=[
        pltpu.VMEM((NBLK, BLK), jnp.int32),
        pltpu.VMEM((BLK,), jnp.float32),
        pltpu.VMEM_SHARED((NPAD,), jnp.float32),
    ],
)


def _agg_body(gtab, src_hbm, dst_hbm, zrow, out_hbm,
              src_v, dst_v, buf0, buf1, acc, gsem0, gsem1):
    nchunk = gtab.shape[0]
    cid = lax.axis_index("c")
    sid = lax.axis_index("s")
    wid = cid * NSUB + sid
    rows = NPAD // NSUB
    rsl = pl.ds(sid * rows, rows)
    pltpu.sync_copy(src_hbm.at[wid], src_v)
    pltpu.sync_copy(dst_hbm.at[wid], dst_v)

    for c in range(nchunk):
        gt = gtab.at[c]

        @pl.when(cid == 0)
        def _():
            pltpu.sync_copy(gt.at[rsl], acc.at[rsl])

        @pl.when(cid == 1)
        def _():
            pltpu.sync_copy(zrow.at[rsl], acc.at[rsl])

        plsc.subcore_barrier()

        pltpu.async_copy(gt.at[src_v.at[0]], buf0, gsem0)

        def ebody(i, carry):
            j = 2 * i
            pltpu.async_copy(gt.at[src_v.at[j + 1]], buf1, gsem1)
            pltpu.make_async_copy(gt.at[src_v.at[j]], buf0, gsem0).wait()
            pltpu.sync_copy(buf0, acc.at[dst_v.at[j]], add=True)

            @pl.when(i < NBLK // 2 - 1)
            def _():
                pltpu.async_copy(gt.at[src_v.at[j + 2]], buf0, gsem0)

            pltpu.make_async_copy(gt.at[src_v.at[j + 1]], buf1, gsem1).wait()
            pltpu.sync_copy(buf1, acc.at[dst_v.at[j + 1]], add=True)
            return carry

        lax.fori_loop(0, NBLK // 2, ebody, 0)
        plsc.subcore_barrier()
        pltpu.sync_copy(acc.at[rsl], out_hbm.at[c, cid, rsl])


def _make_agg(nchunk):
    return pl.kernel(
        _agg_body,
        mesh=_mesh,
        out_type=jax.ShapeDtypeStruct((nchunk, NCORES, NPAD, 128), jnp.float32),
        scratch_types=[
            pltpu.VMEM((NBLK, BLK), jnp.int32),
            pltpu.VMEM((NBLK, BLK), jnp.int32),
            pltpu.VMEM((BLK, 128), jnp.float32),
            pltpu.VMEM((BLK, 128), jnp.float32),
            pltpu.VMEM_SHARED((NPAD, 128), jnp.float32),
            pltpu.SemaphoreType.DMA,
            pltpu.SemaphoreType.DMA,
        ],
    )


_agg4 = _make_agg(4)
_agg2 = _make_agg(2)


def _tc1_body(x_ref, w_ref, dinv_ref, o_ref):
    h = jnp.dot(x_ref[...].astype(jnp.bfloat16), w_ref[...].astype(jnp.bfloat16),
                preferred_element_type=jnp.float32)
    d = dinv_ref[...]
    for c in range(H1 // 128):
        o_ref[c] = h[:, c * 128:(c + 1) * 128] * d


def _tc1(x, W1, dinv_rep):
    return pl.pallas_call(
        _tc1_body,
        grid=(N_NODE_BLK,),
        in_specs=[
            pl.BlockSpec((NODE_BLK, D), lambda i: (i, 0)),
            pl.BlockSpec((D, H1), lambda i: (0, 0)),
            pl.BlockSpec((NODE_BLK, 128), lambda i: (i, 0)),
        ],
        out_specs=pl.BlockSpec((H1 // 128, NODE_BLK, 128), lambda i: (0, i, 0)),
        out_shape=jax.ShapeDtypeStruct((H1 // 128, NPAD, 128), jnp.float32),
    )(x, W1, dinv_rep)


def _tc2_body(p_ref, dinv_ref, w2_ref, b1_ref, o_ref):
    d = dinv_ref[...]
    b = b1_ref[...]
    cats = []
    for c in range(H1 // 128):
        s = p_ref[c, 0] + p_ref[c, 1]
        cats.append(jnp.maximum(s * d + b[:, c * 128:(c + 1) * 128], 0.0))
    a1 = jnp.concatenate(cats, axis=1)
    h2 = jnp.dot(a1.astype(jnp.bfloat16), w2_ref[...].astype(jnp.bfloat16),
                 preferred_element_type=jnp.float32)
    for c in range(H2 // 128):
        o_ref[c] = h2[:, c * 128:(c + 1) * 128] * d


def _tc2(p1, dinv_rep, W2, b1r):
    return pl.pallas_call(
        _tc2_body,
        grid=(N_NODE_BLK,),
        in_specs=[
            pl.BlockSpec((H1 // 128, NCORES, NODE_BLK, 128), lambda i: (0, 0, i, 0)),
            pl.BlockSpec((NODE_BLK, 128), lambda i: (i, 0)),
            pl.BlockSpec((H1, H2), lambda i: (0, 0)),
            pl.BlockSpec((1, H1), lambda i: (0, 0)),
        ],
        out_specs=pl.BlockSpec((H2 // 128, NODE_BLK, 128), lambda i: (0, i, 0)),
        out_shape=jax.ShapeDtypeStruct((H2 // 128, NPAD, 128), jnp.float32),
    )(p1, dinv_rep, W2, b1r)


def _tc3a_body(p_ref, dinv_ref, b2_ref, o_ref):
    d = dinv_ref[...]
    b = b2_ref[...]
    outs = []
    for c in range(H2 // 128):
        s = p_ref[c, 0] + p_ref[c, 1]
        outs.append(jnp.maximum(s * d + b[:, c * 128:(c + 1) * 128], 0.0))
    o_ref[...] = jnp.concatenate(outs, axis=1)


def _tc3a(p2, dinv_rep, b2r):
    return pl.pallas_call(
        _tc3a_body,
        grid=(N_NODE_BLK,),
        in_specs=[
            pl.BlockSpec((H2 // 128, NCORES, NODE_BLK, 128), lambda i: (0, 0, i, 0)),
            pl.BlockSpec((NODE_BLK, 128), lambda i: (i, 0)),
            pl.BlockSpec((1, H2), lambda i: (0, 0)),
        ],
        out_specs=pl.BlockSpec((NODE_BLK, H2), lambda i: (i, 0)),
        out_shape=jax.ShapeDtypeStruct((NPAD, H2), jnp.float32),
    )(p2, dinv_rep, b2r)


UBLK = 400


def _tc3b_body(u_ref, it_ref, o_ref):
    s = lax.dot_general(u_ref[...].astype(jnp.bfloat16),
                        it_ref[...].astype(jnp.bfloat16),
                        (((1,), (1,)), ((), ())),
                        preferred_element_type=jnp.float32)
    o_ref[...] = 4.0 / (1.0 + jnp.exp(-s)) + 1.0


def _tc3b(a2, items):
    return pl.pallas_call(
        _tc3b_body,
        grid=(NUM_USERS // UBLK,),
        in_specs=[
            pl.BlockSpec((UBLK, H2), lambda i: (i, 0)),
            pl.BlockSpec((NUM_ITEMS, H2), lambda i: (0, 0)),
        ],
        out_specs=pl.BlockSpec((UBLK, NUM_ITEMS), lambda i: (i, 0)),
        out_shape=jax.ShapeDtypeStruct((NUM_USERS, NUM_ITEMS), jnp.float32),
    )(a2, items)


def kernel(user_ids, item_ids, edge_index, user_table, item_table, W1, b1, W2, b2):
    f32 = jnp.float32
    ue = jnp.take(user_table, user_ids, axis=0)
    ie = jnp.take(item_table, item_ids, axis=0)
    x = jnp.concatenate([ue, ie, jnp.zeros((NPAD - N, D), f32)], axis=0)

    src = edge_index[0].reshape(NTILES, EPT)
    dst = edge_index[1].reshape(NTILES, EPT)
    pad_rows = jnp.broadcast_to(
        (N + jnp.arange(EPAD, dtype=jnp.int32) % (NPAD - N))[None, :],
        (NTILES, EPAD))
    src32 = jnp.concatenate([src, pad_rows], axis=1).reshape(NTILES, NBLK, BLK)
    dst32 = jnp.concatenate([dst, pad_rows], axis=1).reshape(NTILES, NBLK, BLK)

    ones_rows = jnp.ones((BLK,), f32)
    zdeg = jnp.zeros((NPAD,), f32)
    degp = _deg(dst32, ones_rows, zdeg)
    deg = degp[0] + degp[1]
    dinv = lax.rsqrt(deg + 1.0)
    dinv_rep = jnp.broadcast_to(dinv[:, None], (NPAD, 128))

    zrow = jnp.zeros((NPAD, 128), f32)
    g1 = _tc1(x, W1, dinv_rep)
    p1 = _agg4(g1, src32, dst32, zrow)
    g2 = _tc2(p1, dinv_rep, W2, b1.reshape(1, H1))
    p2 = _agg2(g2, src32, dst32, zrow)
    a2 = _tc3a(p2, dinv_rep, b2.reshape(1, H2))
    items = lax.slice(a2, (NUM_USERS, 0), (N, H2))
    return _tc3b(a2, items)

# --- scband reference (transcript-rebuilt; emitter-appended) ---
"""Pipeline reference for scband-movie-recommendation-model-63376537420412 (READ-ONLY COPY).

The authoritative reference and input builder live on the scoring server;
editing this copy changes nothing except your own understanding.
"""

import jax, jax.numpy as jnp
import numpy as np

NUM_USERS = 2000
NUM_ITEMS = 8000
N_NODES = NUM_USERS + NUM_ITEMS
N_EDGES = 160000
EMB_DIM = 256
H1 = 512
H2 = 256


def gcn_conv(x, edge_index, W, b):
    n = x.shape[0]
    h = x @ W
    loop = jnp.arange(n, dtype=edge_index.dtype)
    src = jnp.concatenate([edge_index[0], loop])
    dst = jnp.concatenate([edge_index[1], loop])
    deg = jnp.zeros((n,), h.dtype).at[dst].add(1.0)
    dinv = jnp.where(deg > 0, deg ** -0.5, 0.0)
    norm = (dinv[src] * dinv[dst])[:, None]
    out = jnp.zeros_like(h).at[dst].add(h[src] * norm)
    return out + b


def setup_inputs(seed: int = 0):
    key = jax.random.key(seed)
    ks = jax.random.split(key, 8)
    user_ids = jnp.arange(NUM_USERS, dtype=jnp.int32)
    item_ids = jnp.arange(NUM_ITEMS, dtype=jnp.int32)
    edge_index = jax.random.randint(ks[0], (2, N_EDGES), 0, N_NODES, dtype=jnp.int32)
    user_table = jax.random.normal(ks[1], (NUM_USERS, EMB_DIM), dtype=jnp.float32)
    item_table = jax.random.normal(ks[2], (NUM_ITEMS, EMB_DIM), dtype=jnp.float32)
    W1 = jax.random.normal(ks[3], (EMB_DIM, H1), dtype=jnp.float32) * (1.0 / np.sqrt(EMB_DIM))
    b1 = jnp.zeros((H1,), dtype=jnp.float32)
    W2 = jax.random.normal(ks[4], (H1, H2), dtype=jnp.float32) * (1.0 / np.sqrt(H1))
    b2 = jnp.zeros((H2,), dtype=jnp.float32)
    return {"user_ids": user_ids, "item_ids": item_ids, "edge_index": edge_index,
            "user_table": user_table, "item_table": item_table,
            "W1": W1, "b1": b1, "W2": W2, "b2": b2}


def reference(user_ids, item_ids, edge_index, user_table, item_table, W1, b1, W2, b2):
    user_embeds = jnp.take(user_table, user_ids, axis=0)
    item_embeds = jnp.take(item_table, item_ids, axis=0)
    x = jnp.concatenate([user_embeds, item_embeds], axis=0)
    x = jax.nn.relu(gcn_conv(x, edge_index, W1, b1))
    # dropout is identity in eval mode
    x = jax.nn.relu(gcn_conv(x, edge_index, W2, b2))
    users = x[:NUM_USERS, :]
    items = x[NUM_USERS:, :]
    result = users @ items.T
    return 4.0 * jax.nn.sigmoid(result) + 1.0

if __name__ == "__main__":
    import jax
    _d = setup_inputs()
    print(jax.jit(kernel)(*tuple(_d.values())))

</pallas_src>

<mosaic_0001>
#map = affine_map<(d0, d1) -> (0, 0, 0)>
#map1 = affine_map<(d0, d1) -> (0, 0)>
#map2 = affine_map<(d0, d1) -> (0, 0, 0, 0)>
module attributes {stable_mosaic.version = 14 : i64} {
  func.func @_agg_body(%arg0: i32, %arg1: i32, %arg2: memref<4x10240x128xf32, #tpu.memory_space<hbm>>, %arg3: memref<32x40x128xi32, #tpu.memory_space<hbm>>, %arg4: memref<32x40x128xi32, #tpu.memory_space<hbm>>, %arg5: memref<10240x128xf32, #tpu.memory_space<hbm>>, %arg6: memref<4x2x10240x128xf32, #tpu.memory_space<hbm>>, %arg7: memref<40x128xi32, #tpu.memory_space<vmem>>, %arg8: memref<40x128xi32, #tpu.memory_space<vmem>>, %arg9: memref<128x128xf32, #tpu.memory_space<vmem>>, %arg10: memref<128x128xf32, #tpu.memory_space<vmem>>, %arg11: memref<10240x128xf32, #tpu.memory_space<vmem_shared>>, %arg12: memref<!tpu.dma_semaphore, #tpu.memory_space<semaphore_mem>>, %arg13: memref<!tpu.dma_semaphore, #tpu.memory_space<semaphore_mem>>) attributes {dimension_semantics = [#tpu.dimension_semantics<core_parallel>, #tpu.dimension_semantics<subcore_parallel>], iteration_bounds = array<i64: 2, 16>, scalar_prefetch = 0 : i64, scratch_operands = 7 : i64, tpu.core_type = #tpu.core_type<sc_vector_subcore>, window_params = [{transform_indices = #map}, {transform_indices = #map}, {transform_indices = #map}, {transform_indices = #map1}, {transform_indices = #map2}]} {
    %mul3A = arith.constant 16 : i32
    %mul3A_0 = arith.muli %arg0, %mul3A : i32
    %add3A = arith.addi %mul3A_0, %arg1 : i32
    %mul3A_1 = arith.constant 640 : i32
    %mul3A_2 = arith.muli %arg1, %mul3A_1 : i32
    "tpu.region"() ({
      %run_scoped3A_128 = tpu.sem_alloc : memref<!tpu.dma_semaphore, #tpu.memory_space<semaphore_mem>>
      %dma_start3A_129 = arith.constant 0 : i32
      %dma_start3A_130 = arith.constant 0 : i32
      %dma_start3A_131 = tpu.memref_slice %arg3[%add3A, %dma_start3A_129, %dma_start3A_130] : memref<32x40x128xi32, #tpu.memory_space<hbm>> -> memref<1x40x128xi32, #tpu.memory_space<hbm>>
      %dma_start3A_132 = tpu.memref_squeeze %dma_start3A_131 : memref<1x40x128xi32, #tpu.memory_space<hbm>> -> memref<40x128xi32, #tpu.memory_space<hbm>>
      %dma_start3A_133 = arith.constant 0 : i32
      %dma_start3A_134 = arith.constant 0 : i32
      %dma_start3A_135 = tpu.memref_slice %arg3[%add3A, %dma_start3A_133, %dma_start3A_134] : memref<32x40x128xi32, #tpu.memory_space<hbm>> -> memref<1x40x128xi32, #tpu.memory_space<hbm>>
      %dma_start3A_136 = tpu.memref_squeeze %dma_start3A_135 : memref<1x40x128xi32, #tpu.memory_space<hbm>> -> memref<40x128xi32, #tpu.memory_space<hbm>>
      tpu.enqueue_dma source(%dma_start3A_136 : memref<40x128xi32, #tpu.memory_space<hbm>>) target(%arg7 : memref<40x128xi32, #tpu.memory_space<vmem>>) target_semaphore(%run_scoped3A_128 : memref<!tpu.dma_semaphore, #tpu.memory_space<semaphore_mem>>)
      %dma_wait3A = arith.constant 0 : i32
      %dma_wait3A_137 = arith.constant 0 : i32
      %dma_wait3A_138 = tpu.memref_slice %arg3[%add3A, %dma_wait3A, %dma_wait3A_137] : memref<32x40x128xi32, #tpu.memory_space<hbm>> -> memref<1x40x128xi32, #tpu.memory_space<hbm>>
      %dma_wait3A_139 = tpu.memref_squeeze %dma_wait3A_138 : memref<1x40x128xi32, #tpu.memory_space<hbm>> -> memref<40x128xi32, #tpu.memory_space<hbm>>
      %dma_wait3A_140 = arith.constant 0 : i32
      %dma_wait3A_141 = arith.constant 0 : i32
      %dma_wait3A_142 = tpu.memref_slice %arg3[%add3A, %dma_wait3A_140, %dma_wait3A_141] : memref<32x40x128xi32, #tpu.memory_space<hbm>> -> memref<1x40x128xi32, #tpu.memory_space<hbm>>
      %dma_wait3A_143 = tpu.memref_squeeze %dma_wait3A_142 : memref<1x40x128xi32, #tpu.memory_space<hbm>> -> memref<40x128xi32, #tpu.memory_space<hbm>>
      tpu.wait_dma2 semaphore(%run_scoped3A_128 : memref<!tpu.dma_semaphore, #tpu.memory_space<semaphore_mem>>) src(%dma_wait3A_143 : memref<40x128xi32, #tpu.memory_space<hbm>>) dst(%arg7 : memref<40x128xi32, #tpu.memory_space<vmem>>)
      tpu.yield
    }) : () -> ()
    "tpu.region"() ({
      %run_scoped3A_128 = tpu.sem_alloc : memref<!tpu.dma_semaphore, #tpu.memory_space<semaphore_mem>>
      %dma_start3A_129 = arith.constant 0 : i32
      %dma_start3A_130 = arith.constant 0 : i32
      %dma_start3A_131 = tpu.memref_slice %arg4[%add3A, %dma_start3A_129, %dma_start3A_130] : memref<32x40x128xi32, #tpu.memory_space<hbm>> -> memref<1x40x128xi32, #tpu.memory_space<hbm>>
      %dma_start3A_132 = tpu.memref_squeeze %dma_start3A_131 : memref<1x40x128xi32, #tpu.memory_space<hbm>> -> memref<40x128xi32, #tpu.memory_space<hbm>>
      %dma_start3A_133 = arith.constant 0 : i32
      %dma_start3A_134 = arith.constant 0 : i32
      %dma_start3A_135 = tpu.memref_slice %arg4[%add3A, %dma_start3A_133, %dma_start3A_134] : memref<32x40x128xi32, #tpu.memory_space<hbm>> -> memref<1x40x128xi32, #tpu.memory_space<hbm>>
      %dma_start3A_136 = tpu.memref_squeeze %dma_start3A_135 : memref<1x40x128xi32, #tpu.memory_space<hbm>> -> memref<40x128xi32, #tpu.memory_space<hbm>>
      tpu.enqueue_dma source(%dma_start3A_136 : memref<40x128xi32, #tpu.memory_space<hbm>>) target(%arg8 : memref<40x128xi32, #tpu.memory_space<vmem>>) target_semaphore(%run_scoped3A_128 : memref<!tpu.dma_semaphore, #tpu.memory_space<semaphore_mem>>)
      %dma_wait3A = arith.constant 0 : i32
      %dma_wait3A_137 = arith.constant 0 : i32
      %dma_wait3A_138 = tpu.memref_slice %arg4[%add3A, %dma_wait3A, %dma_wait3A_137] : memref<32x40x128xi32, #tpu.memory_space<hbm>> -> memref<1x40x128xi32, #tpu.memory_space<hbm>>
      %dma_wait3A_139 = tpu.memref_squeeze %dma_wait3A_138 : memref<1x40x128xi32, #tpu.memory_space<hbm>> -> memref<40x128xi32, #tpu.memory_space<hbm>>
      %dma_wait3A_140 = arith.constant 0 : i32
      %dma_wait3A_141 = arith.constant 0 : i32
      %dma_wait3A_142 = tpu.memref_slice %arg4[%add3A, %dma_wait3A_140, %dma_wait3A_141] : memref<32x40x128xi32, #tpu.memory_space<hbm>> -> memref<1x40x128xi32, #tpu.memory_space<hbm>>
      %dma_wait3A_143 = tpu.memref_squeeze %dma_wait3A_142 : memref<1x40x128xi32, #tpu.memory_space<hbm>> -> memref<40x128xi32, #tpu.memory_space<hbm>>
      tpu.wait_dma2 semaphore(%run_scoped3A_128 : memref<!tpu.dma_semaphore, #tpu.memory_space<semaphore_mem>>) src(%dma_wait3A_143 : memref<40x128xi32, #tpu.memory_space<hbm>>) dst(%arg8 : memref<40x128xi32, #tpu.memory_space<vmem>>)
      tpu.yield
    }) : () -> ()
    %eq3A = arith.constant 0 : i32
    %eq3A_3 = arith.cmpi eq, %arg0, %eq3A : i32
    %convert_element_type3A = arith.extui %eq3A_3 : i1 to i32
    %cond3A = arith.constant 0 : i32
    %cond3A_4 = arith.constant 0 : i32
    %cond3A_5 = arith.cmpi ne, %convert_element_type3A, %cond3A_4 : i32
    scf.if %cond3A_5 {
      "tpu.region"() ({
        %run_scoped3A_128 = tpu.sem_alloc : memref<!tpu.dma_semaphore, #tpu.memory_space<semaphore_mem>>
        %dma_start3A_129 = arith.constant 0 : i32
        %dma_start3A_130 = tpu.memref_slice %arg11[%mul3A_2, %dma_start3A_129] : memref<10240x128xf32, #tpu.memory_space<vmem_shared>> -> memref<640x128xf32, #tpu.memory_space<vmem_shared>>
        %dma_start3A_131 = arith.constant 0 : i32
        %dma_start3A_132 = arith.constant 0 : i32
        %dma_start3A_133 = tpu.memref_slice %arg2[%cond3A, %dma_start3A_131, %dma_start3A_132] : memref<4x10240x128xf32, #tpu.memory_space<hbm>> -> memref<1x10240x128xf32, #tpu.memory_space<hbm>>
        %dma_start3A_134 = tpu.memref_squeeze %dma_start3A_133 : memref<1x10240x128xf32, #tpu.memory_space<hbm>> -> memref<10240x128xf32, #tpu.memory_space<hbm>>
        %dma_start3A_135 = arith.constant 0 : i32
        %dma_start3A_136 = tpu.memref_slice %dma_start3A_134[%mul3A_2, %dma_start3A_135] : memref<10240x128xf32, #tpu.memory_space<hbm>> -> memref<640x128xf32, #tpu.memory_space<hbm>>
        tpu.enqueue_dma source(%dma_start3A_136 : memref<640x128xf32, #tpu.memory_space<hbm>>) target(%dma_start3A_130 : memref<640x128xf32, #tpu.memory_space<vmem_shared>>) target_semaphore(%run_scoped3A_128 : memref<!tpu.dma_semaphore, #tpu.memory_space<semaphore_mem>>)
        %dma_wait3A = arith.constant 0 : i32
        %dma_wait3A_137 = tpu.memref_slice %arg11[%mul3A_2, %dma_wait3A] : memref<10240x128xf32, #tpu.memory_space<vmem_shared>> -> memref<640x128xf32, #tpu.memory_space<vmem_shared>>
        %dma_wait3A_138 = arith.constant 0 : i32
        %dma_wait3A_139 = arith.constant 0 : i32
        %dma_wait3A_140 = tpu.memref_slice %arg2[%cond3A, %dma_wait3A_138, %dma_wait3A_139] : memref<4x10240x128xf32, #tpu.memory_space<hbm>> -> memref<1x10240x128xf32, #tpu.memory_space<hbm>>
        %dma_wait3A_141 = tpu.memref_squeeze %dma_wait3A_140 : memref<1x10240x128xf32, #tpu.memory_space<hbm>> -> memref<10240x128xf32, #tpu.memory_space<hbm>>
        %dma_wait3A_142 = arith.constant 0 : i32
        %dma_wait3A_143 = tpu.memref_slice %dma_wait3A_141[%mul3A_2, %dma_wait3A_142] : memref<10240x128xf32, #tpu.memory_space<hbm>> -> memref<640x128xf32, #tpu.memory_space<hbm>>
        tpu.wait_dma2 semaphore(%run_scoped3A_128 : memref<!tpu.dma_semaphore, #tpu.memory_space<semaphore_mem>>) src(%dma_wait3A_143 : memref<640x128xf32, #tpu.memory_space<hbm>>) dst(%dma_wait3A_137 : memref<640x128xf32, #tpu.memory_space<vmem_shared>>)
        tpu.yield
      }) : () -> ()
    } else {
    }
    %eq3A_6 = arith.constant 1 : i32
    %eq3A_7 = arith.cmpi eq, %arg0, %eq3A_6 : i32
    %convert_element_type3A_8 = arith.extui %eq3A_7 : i1 to i32
    %cond3A_9 = arith.constant 0 : i32
    %cond3A_10 = arith.cmpi ne, %convert_element_type3A_8, %cond3A_9 : i32
    scf.if %cond3A_10 {
      "tpu.region"() ({
        %run_scoped3A_128 = tpu.sem_alloc : memref<!tpu.dma_semaphore, #tpu.memory_space<semaphore_mem>>
        %dma_start3A_129 = arith.constant 0 : i32
        %dma_start3A_130 = tpu.memref_slice %arg11[%mul3A_2, %dma_start3A_129] : memref<10240x128xf32, #tpu.memory_space<vmem_shared>> -> memref<640x128xf32, #tpu.memory_space<vmem_shared>>
        %dma_start3A_131 = arith.constant 0 : i32
        %dma_start3A_132 = tpu.memref_slice %arg5[%mul3A_2, %dma_start3A_131] : memref<10240x128xf32, #tpu.memory_space<hbm>> -> memref<640x128xf32, #tpu.memory_space<hbm>>
        tpu.enqueue_dma source(%dma_start3A_132 : memref<640x128xf32, #tpu.memory_space<hbm>>) target(%dma_start3A_130 : memref<640x128xf32, #tpu.memory_space<vmem_shared>>) target_semaphore(%run_scoped3A_128 : memref<!tpu.dma_semaphore, #tpu.memory_space<semaphore_mem>>)
        %dma_wait3A = arith.constant 0 : i32
        %dma_wait3A_133 = tpu.memref_slice %arg11[%mul3A_2, %dma_wait3A] : memref<10240x128xf32, #tpu.memory_space<vmem_shared>> -> memref<640x128xf32, #tpu.memory_space<vmem_shared>>
        %dma_wait3A_134 = arith.constant 0 : i32
        %dma_wait3A_135 = tpu.memref_slice %arg5[%mul3A_2, %dma_wait3A_134] : memref<10240x128xf32, #tpu.memory_space<hbm>> -> memref<640x128xf32, #tpu.memory_space<hbm>>
        tpu.wait_dma2 semaphore(%run_scoped3A_128 : memref<!tpu.dma_semaphore, #tpu.memory_space<semaphore_mem>>) src(%dma_wait3A_135 : memref<640x128xf32, #tpu.memory_space<hbm>>) dst(%dma_wait3A_133 : memref<640x128xf32, #tpu.memory_space<vmem_shared>>)
        tpu.yield
      }) : () -> ()
    } else {
    }
    %barrier3A = arith.constant 0 : index
    tpu.barrier barrier_id(%barrier3A)
    %dma_start3A = arith.constant 0 : i32
    %dma_start3A_11 = arith.constant 0 : i32
    %dma_start3A_12 = arith.constant 0 : i32
    %dma_start3A_13 = tpu.memref_slice %arg7[%dma_start3A_11, %dma_start3A_12] : memref<40x128xi32, #tpu.memory_space<vmem>> -> memref<1x128xi32, #tpu.memory_space<vmem>>
    %dma_start3A_14 = tpu.memref_squeeze %dma_start3A_13 : memref<1x128xi32, #tpu.memory_space<vmem>> -> memref<128xi32, #tpu.memory_space<vmem>>
    %dma_start3A_15 = arith.constant 0 : i32
    %dma_start3A_16 = arith.constant 0 : i32
    %dma_start3A_17 = tpu.memref_slice %arg2[%dma_start3A, %dma_start3A_15, %dma_start3A_16] : memref<4x10240x128xf32, #tpu.memory_space<hbm>> -> memref<1x10240x128xf32, #tpu.memory_space<hbm>>
    %dma_start3A_18 = tpu.memref_squeeze %dma_start3A_17 : memref<1x10240x128xf32, #tpu.memory_space<hbm>> -> memref<10240x128xf32, #tpu.memory_space<hbm>>
    %dma_start3A_19 = arith.constant 0 : i32
    %dma_start3A_20 = arith.constant 0 : i32
    %dma_start3A_21 = tpu.memref_slice %dma_start3A_18[%dma_start3A_19, %dma_start3A_20] : memref<10240x128xf32, #tpu.memory_space<hbm>> -> memref<10240x128xf32, #tpu.memory_space<hbm>>
    tpu.enqueue_indirect_dma source(%dma_start3A_21 : memref<10240x128xf32, #tpu.memory_space<hbm>>) target(%arg9 : memref<128x128xf32, #tpu.memory_space<vmem>>) offsets(%dma_start3A_14 : memref<128xi32, #tpu.memory_space<vmem>>) semaphore(%arg12 : memref<!tpu.dma_semaphore, #tpu.memory_space<semaphore_mem>>)
    %scan3A = arith.constant 0 : i32
    %scan3A_22 = arith.constant 0 : i32
    %scan3A_23 = arith.constant 0 : i32
    %scan3A_24 = arith.constant 20 : i32
    %scan3A_25 = arith.addi %scan3A_23, %scan3A_24 : i32
    %scan3A_26 = arith.constant 1 : i32
    scf.for %scan3A_128 = %scan3A_23 to %scan3A_25 step %scan3A_26  : i32 {
      %mul3A_129 = arith.constant 2 : i32
      %mul3A_130 = arith.muli %mul3A_129, %scan3A_128 : i32
      %add3A_131 = arith.constant 1 : i32
      %add3A_132 = arith.addi %mul3A_130, %add3A_131 : i32
      %dma_start3A_133 = arith.constant 0 : i32
      %dma_start3A_134 = tpu.memref_slice %arg7[%add3A_132, %dma_start3A_133] : memref<40x128xi32, #tpu.memory_space<vmem>> -> memref<1x128xi32, #tpu.memory_space<vmem>>
      %dma_start3A_135 = tpu.memref_squeeze %dma_start3A_134 : memref<1x128xi32, #tpu.memory_space<vmem>> -> memref<128xi32, #tpu.memory_space<vmem>>
      %dma_start3A_136 = arith.constant 0 : i32
      %dma_start3A_137 = arith.constant 0 : i32
      %dma_start3A_138 = tpu.memref_slice %arg2[%scan3A_22, %dma_start3A_136, %dma_start3A_137] : memref<4x10240x128xf32, #tpu.memory_space<hbm>> -> memref<1x10240x128xf32, #tpu.memory_space<hbm>>
      %dma_start3A_139 = tpu.memref_squeeze %dma_start3A_138 : memref<1x10240x128xf32, #tpu.memory_space<hbm>> -> memref<10240x128xf32, #tpu.memory_space<hbm>>
      %dma_start3A_140 = arith.constant 0 : i32
      %dma_start3A_141 = arith.constant 0 : i32
      %dma_start3A_142 = tpu.memref_slice %dma_start3A_139[%dma_start3A_140, %dma_start3A_141] : memref<10240x128xf32, #tpu.memory_space<hbm>> -> memref<10240x128xf32, #tpu.memory_space<hbm>>
      tpu.enqueue_indirect_dma source(%dma_start3A_142 : memref<10240x128xf32, #tpu.memory_space<hbm>>) target(%arg10 : memref<128x128xf32, #tpu.memory_space<vmem>>) offsets(%dma_start3A_135 : memref<128xi32, #tpu.memory_space<vmem>>) semaphore(%arg13 : memref<!tpu.dma_semaphore, #tpu.memory_space<semaphore_mem>>)
      %dma_wait3A = arith.constant 0 : i32
      %dma_wait3A_143 = tpu.memref_slice %arg7[%mul3A_130, %dma_wait3A] : memref<40x128xi32, #tpu.memory_space<vmem>> -> memref<1x128xi32, #tpu.memory_space<vmem>>
      %dma_wait3A_144 = tpu.memref_squeeze %dma_wait3A_143 : memref<1x128xi32, #tpu.memory_space<vmem>> -> memref<128xi32, #tpu.memory_space<vmem>>
      %dma_wait3A_145 = arith.constant 0 : i32
      %dma_wait3A_146 = arith.constant 0 : i32
      %dma_wait3A_147 = tpu.memref_slice %arg2[%scan3A_22, %dma_wait3A_145, %dma_wait3A_146] : memref<4x10240x128xf32, #tpu.memory_space<hbm>> -> memref<1x10240x128xf32, #tpu.memory_space<hbm>>
      %dma_wait3A_148 = tpu.memref_squeeze %dma_wait3A_147 : memref<1x10240x128xf32, #tpu.memory_space<hbm>> -> memref<10240x128xf32, #tpu.memory_space<hbm>>
      %dma_wait3A_149 = arith.constant 0 : i32
      %dma_wait3A_150 = arith.constant 0 : i32
      %dma_wait3A_151 = tpu.memref_slice %dma_wait3A_148[%dma_wait3A_149, %dma_wait3A_150] : memref<10240x128xf32, #tpu.memory_space<hbm>> -> memref<10240x128xf32, #tpu.memory_space<hbm>>
      tpu.wait_indirect_dma semaphore(%arg12 : memref<!tpu.dma_semaphore, #tpu.memory_space<semaphore_mem>>) src(%dma_wait3A_151 : memref<10240x128xf32, #tpu.memory_space<hbm>>) dst(%arg9 : memref<128x128xf32, #tpu.memory_space<vmem>>)
      "tpu.region"() ({
        %run_scoped3A_170 = tpu.sem_alloc : memref<!tpu.dma_semaphore, #tpu.memory_space<semaphore_mem>>
        %dma_start3A_171 = arith.constant 0 : i32
        %dma_start3A_172 = tpu.memref_slice %arg8[%mul3A_130, %dma_start3A_171] : memref<40x128xi32, #tpu.memory_space<vmem>> -> memref<1x128xi32, #tpu.memory_space<vmem>>
        %dma_start3A_173 = tpu.memref_squeeze %dma_start3A_172 : memref<1x128xi32, #tpu.memory_space<vmem>> -> memref<128xi32, #tpu.memory_space<vmem>>
        %dma_start3A_174 = arith.constant 0 : i32
        %dma_start3A_175 = arith.constant 0 : i32
        %dma_start3A_176 = tpu.memref_slice %arg11[%dma_start3A_174, %dma_start3A_175] : memref<10240x128xf32, #tpu.memory_space<vmem_shared>> -> memref<10240x128xf32, #tpu.memory_space<vmem_shared>>
        tpu.enqueue_indirect_dma source(%arg9 : memref<128x128xf32, #tpu.memory_space<vmem>>) target(%dma_start3A_176 : memref<10240x128xf32, #tpu.memory_space<vmem_shared>>) offsets(%dma_start3A_173 : memref<128xi32, #tpu.memory_space<vmem>>) semaphore(%run_scoped3A_170 : memref<!tpu.dma_semaphore, #tpu.memory_space<semaphore_mem>>) {add = true}
        %dma_wait3A_177 = arith.constant 0 : i32
        %dma_wait3A_178 = tpu.memref_slice %arg8[%mul3A_130, %dma_wait3A_177] : memref<40x128xi32, #tpu.memory_space<vmem>> -> memref<1x128xi32, #tpu.memory_space<vmem>>
        %dma_wait3A_179 = tpu.memref_squeeze %dma_wait3A_178 : memref<1x128xi32, #tpu.memory_space<vmem>> -> memref<128xi32, #tpu.memory_space<vmem>>
        %dma_wait3A_180 = arith.constant 0 : i32
        %dma_wait3A_181 = arith.constant 0 : i32
        %dma_wait3A_182 = tpu.memref_slice %arg11[%dma_wait3A_180, %dma_wait3A_181] : memref<10240x128xf32, #tpu.memory_space<vmem_shared>> -> memref<10240x128xf32, #tpu.memory_space<vmem_shared>>
        tpu.wait_indirect_dma semaphore(%run_scoped3A_170 : memref<!tpu.dma_semaphore, #tpu.memory_space<semaphore_mem>>) src(%arg9 : memref<128x128xf32, #tpu.memory_space<vmem>>) dst(%dma_wait3A_182 : memref<10240x128xf32, #tpu.memory_space<vmem_shared>>)
        tpu.yield
      }) : () -> ()
      %lt3A = arith.constant 19 : i32
      %lt3A_152 = arith.cmpi slt, %scan3A_128, %lt3A : i32
      %convert_element_type3A_153 = arith.extui %lt3A_152 : i1 to i32
      %cond3A_154 = arith.constant 0 : i32
      %cond3A_155 = arith.cmpi ne, %convert_element_type3A_153, %cond3A_154 : i32
      scf.if %cond3A_155 {
        %add3A_170 = arith.constant 2 : i32
        %add3A_171 = arith.addi %mul3A_130, %add3A_170 : i32
        %dma_start3A_172 = arith.constant 0 : i32
        %dma_start3A_173 = tpu.memref_slice %arg7[%add3A_171, %dma_start3A_172] : memref<40x128xi32, #tpu.memory_space<vmem>> -> memref<1x128xi32, #tpu.memory_space<vmem>>
        %dma_start3A_174 = tpu.memref_squeeze %dma_start3A_173 : memref<1x128xi32, #tpu.memory_space<vmem>> -> memref<128xi32, #tpu.memory_space<vmem>>
        %dma_start3A_175 = arith.constant 0 : i32
        %dma_start3A_176 = arith.constant 0 : i32
        %dma_start3A_177 = tpu.memref_slice %arg2[%scan3A_22, %dma_start3A_175, %dma_start3A_176] : memref<4x10240x128xf32, #tpu.memory_space<hbm>> -> memref<1x10240x128xf32, #tpu.memory_space<hbm>>
        %dma_start3A_178 = tpu.memref_squeeze %dma_start3A_177 : memref<1x10240x128xf32, #tpu.memory_space<hbm>> -> memref<10240x128xf32, #tpu.memory_space<hbm>>
        %dma_start3A_179 = arith.constant 0 : i32
        %dma_start3A_180 = arith.constant 0 : i32
        %dma_start3A_181 = tpu.memref_slice %dma_start3A_178[%dma_start3A_179, %dma_start3A_180] : memref<10240x128xf32, #tpu.memory_space<hbm>> -> memref<10240x128xf32, #tpu.memory_space<hbm>>
        tpu.enqueue_indirect_dma source(%dma_start3A_181 : memref<10240x128xf32, #tpu.memory_space<hbm>>) target(%arg9 : memref<128x128xf32, #tpu.memory_space<vmem>>) offsets(%dma_start3A_174 : memref<128xi32, #tpu.memory_space<vmem>>) semaphore(%arg12 : memref<!tpu.dma_semaphore, #tpu.memory_space<semaphore_mem>>)
      } else {
      }
      %add3A_156 = arith.constant 1 : i32
      %add3A_157 = arith.addi %mul3A_130, %add3A_156 : i32
      %dma_wait3A_158 = arith.constant 0 : i32
      %dma_wait3A_159 = tpu.memref_slice %arg7[%add3A_157, %dma_wait3A_158] : memref<40x128xi32, #tpu.memory_space<vmem>> -> memref<1x128xi32, #tpu.memory_space<vmem>>
      %dma_wait3A_160 = tpu.memref_squeeze %dma_wait3A_159 : memref<1x128xi32, #tpu.memory_space<vmem>> -> memref<128xi32, #tpu.memory_space<vmem>>
      %dma_wait3A_161 = arith.constant 0 : i32
      %dma_wait3A_162 = arith.constant 0 : i32
      %dma_wait3A_163 = tpu.memref_slice %arg2[%scan3A_22, %dma_wait3A_161, %dma_wait3A_162] : memref<4x10240x128xf32, #tpu.memory_space<hbm>> -> memref<1x10240x128xf32, #tpu.memory_space<hbm>>
      %dma_wait3A_164 = tpu.memref_squeeze %dma_wait3A_163 : memref<1x10240x128xf32, #tpu.memory_space<hbm>> -> memref<10240x128xf32, #tpu.memory_space<hbm>>
      %dma_wait3A_165 = arith.constant 0 : i32
      %dma_wait3A_166 = arith.constant 0 : i32
      %dma_wait3A_167 = tpu.memref_slice %dma_wait3A_164[%dma_wait3A_165, %dma_wait3A_166] : memref<10240x128xf32, #tpu.memory_space<hbm>> -> memref<10240x128xf32, #tpu.memory_space<hbm>>
      tpu.wait_indirect_dma semaphore(%arg13 : memref<!tpu.dma_semaphore, #tpu.memory_space<semaphore_mem>>) src(%dma_wait3A_167 : memref<10240x128xf32, #tpu.memory_space<hbm>>) dst(%arg10 : memref<128x128xf32, #tpu.memory_space<vmem>>)
      %add3A_168 = arith.constant 1 : i32
      %add3A_169 = arith.addi %mul3A_130, %add3A_168 : i32
      "tpu.region"() ({
        %run_scoped3A_170 = tpu.sem_alloc : memref<!tpu.dma_semaphore, #tpu.memory_space<semaphore_mem>>
        %dma_start3A_171 = arith.constant 0 : i32
        %dma_start3A_172 = tpu.memref_slice %arg8[%add3A_169, %dma_start3A_171] : memref<40x128xi32, #tpu.memory_space<vmem>> -> memref<1x128xi32, #tpu.memory_space<vmem>>
        %dma_start3A_173 = tpu.memref_squeeze %dma_start3A_172 : memref<1x128xi32, #tpu.memory_space<vmem>> -> memref<128xi32, #tpu.memory_space<vmem>>
        %dma_start3A_174 = arith.constant 0 : i32
        %dma_start3A_175 = arith.constant 0 : i32
        %dma_start3A_176 = tpu.memref_slice %arg11[%dma_start3A_174, %dma_start3A_175] : memref<10240x128xf32, #tpu.memory_space<vmem_shared>> -> memref<10240x128xf32, #tpu.memory_space<vmem_shared>>
        tpu.enqueue_indirect_dma source(%arg10 : memref<128x128xf32, #tpu.memory_space<vmem>>) target(%dma_start3A_176 : memref<10240x128xf32, #tpu.memory_space<vmem_shared>>) offsets(%dma_start3A_173 : memref<128xi32, #tpu.memory_space<vmem>>) semaphore(%run_scoped3A_170 : memref<!tpu.dma_semaphore, #tpu.memory_space<semaphore_mem>>) {add = true}
        %dma_wait3A_177 = arith.constant 0 : i32
        %dma_wait3A_178 = tpu.memref_slice %arg8[%add3A_169, %dma_wait3A_177] : memref<40x128xi32, #tpu.memory_space<vmem>> -> memref<1x128xi32, #tpu.memory_space<vmem>>
        %dma_wait3A_179 = tpu.memref_squeeze %dma_wait3A_178 : memref<1x128xi32, #tpu.memory_space<vmem>> -> memref<128xi32, #tpu.memory_space<vmem>>
        %dma_wait3A_180 = arith.constant 0 : i32
        %dma_wait3A_181 = arith.constant 0 : i32
        %dma_wait3A_182 = tpu.memref_slice %arg11[%dma_wait3A_180, %dma_wait3A_181] : memref<10240x128xf32, #tpu.memory_space<vmem_shared>> -> memref<10240x128xf32, #tpu.memory_space<vmem_shared>>
        tpu.wait_indirect_dma semaphore(%run_scoped3A_170 : memref<!tpu.dma_semaphore, #tpu.memory_space<semaphore_mem>>) src(%arg10 : memref<128x128xf32, #tpu.memory_space<vmem>>) dst(%dma_wait3A_182 : memref<10240x128xf32, #tpu.memory_space<vmem_shared>>)
        tpu.yield
      }) : () -> ()
    }
    %scan3A_27 = arith.constant 20 : i32
    %barrier3A_28 = arith.constant 0 : index
    tpu.barrier barrier_id(%barrier3A_28)
    %run_scoped3A = arith.constant 0 : i32
    "tpu.region"() ({
      %run_scoped3A_128 = tpu.sem_alloc : memref<!tpu.dma_semaphore, #tpu.memory_space<semaphore_mem>>
      %dma_start3A_129 = arith.constant 0 : i32
      %dma_start3A_130 = tpu.memref_slice %arg6[%run_scoped3A, %arg0, %mul3A_2, %dma_start3A_129] : memref<4x2x10240x128xf32, #tpu.memory_space<hbm>> -> memref<1x1x640x128xf32, #tpu.memory_space<hbm>>
      %dma_start3A_131 = tpu.memref_squeeze %dma_start3A_130 : memref<1x1x640x128xf32, #tpu.memory_space<hbm>> -> memref<640x128xf32, #tpu.memory_space<hbm>>
      %dma_start3A_132 = arith.constant 0 : i32
      %dma_start3A_133 = tpu.memref_slice %arg11[%mul3A_2, %dma_start3A_132] : memref<10240x128xf32, #tpu.memory_space<vmem_shared>> -> memref<640x128xf32, #tpu.memory_space<vmem_shared>>
      tpu.enqueue_dma source(%dma_start3A_133 : memref<640x128xf32, #tpu.memory_space<vmem_shared>>) target(%dma_start3A_131 : memref<640x128xf32, #tpu.memory_space<hbm>>) target_semaphore(%run_scoped3A_128 : memref<!tpu.dma_semaphore, #tpu.memory_space<semaphore_mem>>)
      %dma_wait3A = arith.constant 0 : i32
      %dma_wait3A_134 = tpu.memref_slice %arg6[%run_scoped3A, %arg0, %mul3A_2, %dma_wait3A] : memref<4x2x10240x128xf32, #tpu.memory_space<hbm>> -> memref<1x1x640x128xf32, #tpu.memory_space<hbm>>
      %dma_wait3A_135 = tpu.memref_squeeze %dma_wait3A_134 : memref<1x1x640x128xf32, #tpu.memory_space<hbm>> -> memref<640x128xf32, #tpu.memory_space<hbm>>
      %dma_wait3A_136 = arith.constant 0 : i32
      %dma_wait3A_137 = tpu.memref_slice %arg11[%mul3A_2, %dma_wait3A_136] : memref<10240x128xf32, #tpu.memory_space<vmem_shared>> -> memref<640x128xf32, #tpu.memory_space<vmem_shared>>
      tpu.wait_dma2 semaphore(%run_scoped3A_128 : memref<!tpu.dma_semaphore, #tpu.memory_space<semaphore_mem>>) src(%dma_wait3A_137 : memref<640x128xf32, #tpu.memory_space<vmem_shared>>) dst(%dma_wait3A_135 : memref<640x128xf32, #tpu.memory_space<hbm>>)
      tpu.yield
    }) : () -> ()
    %eq3A_29 = arith.constant 0 : i32
    %eq3A_30 = arith.cmpi eq, %arg0, %eq3A_29 : i32
    %convert_element_type3A_31 = arith.extui %eq3A_30 : i1 to i32
    %cond3A_32 = arith.constant 1 : i32
    %cond3A_33 = arith.constant 0 : i32
    %cond3A_34 = arith.cmpi ne, %convert_element_type3A_31, %cond3A_33 : i32
    scf.if %cond3A_34 {
      "tpu.region"() ({
        %run_scoped3A_128 = tpu.sem_alloc : memref<!tpu.dma_semaphore, #tpu.memory_space<semaphore_mem>>
        %dma_start3A_129 = arith.constant 0 : i32
        %dma_start3A_130 = tpu.memref_slice %arg11[%mul3A_2, %dma_start3A_129] : memref<10240x128xf32, #tpu.memory_space<vmem_shared>> -> memref<640x128xf32, #tpu.memory_space<vmem_shared>>
        %dma_start3A_131 = arith.constant 0 : i32
        %dma_start3A_132 = arith.constant 0 : i32
        %dma_start3A_133 = tpu.memref_slice %arg2[%cond3A_32, %dma_start3A_131, %dma_start3A_132] : memref<4x10240x128xf32, #tpu.memory_space<hbm>> -> memref<1x10240x128xf32, #tpu.memory_space<hbm>>
        %dma_start3A_134 = tpu.memref_squeeze %dma_start3A_133 : memref<1x10240x128xf32, #tpu.memory_space<hbm>> -> memref<10240x128xf32, #tpu.memory_space<hbm>>
        %dma_start3A_135 = arith.constant 0 : i32
        %dma_start3A_136 = tpu.memref_slice %dma_start3A_134[%mul3A_2, %dma_start3A_135] : memref<10240x128xf32, #tpu.memory_space<hbm>> -> memref<640x128xf32, #tpu.memory_space<hbm>>
        tpu.enqueue_dma source(%dma_start3A_136 : memref<640x128xf32, #tpu.memory_space<hbm>>) target(%dma_start3A_130 : memref<640x128xf32, #tpu.memory_space<vmem_shared>>) target_semaphore(%run_scoped3A_128 : memref<!tpu.dma_semaphore, #tpu.memory_space<semaphore_mem>>)
        %dma_wait3A = arith.constant 0 : i32
        %dma_wait3A_137 = tpu.memref_slice %arg11[%mul3A_2, %dma_wait3A] : memref<10240x128xf32, #tpu.memory_space<vmem_shared>> -> memref<640x128xf32, #tpu.memory_space<vmem_shared>>
        %dma_wait3A_138 = arith.constant 0 : i32
        %dma_wait3A_139 = arith.constant 0 : i32
        %dma_wait3A_140 = tpu.memref_slice %arg2[%cond3A_32, %dma_wait3A_138, %dma_wait3A_139] : memref<4x10240x128xf32, #tpu.memory_space<hbm>> -> memref<1x10240x128xf32, #tpu.memory_space<hbm>>
        %dma_wait3A_141 = tpu.memref_squeeze %dma_wait3A_140 : memref<1x10240x128xf32, #tpu.memory_space<hbm>> -> memref<10240x128xf32, #tpu.memory_space<hbm>>
        %dma_wait3A_142 = arith.constant 0 : i32
        %dma_wait3A_143 = tpu.memref_slice %dma_wait3A_141[%mul3A_2, %dma_wait3A_142] : memref<10240x128xf32, #tpu.memory_space<hbm>> -> memref<640x128xf32, #tpu.memory_space<hbm>>
        tpu.wait_dma2 semaphore(%run_scoped3A_128 : memref<!tpu.dma_semaphore, #tpu.memory_space<semaphore_mem>>) src(%dma_wait3A_143 : memref<640x128xf32, #tpu.memory_space<hbm>>) dst(%dma_wait3A_137 : memref<640x128xf32, #tpu.memory_space<vmem_shared>>)
        tpu.yield
      }) : () -> ()
    } else {
    }
    %eq3A_35 = arith.constant 1 : i32
    %eq3A_36 = arith.cmpi eq, %arg0, %eq3A_35 : i32
    %convert_element_type3A_37 = arith.extui %eq3A_36 : i1 to i32
    %cond3A_38 = arith.constant 0 : i32
    %cond3A_39 = arith.cmpi ne, %convert_element_type3A_37, %cond3A_38 : i32
    scf.if %cond3A_39 {
      "tpu.region"() ({
        %run_scoped3A_128 = tpu.sem_alloc : memref<!tpu.dma_semaphore, #tpu.memory_space<semaphore_mem>>
        %dma_start3A_129 = arith.constant 0 : i32
        %dma_start3A_130 = tpu.memref_slice %arg11[%mul3A_2, %dma_start3A_129] : memref<10240x128xf32, #tpu.memory_space<vmem_shared>> -> memref<640x128xf32, #tpu.memory_space<vmem_shared>>
        %dma_start3A_131 = arith.constant 0 : i32
        %dma_start3A_132 = tpu.memref_slice %arg5[%mul3A_2, %dma_start3A_131] : memref<10240x128xf32, #tpu.memory_space<hbm>> -> memref<640x128xf32, #tpu.memory_space<hbm>>
        tpu.enqueue_dma source(%dma_start3A_132 : memref<640x128xf32, #tpu.memory_space<hbm>>) target(%dma_start3A_130 : memref<640x128xf32, #tpu.memory_space<vmem_shared>>) target_semaphore(%run_scoped3A_128 : memref<!tpu.dma_semaphore, #tpu.memory_space<semaphore_mem>>)
        %dma_wait3A = arith.constant 0 : i32
        %dma_wait3A_133 = tpu.memref_slice %arg11[%mul3A_2, %dma_wait3A] : memref<10240x128xf32, #tpu.memory_space<vmem_shared>> -> memref<640x128xf32, #tpu.memory_space<vmem_shared>>
        %dma_wait3A_134 = arith.constant 0 : i32
        %dma_wait3A_135 = tpu.memref_slice %arg5[%mul3A_2, %dma_wait3A_134] : memref<10240x128xf32, #tpu.memory_space<hbm>> -> memref<640x128xf32, #tpu.memory_space<hbm>>
        tpu.wait_dma2 semaphore(%run_scoped3A_128 : memref<!tpu.dma_semaphore, #tpu.memory_space<semaphore_mem>>) src(%dma_wait3A_135 : memref<640x128xf32, #tpu.memory_space<hbm>>) dst(%dma_wait3A_133 : memref<640x128xf32, #tpu.memory_space<vmem_shared>>)
        tpu.yield
      }) : () -> ()
    } else {
    }
    %barrier3A_40 = arith.constant 0 : index
    tpu.barrier barrier_id(%barrier3A_40)
    %dma_start3A_41 = arith.constant 1 : i32
    %dma_start3A_42 = arith.constant 0 : i32
    %dma_start3A_43 = arith.constant 0 : i32
    %dma_start3A_44 = tpu.memref_slice %arg7[%dma_start3A_42, %dma_start3A_43] : memref<40x128xi32, #tpu.memory_space<vmem>> -> memref<1x128xi32, #tpu.memory_space<vmem>>
    %dma_start3A_45 = tpu.memref_squeeze %dma_start3A_44 : memref<1x128xi32, #tpu.memory_space<vmem>> -> memref<128xi32, #tpu.memory_space<vmem>>
    %dma_start3A_46 = arith.constant 0 : i32
    %dma_start3A_47 = arith.constant 0 : i32
    %dma_start3A_48 = tpu.memref_slice %arg2[%dma_start3A_41, %dma_start3A_46, %dma_start3A_47] : memref<4x10240x128xf32, #tpu.memory_space<hbm>> -> memref<1x10240x128xf32, #tpu.memory_space<hbm>>
    %dma_start3A_49 = tpu.memref_squeeze %dma_start3A_48 : memref<1x10240x128xf32, #tpu.memory_space<hbm>> -> memref<10240x128xf32, #tpu.memory_space<hbm>>
    %dma_start3A_50 = arith.constant 0 : i32
    %dma_start3A_51 = arith.constant 0 : i32
    %dma_start3A_52 = tpu.memref_slice %dma_start3A_49[%dma_start3A_50, %dma_start3A_51] : memref<10240x128xf32, #tpu.memory_space<hbm>> -> memref<10240x128xf32, #tpu.memory_space<hbm>>
    tpu.enqueue_indirect_dma source(%dma_start3A_52 : memref<10240x128xf32, #tpu.memory_space<hbm>>) target(%arg9 : memref<128x128xf32, #tpu.memory_space<vmem>>) offsets(%dma_start3A_45 : memref<128xi32, #tpu.memory_space<vmem>>) semaphore(%arg12 : memref<!tpu.dma_semaphore, #tpu.memory_space<semaphore_mem>>)
    %scan3A_53 = arith.constant 0 : i32
    %scan3A_54 = arith.constant 1 : i32
    %scan3A_55 = arith.constant 0 : i32
    %scan3A_56 = arith.constant 20 : i32
    %scan3A_57 = arith.addi %scan3A_55, %scan3A_56 : i32
    %scan3A_58 = arith.constant 1 : i32
    scf.for %scan3A_128 = %scan3A_55 to %scan3A_57 step %scan3A_58  : i32 {
      %mul3A_129 = arith.constant 2 : i32
      %mul3A_130 = arith.muli %mul3A_129, %scan3A_128 : i32
      %add3A_131 = arith.constant 1 : i32
      %add3A_132 = arith.addi %mul3A_130, %add3A_131 : i32
      %dma_start3A_133 = arith.constant 0 : i32
      %dma_start3A_134 = tpu.memref_slice %arg7[%add3A_132, %dma_start3A_133] : memref<40x128xi32, #tpu.memory_space<vmem>> -> memref<1x128xi32, #tpu.memory_space<vmem>>
      %dma_start3A_135 = tpu.memref_squeeze %dma_start3A_134 : memref<1x128xi32, #tpu.memory_space<vmem>> -> memref<128xi32, #tpu.memory_space<vmem>>
      %dma_start3A_136 = arith.constant 0 : i32
      %dma_start3A_137 = arith.constant 0 : i32
      %dma_start3A_138 = tpu.memref_slice %arg2[%scan3A_54, %dma_start3A_136, %dma_start3A_137] : memref<4x10240x128xf32, #tpu.memory_space<hbm>> -> memref<1x10240x128xf32, #tpu.memory_space<hbm>>
      %dma_start3A_139 = tpu.memref_squeeze %dma_start3A_138 : memref<1x10240x128xf32, #tpu.memory_space<hbm>> -> memref<10240x128xf32, #tpu.memory_space<hbm>>
      %dma_start3A_140 = arith.constant 0 : i32
      %dma_start3A_141 = arith.constant 0 : i32
      %dma_start3A_142 = tpu.memref_slice %dma_start3A_139[%dma_start3A_140, %dma_start3A_141] : memref<10240x128xf32, #tpu.memory_space<hbm>> -> memref<10240x128xf32, #tpu.memory_space<hbm>>
      tpu.enqueue_indirect_dma source(%dma_start3A_142 : memref<10240x128xf32, #tpu.memory_space<hbm>>) target(%arg10 : memref<128x128xf32, #tpu.memory_space<vmem>>) offsets(%dma_start3A_135 : memref<128xi32, #tpu.memory_space<vmem>>) semaphore(%arg13 : memref<!tpu.dma_semaphore, #tpu.memory_space<semaphore_mem>>)
      %dma_wait3A = arith.constant 0 : i32
      %dma_wait3A_143 = tpu.memref_slice %arg7[%mul3A_130, %dma_wait3A] : memref<40x128xi32, #tpu.memory_space<vmem>> -> memref<1x128xi32, #tpu.memory_space<vmem>>
      %dma_wait3A_144 = tpu.memref_squeeze %dma_wait3A_143 : memref<1x128xi32, #tpu.memory_space<vmem>> -> memref<128xi32, #tpu.memory_space<vmem>>
      %dma_wait3A_145 = arith.constant 0 : i32
      %dma_wait3A_146 = arith.constant 0 : i32
      %dma_wait3A_147 = tpu.memref_slice %arg2[%scan3A_54, %dma_wait3A_145, %dma_wait3A_146] : memref<4x10240x128xf32, #tpu.memory_space<hbm>> -> memref<1x10240x128xf32, #tpu.memory_space<hbm>>
      %dma_wait3A_148 = tpu.memref_squeeze %dma_wait3A_147 : memref<1x10240x128xf32, #tpu.memory_space<hbm>> -> memref<10240x128xf32, #tpu.memory_space<hbm>>
      %dma_wait3A_149 = arith.constant 0 : i32
      %dma_wait3A_150 = arith.constant 0 : i32
      %dma_wait3A_151 = tpu.memref_slice %dma_wait3A_148[%dma_wait3A_149, %dma_wait3A_150] : memref<10240x128xf32, #tpu.memory_space<hbm>> -> memref<10240x128xf32, #tpu.memory_space<hbm>>
      tpu.wait_indirect_dma semaphore(%arg12 : memref<!tpu.dma_semaphore, #tpu.memory_space<semaphore_mem>>) src(%dma_wait3A_151 : memref<10240x128xf32, #tpu.memory_space<hbm>>) dst(%arg9 : memref<128x128xf32, #tpu.memory_space<vmem>>)
      "tpu.region"() ({
        %run_scoped3A_170 = tpu.sem_alloc : memref<!tpu.dma_semaphore, #tpu.memory_space<semaphore_mem>>
        %dma_start3A_171 = arith.constant 0 : i32
        %dma_start3A_172 = tpu.memref_slice %arg8[%mul3A_130, %dma_start3A_171] : memref<40x128xi32, #tpu.memory_space<vmem>> -> memref<1x128xi32, #tpu.memory_space<vmem>>
        %dma_start3A_173 = tpu.memref_squeeze %dma_start3A_172 : memref<1x128xi32, #tpu.memory_space<vmem>> -> memref<128xi32, #tpu.memory_space<vmem>>
        %dma_start3A_174 = arith.constant 0 : i32
        %dma_start3A_175 = arith.constant 0 : i32
        %dma_start3A_176 = tpu.memref_slice %arg11[%dma_start3A_174, %dma_start3A_175] : memref<10240x128xf32, #tpu.memory_space<vmem_shared>> -> memref<10240x128xf32, #tpu.memory_space<vmem_shared>>
        tpu.enqueue_indirect_dma source(%arg9 : memref<128x128xf32, #tpu.memory_space<vmem>>) target(%dma_start3A_176 : memref<10240x128xf32, #tpu.memory_space<vmem_shared>>) offsets(%dma_start3A_173 : memref<128xi32, #tpu.memory_space<vmem>>) semaphore(%run_scoped3A_170 : memref<!tpu.dma_semaphore, #tpu.memory_space<semaphore_mem>>) {add = true}
        %dma_wait3A_177 = arith.constant 0 : i32
        %dma_wait3A_178 = tpu.memref_slice %arg8[%mul3A_130, %dma_wait3A_177] : memref<40x128xi32, #tpu.memory_space<vmem>> -> memref<1x128xi32, #tpu.memory_space<vmem>>
        %dma_wait3A_179 = tpu.memref_squeeze %dma_wait3A_178 : memref<1x128xi32, #tpu.memory_space<vmem>> -> memref<128xi32, #tpu.memory_space<vmem>>
        %dma_wait3A_180 = arith.constant 0 : i32
        %dma_wait3A_181 = arith.constant 0 : i32
        %dma_wait3A_182 = tpu.memref_slice %arg11[%dma_wait3A_180, %dma_wait3A_181] : memref<10240x128xf32, #tpu.memory_space<vmem_shared>> -> memref<10240x128xf32, #tpu.memory_space<vmem_shared>>
        tpu.wait_indirect_dma semaphore(%run_scoped3A_170 : memref<!tpu.dma_semaphore, #tpu.memory_space<semaphore_mem>>) src(%arg9 : memref<128x128xf32, #tpu.memory_space<vmem>>) dst(%dma_wait3A_182 : memref<10240x128xf32, #tpu.memory_space<vmem_shared>>)
        tpu.yield
      }) : () -> ()
      %lt3A = arith.constant 19 : i32
      %lt3A_152 = arith.cmpi slt, %scan3A_128, %lt3A : i32
      %convert_element_type3A_153 = arith.extui %lt3A_152 : i1 to i32
      %cond3A_154 = arith.constant 0 : i32
      %cond3A_155 = arith.cmpi ne, %convert_element_type3A_153, %cond3A_154 : i32
      scf.if %cond3A_155 {
        %add3A_170 = arith.constant 2 : i32
        %add3A_171 = arith.addi %mul3A_130, %add3A_170 : i32
        %dma_start3A_172 = arith.constant 0 : i32
        %dma_start3A_173 = tpu.memref_slice %arg7[%add3A_171, %dma_start3A_172] : memref<40x128xi32, #tpu.memory_space<vmem>> -> memref<1x128xi32, #tpu.memory_space<vmem>>
        %dma_start3A_174 = tpu.memref_squeeze %dma_start3A_173 : memref<1x128xi32, #tpu.memory_space<vmem>> -> memref<128xi32, #tpu.memory_space<vmem>>
        %dma_start3A_175 = arith.constant 0 : i32
        %dma_start3A_176 = arith.constant 0 : i32
        %dma_start3A_177 = tpu.memref_slice %arg2[%scan3A_54, %dma_start3A_175, %dma_start3A_176] : memref<4x10240x128xf32, #tpu.memory_space<hbm>> -> memref<1x10240x128xf32, #tpu.memory_space<hbm>>
        %dma_start3A_178 = tpu.memref_squeeze %dma_start3A_177 : memref<1x10240x128xf32, #tpu.memory_space<hbm>> -> memref<10240x128xf32, #tpu.memory_space<hbm>>
        %dma_start3A_179 = arith.constant 0 : i32
        %dma_start3A_180 = arith.constant 0 : i32
        %dma_start3A_181 = tpu.memref_slice %dma_start3A_178[%dma_start3A_179, %dma_start3A_180] : memref<10240x128xf32, #tpu.memory_space<hbm>> -> memref<10240x128xf32, #tpu.memory_space<hbm>>
        tpu.enqueue_indirect_dma source(%dma_start3A_181 : memref<10240x128xf32, #tpu.memory_space<hbm>>) target(%arg9 : memref<128x128xf32, #tpu.memory_space<vmem>>) offsets(%dma_start3A_174 : memref<128xi32, #tpu.memory_space<vmem>>) semaphore(%arg12 : memref<!tpu.dma_semaphore, #tpu.memory_space<semaphore_mem>>)
      } else {
      }
      %add3A_156 = arith.constant 1 : i32
      %add3A_157 = arith.addi %mul3A_130, %add3A_156 : i32
      %dma_wait3A_158 = arith.constant 0 : i32
      %dma_wait3A_159 = tpu.memref_slice %arg7[%add3A_157, %dma_wait3A_158] : memref<40x128xi32, #tpu.memory_space<vmem>> -> memref<1x128xi32, #tpu.memory_space<vmem>>
      %dma_wait3A_160 = tpu.memref_squeeze %dma_wait3A_159 : memref<1x128xi32, #tpu.memory_space<vmem>> -> memref<128xi32, #tpu.memory_space<vmem>>
      %dma_wait3A_161 = arith.constant 0 : i32
      %dma_wait3A_162 = arith.constant 0 : i32
      %dma_wait3A_163 = tpu.memref_slice %arg2[%scan3A_54, %dma_wait3A_161, %dma_wait3A_162] : memref<4x10240x128xf32, #tpu.memory_space<hbm>> -> memref<1x10240x128xf32, #tpu.memory_space<hbm>>
      %dma_wait3A_164 = tpu.memref_squeeze %dma_wait3A_163 : memref<1x10240x128xf32, #tpu.memory_space<hbm>> -> memref<10240x128xf32, #tpu.memory_space<hbm>>
      %dma_wait3A_165 = arith.constant 0 : i32
      %dma_wait3A_166 = arith.constant 0 : i32
      %dma_wait3A_167 = tpu.memref_slice %dma_wait3A_164[%dma_wait3A_165, %dma_wait3A_166] : memref<10240x128xf32, #tpu.memory_space<hbm>> -> memref<10240x128xf32, #tpu.memory_space<hbm>>
      tpu.wait_indirect_dma semaphore(%arg13 : memref<!tpu.dma_semaphore, #tpu.memory_space<semaphore_mem>>) src(%dma_wait3A_167 : memref<10240x128xf32, #tpu.memory_space<hbm>>) dst(%arg10 : memref<128x128xf32, #tpu.memory_space<vmem>>)
      %add3A_168 = arith.constant 1 : i32
      %add3A_169 = arith.addi %mul3A_130, %add3A_168 : i32
      "tpu.region"() ({
        %run_scoped3A_170 = tpu.sem_alloc : memref<!tpu.dma_semaphore, #tpu.memory_space<semaphore_mem>>
        %dma_start3A_171 = arith.constant 0 : i32
        %dma_start3A_172 = tpu.memref_slice %arg8[%add3A_169, %dma_start3A_171] : memref<40x128xi32, #tpu.memory_space<vmem>> -> memref<1x128xi32, #tpu.memory_space<vmem>>
        %dma_start3A_173 = tpu.memref_squeeze %dma_start3A_172 : memref<1x128xi32, #tpu.memory_space<vmem>> -> memref<128xi32, #tpu.memory_space<vmem>>
        %dma_start3A_174 = arith.constant 0 : i32
        %dma_start3A_175 = arith.constant 0 : i32
        %dma_start3A_176 = tpu.memref_slice %arg11[%dma_start3A_174, %dma_start3A_175] : memref<10240x128xf32, #tpu.memory_space<vmem_shared>> -> memref<10240x128xf32, #tpu.memory_space<vmem_shared>>
        tpu.enqueue_indirect_dma source(%arg10 : memref<128x128xf32, #tpu.memory_space<vmem>>) target(%dma_start3A_176 : memref<10240x128xf32, #tpu.memory_space<vmem_shared>>) offsets(%dma_start3A_173 : memref<128xi32, #tpu.memory_space<vmem>>) semaphore(%run_scoped3A_170 : memref<!tpu.dma_semaphore, #tpu.memory_space<semaphore_mem>>) {add = true}
        %dma_wait3A_177 = arith.constant 0 : i32
        %dma_wait3A_178 = tpu.memref_slice %arg8[%add3A_169, %dma_wait3A_177] : memref<40x128xi32, #tpu.memory_space<vmem>> -> memref<1x128xi32, #tpu.memory_space<vmem>>
        %dma_wait3A_179 = tpu.memref_squeeze %dma_wait3A_178 : memref<1x128xi32, #tpu.memory_space<vmem>> -> memref<128xi32, #tpu.memory_space<vmem>>
        %dma_wait3A_180 = arith.constant 0 : i32
        %dma_wait3A_181 = arith.constant 0 : i32
        %dma_wait3A_182 = tpu.memref_slice %arg11[%dma_wait3A_180, %dma_wait3A_181] : memref<10240x128xf32, #tpu.memory_space<vmem_shared>> -> memref<10240x128xf32, #tpu.memory_space<vmem_shared>>
        tpu.wait_indirect_dma semaphore(%run_scoped3A_170 : memref<!tpu.dma_semaphore, #tpu.memory_space<semaphore_mem>>) src(%arg10 : memref<128x128xf32, #tpu.memory_space<vmem>>) dst(%dma_wait3A_182 : memref<10240x128xf32, #tpu.memory_space<vmem_shared>>)
        tpu.yield
      }) : () -> ()
    }
    %scan3A_59 = arith.constant 20 : i32
    %barrier3A_60 = arith.constant 0 : index
    tpu.barrier barrier_id(%barrier3A_60)
    %run_scoped3A_61 = arith.constant 1 : i32
    "tpu.region"() ({
      %run_scoped3A_128 = tpu.sem_alloc : memref<!tpu.dma_semaphore, #tpu.memory_space<semaphore_mem>>
      %dma_start3A_129 = arith.constant 0 : i32
      %dma_start3A_130 = tpu.memref_slice %arg6[%run_scoped3A_61, %arg0, %mul3A_2, %dma_start3A_129] : memref<4x2x10240x128xf32, #tpu.memory_space<hbm>> -> memref<1x1x640x128xf32, #tpu.memory_space<hbm>>
      %dma_start3A_131 = tpu.memref_squeeze %dma_start3A_130 : memref<1x1x640x128xf32, #tpu.memory_space<hbm>> -> memref<640x128xf32, #tpu.memory_space<hbm>>
      %dma_start3A_132 = arith.constant 0 : i32
      %dma_start3A_133 = tpu.memref_slice %arg11[%mul3A_2, %dma_start3A_132] : memref<10240x128xf32, #tpu.memory_space<vmem_shared>> -> memref<640x128xf32, #tpu.memory_space<vmem_shared>>
      tpu.enqueue_dma source(%dma_start3A_133 : memref<640x128xf32, #tpu.memory_space<vmem_shared>>) target(%dma_start3A_131 : memref<640x128xf32, #tpu.memory_space<hbm>>) target_semaphore(%run_scoped3A_128 : memref<!tpu.dma_semaphore, #tpu.memory_space<semaphore_mem>>)
      %dma_wait3A = arith.constant 0 : i32
      %dma_wait3A_134 = tpu.memref_slice %arg6[%run_scoped3A_61, %arg0, %mul3A_2, %dma_wait3A] : memref<4x2x10240x128xf32, #tpu.memory_space<hbm>> -> memref<1x1x640x128xf32, #tpu.memory_space<hbm>>
      %dma_wait3A_135 = tpu.memref_squeeze %dma_wait3A_134 : memref<1x1x640x128xf32, #tpu.memory_space<hbm>> -> memref<640x128xf32, #tpu.memory_space<hbm>>
      %dma_wait3A_136 = arith.constant 0 : i32
      %dma_wait3A_137 = tpu.memref_slice %arg11[%mul3A_2, %dma_wait3A_136] : memref<10240x128xf32, #tpu.memory_space<vmem_shared>> -> memref<640x128xf32, #tpu.memory_space<vmem_shared>>
      tpu.wait_dma2 semaphore(%run_scoped3A_128 : memref<!tpu.dma_semaphore, #tpu.memory_space<semaphore_mem>>) src(%dma_wait3A_137 : memref<640x128xf32, #tpu.memory_space<vmem_shared>>) dst(%dma_wait3A_135 : memref<640x128xf32, #tpu.memory_space<hbm>>)
      tpu.yield
    }) : () -> ()
    %eq3A_62 = arith.constant 0 : i32
    %eq3A_63 = arith.cmpi eq, %arg0, %eq3A_62 : i32
    %convert_element_type3A_64 = arith.extui %eq3A_63 : i1 to i32
    %cond3A_65 = arith.constant 2 : i32
    %cond3A_66 = arith.constant 0 : i32
    %cond3A_67 = arith.cmpi ne, %convert_element_type3A_64, %cond3A_66 : i32
    scf.if %cond3A_67 {
      "tpu.region"() ({
        %run_scoped3A_128 = tpu.sem_alloc : memref<!tpu.dma_semaphore, #tpu.memory_space<semaphore_mem>>
        %dma_start3A_129 = arith.constant 0 : i32
        %dma_start3A_130 = tpu.memref_slice %arg11[%mul3A_2, %dma_start3A_129] : memref<10240x128xf32, #tpu.memory_space<vmem_shared>> -> memref<640x128xf32, #tpu.memory_space<vmem_shared>>
        %dma_start3A_131 = arith.constant 0 : i32
        %dma_start3A_132 = arith.constant 0 : i32
        %dma_start3A_133 = tpu.memref_slice %arg2[%cond3A_65, %dma_start3A_131, %dma_start3A_132] : memref<4x10240x128xf32, #tpu.memory_space<hbm>> -> memref<1x10240x128xf32, #tpu.memory_space<hbm>>
        %dma_start3A_134 = tpu.memref_squeeze %dma_start3A_133 : memref<1x10240x128xf32, #tpu.memory_space<hbm>> -> memref<10240x128xf32, #tpu.memory_space<hbm>>
        %dma_start3A_135 = arith.constant 0 : i32
        %dma_start3A_136 = tpu.memref_slice %dma_start3A_134[%mul3A_2, %dma_start3A_135] : memref<10240x128xf32, #tpu.memory_space<hbm>> -> memref<640x128xf32, #tpu.memory_space<hbm>>
        tpu.enqueue_dma source(%dma_start3A_136 : memref<640x128xf32, #tpu.memory_space<hbm>>) target(%dma_start3A_130 : memref<640x128xf32, #tpu.memory_space<vmem_shared>>) target_semaphore(%run_scoped3A_128 : memref<!tpu.dma_semaphore, #tpu.memory_space<semaphore_mem>>)
        %dma_wait3A = arith.constant 0 : i32
        %dma_wait3A_137 = tpu.memref_slice %arg11[%mul3A_2, %dma_wait3A] : memref<10240x128xf32, #tpu.memory_space<vmem_shared>> -> memref<640x128xf32, #tpu.memory_space<vmem_shared>>
        %dma_wait3A_138 = arith.constant 0 : i32
        %dma_wait3A_139 = arith.constant 0 : i32
        %dma_wait3A_140 = tpu.memref_slice %arg2[%cond3A_65, %dma_wait3A_138, %dma_wait3A_139] : memref<4x10240x128xf32, #tpu.memory_space<hbm>> -> memref<1x10240x128xf32, #tpu.memory_space<hbm>>
        %dma_wait3A_141 = tpu.memref_squeeze %dma_wait3A_140 : memref<1x10240x128xf32, #tpu.memory_space<hbm>> -> memref<10240x128xf32, #tpu.memory_space<hbm>>
        %dma_wait3A_142 = arith.constant 0 : i32
        %dma_wait3A_143 = tpu.memref_slice %dma_wait3A_141[%mul3A_2, %dma_wait3A_142] : memref<10240x128xf32, #tpu.memory_space<hbm>> -> memref<640x128xf32, #tpu.memory_space<hbm>>
        tpu.wait_dma2 semaphore(%run_scoped3A_128 : memref<!tpu.dma_semaphore, #tpu.memory_space<semaphore_mem>>) src(%dma_wait3A_143 : memref<640x128xf32, #tpu.memory_space<hbm>>) dst(%dma_wait3A_137 : memref<640x128xf32, #tpu.memory_space<vmem_shared>>)
        tpu.yield
      }) : () -> ()
    } else {
    }
    %eq3A_68 = arith.constant 1 : i32
    %eq3A_69 = arith.cmpi eq, %arg0, %eq3A_68 : i32
    %convert_element_type3A_70 = arith.extui %eq3A_69 : i1 to i32
    %cond3A_71 = arith.constant 0 : i32
    %cond3A_72 = arith.cmpi ne, %convert_element_type3A_70, %cond3A_71 : i32
    scf.if %cond3A_72 {
      "tpu.region"() ({
        %run_scoped3A_128 = tpu.sem_alloc : memref<!tpu.dma_semaphore, #tpu.memory_space<semaphore_mem>>
        %dma_start3A_129 = arith.constant 0 : i32
        %dma_start3A_130 = tpu.memref_slice %arg11[%mul3A_2, %dma_start3A_129] : memref<10240x128xf32, #tpu.memory_space<vmem_shared>> -> memref<640x128xf32, #tpu.memory_space<vmem_shared>>
        %dma_start3A_131 = arith.constant 0 : i32
        %dma_start3A_132 = tpu.memref_slice %arg5[%mul3A_2, %dma_start3A_131] : memref<10240x128xf32, #tpu.memory_space<hbm>> -> memref<640x128xf32, #tpu.memory_space<hbm>>
        tpu.enqueue_dma source(%dma_start3A_132 : memref<640x128xf32, #tpu.memory_space<hbm>>) target(%dma_start3A_130 : memref<640x128xf32, #tpu.memory_space<vmem_shared>>) target_semaphore(%run_scoped3A_128 : memref<!tpu.dma_semaphore, #tpu.memory_space<semaphore_mem>>)
        %dma_wait3A = arith.constant 0 : i32
        %dma_wait3A_133 = tpu.memref_slice %arg11[%mul3A_2, %dma_wait3A] : memref<10240x128xf32, #tpu.memory_space<vmem_shared>> -> memref<640x128xf32, #tpu.memory_space<vmem_shared>>
        %dma_wait3A_134 = arith.constant 0 : i32
        %dma_wait3A_135 = tpu.memref_slice %arg5[%mul3A_2, %dma_wait3A_134] : memref<10240x128xf32, #tpu.memory_space<hbm>> -> memref<640x128xf32, #tpu.memory_space<hbm>>
        tpu.wait_dma2 semaphore(%run_scoped3A_128 : memref<!tpu.dma_semaphore, #tpu.memory_space<semaphore_mem>>) src(%dma_wait3A_135 : memref<640x128xf32, #tpu.memory_space<hbm>>) dst(%dma_wait3A_133 : memref<640x128xf32, #tpu.memory_space<vmem_shared>>)
        tpu.yield
      }) : () -> ()
    } else {
    }
    %barrier3A_73 = arith.constant 0 : index
    tpu.barrier barrier_id(%barrier3A_73)
    %dma_start3A_74 = arith.constant 2 : i32
    %dma_start3A_75 = arith.constant 0 : i32
    %dma_start3A_76 = arith.constant 0 : i32
    %dma_start3A_77 = tpu.memref_slice %arg7[%dma_start3A_75, %dma_start3A_76] : memref<40x128xi32, #tpu.memory_space<vmem>> -> memref<1x128xi32, #tpu.memory_space<vmem>>
    %dma_start3A_78 = tpu.memref_squeeze %dma_start3A_77 : memref<1x128xi32, #tpu.memory_space<vmem>> -> memref<128xi32, #tpu.memory_space<vmem>>
    %dma_start3A_79 = arith.constant 0 : i32
    %dma_start3A_80 = arith.constant 0 : i32
    %dma_start3A_81 = tpu.memref_slice %arg2[%dma_start3A_74, %dma_start3A_79, %dma_start3A_80] : memref<4x10240x128xf32, #tpu.memory_space<hbm>> -> memref<1x10240x128xf32, #tpu.memory_space<hbm>>
    %dma_start3A_82 = tpu.memref_squeeze %dma_start3A_81 : memref<1x10240x128xf32, #tpu.memory_space<hbm>> -> memref<10240x128xf32, #tpu.memory_space<hbm>>
    %dma_start3A_83 = arith.constant 0 : i32
    %dma_start3A_84 = arith.constant 0 : i32
    %dma_start3A_85 = tpu.memref_slice %dma_start3A_82[%dma_start3A_83, %dma_start3A_84] : memref<10240x128xf32, #tpu.memory_space<hbm>> -> memref<10240x128xf32, #tpu.memory_space<hbm>>
    tpu.enqueue_indirect_dma source(%dma_start3A_85 : memref<10240x128xf32, #tpu.memory_space<hbm>>) target(%arg9 : memref<128x128xf32, #tpu.memory_space<vmem>>) offsets(%dma_start3A_78 : memref<128xi32, #tpu.memory_space<vmem>>) semaphore(%arg12 : memref<!tpu.dma_semaphore, #tpu.memory_space<semaphore_mem>>)
    %scan3A_86 = arith.constant 0 : i32
    %scan3A_87 = arith.constant 2 : i32
    %scan3A_88 = arith.constant 0 : i32
    %scan3A_89 = arith.constant 20 : i32
    %scan3A_90 = arith.addi %scan3A_88, %scan3A_89 : i32
    %scan3A_91 = arith.constant 1 : i32
    scf.for %scan3A_128 = %scan3A_88 to %scan3A_90 step %scan3A_91  : i32 {
      %mul3A_129 = arith.constant 2 : i32
      %mul3A_130 = arith.muli %mul3A_129, %scan3A_128 : i32
      %add3A_131 = arith.constant 1 : i32
      %add3A_132 = arith.addi %mul3A_130, %add3A_131 : i32
      %dma_start3A_133 = arith.constant 0 : i32
      %dma_start3A_134 = tpu.memref_slice %arg7[%add3A_132, %dma_start3A_133] : memref<40x128xi32, #tpu.memory_space<vmem>> -> memref<1x128xi32, #tpu.memory_space<vmem>>
      %dma_start3A_135 = tpu.memref_squeeze %dma_start3A_134 : memref<1x128xi32, #tpu.memory_space<vmem>> -> memref<128xi32, #tpu.memory_space<vmem>>
      %dma_start3A_136 = arith.constant 0 : i32
      %dma_start3A_137 = arith.constant 0 : i32
      %dma_start3A_138 = tpu.memref_slice %arg2[%scan3A_87, %dma_start3A_136, %dma_start3A_137] : memref<4x10240x128xf32, #tpu.memory_space<hbm>> -> memref<1x10240x128xf32, #tpu.memory_space<hbm>>
      %dma_start3A_139 = tpu.memref_squeeze %dma_start3A_138 : memref<1x10240x128xf32, #tpu.memory_space<hbm>> -> memref<10240x128xf32, #tpu.memory_space<hbm>>
      %dma_start3A_140 = arith.constant 0 : i32
      %dma_start3A_141 = arith.constant 0 : i32
      %dma_start3A_142 = tpu.memref_slice %dma_start3A_139[%dma_start3A_140, %dma_start3A_141] : memref<10240x128xf32, #tpu.memory_space<hbm>> -> memref<10240x128xf32, #tpu.memory_space<hbm>>
      tpu.enqueue_indirect_dma source(%dma_start3A_142 : memref<10240x128xf32, #tpu.memory_space<hbm>>) target(%arg10 : memref<128x128xf32, #tpu.memory_space<vmem>>) offsets(%dma_start3A_135 : memref<128xi32, #tpu.memory_space<vmem>>) semaphore(%arg13 : memref<!tpu.dma_semaphore, #tpu.memory_space<semaphore_mem>>)
      %dma_wait3A = arith.constant 0 : i32
      %dma_wait3A_143 = tpu.memref_slice %arg7[%mul3A_130, %dma_wait3A] : memref<40x128xi32, #tpu.memory_space<vmem>> -> memref<1x128xi32, #tpu.memory_space<vmem>>
      %dma_wait3A_144 = tpu.memref_squeeze %dma_wait3A_143 : memref<1x128xi32, #tpu.memory_space<vmem>> -> memref<128xi32, #tpu.memory_space<vmem>>
      %dma_wait3A_145 = arith.constant 0 : i32
      %dma_wait3A_146 = arith.constant 0 : i32
      %dma_wait3A_147 = tpu.memref_slice %arg2[%scan3A_87, %dma_wait3A_145, %dma_wait3A_146] : memref<4x10240x128xf32, #tpu.memory_space<hbm>> -> memref<1x10240x128xf32, #tpu.memory_space<hbm>>
      %dma_wait3A_148 = tpu.memref_squeeze %dma_wait3A_147 : memref<1x10240x128xf32, #tpu.memory_space<hbm>> -> memref<10240x128xf32, #tpu.memory_space<hbm>>
      %dma_wait3A_149 = arith.constant 0 : i32
      %dma_wait3A_150 = arith.constant 0 : i32
      %dma_wait3A_151 = tpu.memref_slice %dma_wait3A_148[%dma_wait3A_149, %dma_wait3A_150] : memref<10240x128xf32, #tpu.memory_space<hbm>> -> memref<10240x128xf32, #tpu.memory_space<hbm>>
      tpu.wait_indirect_dma semaphore(%arg12 : memref<!tpu.dma_semaphore, #tpu.memory_space<semaphore_mem>>) src(%dma_wait3A_151 : memref<10240x128xf32, #tpu.memory_space<hbm>>) dst(%arg9 : memref<128x128xf32, #tpu.memory_space<vmem>>)
      "tpu.region"() ({
        %run_scoped3A_170 = tpu.sem_alloc : memref<!tpu.dma_semaphore, #tpu.memory_space<semaphore_mem>>
        %dma_start3A_171 = arith.constant 0 : i32
        %dma_start3A_172 = tpu.memref_slice %arg8[%mul3A_130, %dma_start3A_171] : memref<40x128xi32, #tpu.memory_space<vmem>> -> memref<1x128xi32, #tpu.memory_space<vmem>>
        %dma_start3A_173 = tpu.memref_squeeze %dma_start3A_172 : memref<1x128xi32, #tpu.memory_space<vmem>> -> memref<128xi32, #tpu.memory_space<vmem>>
        %dma_start3A_174 = arith.constant 0 : i32
        %dma_start3A_175 = arith.constant 0 : i32
        %dma_start3A_176 = tpu.memref_slice %arg11[%dma_start3A_174, %dma_start3A_175] : memref<10240x128xf32, #tpu.memory_space<vmem_shared>> -> memref<10240x128xf32, #tpu.memory_space<vmem_shared>>
        tpu.enqueue_indirect_dma source(%arg9 : memref<128x128xf32, #tpu.memory_space<vmem>>) target(%dma_start3A_176 : memref<10240x128xf32, #tpu.memory_space<vmem_shared>>) offsets(%dma_start3A_173 : memref<128xi32, #tpu.memory_space<vmem>>) semaphore(%run_scoped3A_170 : memref<!tpu.dma_semaphore, #tpu.memory_space<semaphore_mem>>) {add = true}
        %dma_wait3A_177 = arith.constant 0 : i32
        %dma_wait3A_178 = tpu.memref_slice %arg8[%mul3A_130, %dma_wait3A_177] : memref<40x128xi32, #tpu.memory_space<vmem>> -> memref<1x128xi32, #tpu.memory_space<vmem>>
        %dma_wait3A_179 = tpu.memref_squeeze %dma_wait3A_178 : memref<1x128xi32, #tpu.memory_space<vmem>> -> memref<128xi32, #tpu.memory_space<vmem>>
        %dma_wait3A_180 = arith.constant 0 : i32
        %dma_wait3A_181 = arith.constant 0 : i32
        %dma_wait3A_182 = tpu.memref_slice %arg11[%dma_wait3A_180, %dma_wait3A_181] : memref<10240x128xf32, #tpu.memory_space<vmem_shared>> -> memref<10240x128xf32, #tpu.memory_space<vmem_shared>>
        tpu.wait_indirect_dma semaphore(%run_scoped3A_170 : memref<!tpu.dma_semaphore, #tpu.memory_space<semaphore_mem>>) src(%arg9 : memref<128x128xf32, #tpu.memory_space<vmem>>) dst(%dma_wait3A_182 : memref<10240x128xf32, #tpu.memory_space<vmem_shared>>)
        tpu.yield
      }) : () -> ()
      %lt3A = arith.constant 19 : i32
      %lt3A_152 = arith.cmpi slt, %scan3A_128, %lt3A : i32
      %convert_element_type3A_153 = arith.extui %lt3A_152 : i1 to i32
      %cond3A_154 = arith.constant 0 : i32
      %cond3A_155 = arith.cmpi ne, %convert_element_type3A_153, %cond3A_154 : i32
      scf.if %cond3A_155 {
        %add3A_170 = arith.constant 2 : i32
        %add3A_171 = arith.addi %mul3A_130, %add3A_170 : i32
        %dma_start3A_172 = arith.constant 0 : i32
        %dma_start3A_173 = tpu.memref_slice %arg7[%add3A_171, %dma_start3A_172] : memref<40x128xi32, #tpu.memory_space<vmem>> -> memref<1x128xi32, #tpu.memory_space<vmem>>
        %dma_start3A_174 = tpu.memref_squeeze %dma_start3A_173 : memref<1x128xi32, #tpu.memory_space<vmem>> -> memref<128xi32, #tpu.memory_space<vmem>>
        %dma_start3A_175 = arith.constant 0 : i32
        %dma_start3A_176 = arith.constant 0 : i32
        %dma_start3A_177 = tpu.memref_slice %arg2[%scan3A_87, %dma_start3A_175, %dma_start3A_176] : memref<4x10240x128xf32, #tpu.memory_space<hbm>> -> memref<1x10240x128xf32, #tpu.memory_space<hbm>>
        %dma_start3A_178 = tpu.memref_squeeze %dma_start3A_177 : memref<1x10240x128xf32, #tpu.memory_space<hbm>> -> memref<10240x128xf32, #tpu.memory_space<hbm>>
        %dma_start3A_179 = arith.constant 0 : i32
        %dma_start3A_180 = arith.constant 0 : i32
        %dma_start3A_181 = tpu.memref_slice %dma_start3A_178[%dma_start3A_179, %dma_start3A_180] : memref<10240x128xf32, #tpu.memory_space<hbm>> -> memref<10240x128xf32, #tpu.memory_space<hbm>>
        tpu.enqueue_indirect_dma source(%dma_start3A_181 : memref<10240x128xf32, #tpu.memory_space<hbm>>) target(%arg9 : memref<128x128xf32, #tpu.memory_space<vmem>>) offsets(%dma_start3A_174 : memref<128xi32, #tpu.memory_space<vmem>>) semaphore(%arg12 : memref<!tpu.dma_semaphore, #tpu.memory_space<semaphore_mem>>)
      } else {
      }
      %add3A_156 = arith.constant 1 : i32
      %add3A_157 = arith.addi %mul3A_130, %add3A_156 : i32
      %dma_wait3A_158 = arith.constant 0 : i32
      %dma_wait3A_159 = tpu.memref_slice %arg7[%add3A_157, %dma_wait3A_158] : memref<40x128xi32, #tpu.memory_space<vmem>> -> memref<1x128xi32, #tpu.memory_space<vmem>>
      %dma_wait3A_160 = tpu.memref_squeeze %dma_wait3A_159 : memref<1x128xi32, #tpu.memory_space<vmem>> -> memref<128xi32, #tpu.memory_space<vmem>>
      %dma_wait3A_161 = arith.constant 0 : i32
      %dma_wait3A_162 = arith.constant 0 : i32
      %dma_wait3A_163 = tpu.memref_slice %arg2[%scan3A_87, %dma_wait3A_161, %dma_wait3A_162] : memref<4x10240x128xf32, #tpu.memory_space<hbm>> -> memref<1x10240x128xf32, #tpu.memory_space<hbm>>
      %dma_wait3A_164 = tpu.memref_squeeze %dma_wait3A_163 : memref<1x10240x128xf32, #tpu.memory_space<hbm>> -> memref<10240x128xf32, #tpu.memory_space<hbm>>
      %dma_wait3A_165 = arith.constant 0 : i32
      %dma_wait3A_166 = arith.constant 0 : i32
      %dma_wait3A_167 = tpu.memref_slice %dma_wait3A_164[%dma_wait3A_165, %dma_wait3A_166] : memref<10240x128xf32, #tpu.memory_space<hbm>> -> memref<10240x128xf32, #tpu.memory_space<hbm>>
      tpu.wait_indirect_dma semaphore(%arg13 : memref<!tpu.dma_semaphore, #tpu.memory_space<semaphore_mem>>) src(%dma_wait3A_167 : memref<10240x128xf32, #tpu.memory_space<hbm>>) dst(%arg10 : memref<128x128xf32, #tpu.memory_space<vmem>>)
      %add3A_168 = arith.constant 1 : i32
      %add3A_169 = arith.addi %mul3A_130, %add3A_168 : i32
      "tpu.region"() ({
        %run_scoped3A_170 = tpu.sem_alloc : memref<!tpu.dma_semaphore, #tpu.memory_space<semaphore_mem>>
        %dma_start3A_171 = arith.constant 0 : i32
        %dma_start3A_172 = tpu.memref_slice %arg8[%add3A_169, %dma_start3A_171] : memref<40x128xi32, #tpu.memory_space<vmem>> -> memref<1x128xi32, #tpu.memory_space<vmem>>
        %dma_start3A_173 = tpu.memref_squeeze %dma_start3A_172 : memref<1x128xi32, #tpu.memory_space<vmem>> -> memref<128xi32, #tpu.memory_space<vmem>>
        %dma_start3A_174 = arith.constant 0 : i32
        %dma_start3A_175 = arith.constant 0 : i32
        %dma_start3A_176 = tpu.memref_slice %arg11[%dma_start3A_174, %dma_start3A_175] : memref<10240x128xf32, #tpu.memory_space<vmem_shared>> -> memref<10240x128xf32, #tpu.memory_space<vmem_shared>>
        tpu.enqueue_indirect_dma source(%arg10 : memref<128x128xf32, #tpu.memory_space<vmem>>) target(%dma_start3A_176 : memref<10240x128xf32, #tpu.memory_space<vmem_shared>>) offsets(%dma_start3A_173 : memref<128xi32, #tpu.memory_space<vmem>>) semaphore(%run_scoped3A_170 : memref<!tpu.dma_semaphore, #tpu.memory_space<semaphore_mem>>) {add = true}
        %dma_wait3A_177 = arith.constant 0 : i32
        %dma_wait3A_178 = tpu.memref_slice %arg8[%add3A_169, %dma_wait3A_177] : memref<40x128xi32, #tpu.memory_space<vmem>> -> memref<1x128xi32, #tpu.memory_space<vmem>>
        %dma_wait3A_179 = tpu.memref_squeeze %dma_wait3A_178 : memref<1x128xi32, #tpu.memory_space<vmem>> -> memref<128xi32, #tpu.memory_space<vmem>>
        %dma_wait3A_180 = arith.constant 0 : i32
        %dma_wait3A_181 = arith.constant 0 : i32
        %dma_wait3A_182 = tpu.memref_slice %arg11[%dma_wait3A_180, %dma_wait3A_181] : memref<10240x128xf32, #tpu.memory_space<vmem_shared>> -> memref<10240x128xf32, #tpu.memory_space<vmem_shared>>
        tpu.wait_indirect_dma semaphore(%run_scoped3A_170 : memref<!tpu.dma_semaphore, #tpu.memory_space<semaphore_mem>>) src(%arg10 : memref<128x128xf32, #tpu.memory_space<vmem>>) dst(%dma_wait3A_182 : memref<10240x128xf32, #tpu.memory_space<vmem_shared>>)
        tpu.yield
      }) : () -> ()
    }
    %scan3A_92 = arith.constant 20 : i32
    %barrier3A_93 = arith.constant 0 : index
    tpu.barrier barrier_id(%barrier3A_93)
    %run_scoped3A_94 = arith.constant 2 : i32
    "tpu.region"() ({
      %run_scoped3A_128 = tpu.sem_alloc : memref<!tpu.dma_semaphore, #tpu.memory_space<semaphore_mem>>
      %dma_start3A_129 = arith.constant 0 : i32
      %dma_start3A_130 = tpu.memref_slice %arg6[%run_scoped3A_94, %arg0, %mul3A_2, %dma_start3A_129] : memref<4x2x10240x128xf32, #tpu.memory_space<hbm>> -> memref<1x1x640x128xf32, #tpu.memory_space<hbm>>
      %dma_start3A_131 = tpu.memref_squeeze %dma_start3A_130 : memref<1x1x640x128xf32, #tpu.memory_space<hbm>> -> memref<640x128xf32, #tpu.memory_space<hbm>>
      %dma_start3A_132 = arith.constant 0 : i32
      %dma_start3A_133 = tpu.memref_slice %arg11[%mul3A_2, %dma_start3A_132] : memref<10240x128xf32, #tpu.memory_space<vmem_shared>> -> memref<640x128xf32, #tpu.memory_space<vmem_shared>>
      tpu.enqueue_dma source(%dma_start3A_133 : memref<640x128xf32, #tpu.memory_space<vmem_shared>>) target(%dma_start3A_131 : memref<640x128xf32, #tpu.memory_space<hbm>>) target_semaphore(%run_scoped3A_128 : memref<!tpu.dma_semaphore, #tpu.memory_space<semaphore_mem>>)
      %dma_wait3A = arith.constant 0 : i32
      %dma_wait3A_134 = tpu.memref_slice %arg6[%run_scoped3A_94, %arg0, %mul3A_2, %dma_wait3A] : memref<4x2x10240x128xf32, #tpu.memory_space<hbm>> -> memref<1x1x640x128xf32, #tpu.memory_space<hbm>>
      %dma_wait3A_135 = tpu.memref_squeeze %dma_wait3A_134 : memref<1x1x640x128xf32, #tpu.memory_space<hbm>> -> memref<640x128xf32, #tpu.memory_space<hbm>>
      %dma_wait3A_136 = arith.constant 0 : i32
      %dma_wait3A_137 = tpu.memref_slice %arg11[%mul3A_2, %dma_wait3A_136] : memref<10240x128xf32, #tpu.memory_space<vmem_shared>> -> memref<640x128xf32, #tpu.memory_space<vmem_shared>>
      tpu.wait_dma2 semaphore(%run_scoped3A_128 : memref<!tpu.dma_semaphore, #tpu.memory_space<semaphore_mem>>) src(%dma_wait3A_137 : memref<640x128xf32, #tpu.memory_space<vmem_shared>>) dst(%dma_wait3A_135 : memref<640x128xf32, #tpu.memory_space<hbm>>)
      tpu.yield
    }) : () -> ()
    %eq3A_95 = arith.constant 0 : i32
    %eq3A_96 = arith.cmpi eq, %arg0, %eq3A_95 : i32
    %convert_element_type3A_97 = arith.extui %eq3A_96 : i1 to i32
    %cond3A_98 = arith.constant 3 : i32
    %cond3A_99 = arith.constant 0 : i32
    %cond3A_100 = arith.cmpi ne, %convert_element_type3A_97, %cond3A_99 : i32
    scf.if %cond3A_100 {
      "tpu.region"() ({
        %run_scoped3A_128 = tpu.sem_alloc : memref<!tpu.dma_semaphore, #tpu.memory_space<semaphore_mem>>
        %dma_start3A_129 = arith.constant 0 : i32
        %dma_start3A_130 = tpu.memref_slice %arg11[%mul3A_2, %dma_start3A_129] : memref<10240x128xf32, #tpu.memory_space<vmem_shared>> -> memref<640x128xf32, #tpu.memory_space<vmem_shared>>
        %dma_start3A_131 = arith.constant 0 : i32
        %dma_start3A_132 = arith.constant 0 : i32
        %dma_start3A_133 = tpu.memref_slice %arg2[%cond3A_98, %dma_start3A_131, %dma_start3A_132] : memref<4x10240x128xf32, #tpu.memory_space<hbm>> -> memref<1x10240x128xf32, #tpu.memory_space<hbm>>
        %dma_start3A_134 = tpu.memref_squeeze %dma_start3A_133 : memref<1x10240x128xf32, #tpu.memory_space<hbm>> -> memref<10240x128xf32, #tpu.memory_space<hbm>>
        %dma_start3A_135 = arith.constant 0 : i32
        %dma_start3A_136 = tpu.memref_slice %dma_start3A_134[%mul3A_2, %dma_start3A_135] : memref<10240x128xf32, #tpu.memory_space<hbm>> -> memref<640x128xf32, #tpu.memory_space<hbm>>
        tpu.enqueue_dma source(%dma_start3A_136 : memref<640x128xf32, #tpu.memory_space<hbm>>) target(%dma_start3A_130 : memref<640x128xf32, #tpu.memory_space<vmem_shared>>) target_semaphore(%run_scoped3A_128 : memref<!tpu.dma_semaphore, #tpu.memory_space<semaphore_mem>>)
        %dma_wait3A = arith.constant 0 : i32
        %dma_wait3A_137 = tpu.memref_slice %arg11[%mul3A_2, %dma_wait3A] : memref<10240x128xf32, #tpu.memory_space<vmem_shared>> -> memref<640x128xf32, #tpu.memory_space<vmem_shared>>
        %dma_wait3A_138 = arith.constant 0 : i32
        %dma_wait3A_139 = arith.constant 0 : i32
        %dma_wait3A_140 = tpu.memref_slice %arg2[%cond3A_98, %dma_wait3A_138, %dma_wait3A_139] : memref<4x10240x128xf32, #tpu.memory_space<hbm>> -> memref<1x10240x128xf32, #tpu.memory_space<hbm>>
        %dma_wait3A_141 = tpu.memref_squeeze %dma_wait3A_140 : memref<1x10240x128xf32, #tpu.memory_space<hbm>> -> memref<10240x128xf32, #tpu.memory_space<hbm>>
        %dma_wait3A_142 = arith.constant 0 : i32
        %dma_wait3A_143 = tpu.memref_slice %dma_wait3A_141[%mul3A_2, %dma_wait3A_142] : memref<10240x128xf32, #tpu.memory_space<hbm>> -> memref<640x128xf32, #tpu.memory_space<hbm>>
        tpu.wait_dma2 semaphore(%run_scoped3A_128 : memref<!tpu.dma_semaphore, #tpu.memory_space<semaphore_mem>>) src(%dma_wait3A_143 : memref<640x128xf32, #tpu.memory_space<hbm>>) dst(%dma_wait3A_137 : memref<640x128xf32, #tpu.memory_space<vmem_shared>>)
        tpu.yield
      }) : () -> ()
    } else {
    }
    %eq3A_101 = arith.constant 1 : i32
    %eq3A_102 = arith.cmpi eq, %arg0, %eq3A_101 : i32
    %convert_element_type3A_103 = arith.extui %eq3A_102 : i1 to i32
    %cond3A_104 = arith.constant 0 : i32
    %cond3A_105 = arith.cmpi ne, %convert_element_type3A_103, %cond3A_104 : i32
    scf.if %cond3A_105 {
      "tpu.region"() ({
        %run_scoped3A_128 = tpu.sem_alloc : memref<!tpu.dma_semaphore, #tpu.memory_space<semaphore_mem>>
        %dma_start3A_129 = arith.constant 0 : i32
        %dma_start3A_130 = tpu.memref_slice %arg11[%mul3A_2, %dma_start3A_129] : memref<10240x128xf32, #tpu.memory_space<vmem_shared>> -> memref<640x128xf32, #tpu.memory_space<vmem_shared>>
        %dma_start3A_131 = arith.constant 0 : i32
        %dma_start3A_132 = tpu.memref_slice %arg5[%mul3A_2, %dma_start3A_131] : memref<10240x128xf32, #tpu.memory_space<hbm>> -> memref<640x128xf32, #tpu.memory_space<hbm>>
        tpu.enqueue_dma source(%dma_start3A_132 : memref<640x128xf32, #tpu.memory_space<hbm>>) target(%dma_start3A_130 : memref<640x128xf32, #tpu.memory_space<vmem_shared>>) target_semaphore(%run_scoped3A_128 : memref<!tpu.dma_semaphore, #tpu.memory_space<semaphore_mem>>)
        %dma_wait3A = arith.constant 0 : i32
        %dma_wait3A_133 = tpu.memref_slice %arg11[%mul3A_2, %dma_wait3A] : memref<10240x128xf32, #tpu.memory_space<vmem_shared>> -> memref<640x128xf32, #tpu.memory_space<vmem_shared>>
        %dma_wait3A_134 = arith.constant 0 : i32
        %dma_wait3A_135 = tpu.memref_slice %arg5[%mul3A_2, %dma_wait3A_134] : memref<10240x128xf32, #tpu.memory_space<hbm>> -> memref<640x128xf32, #tpu.memory_space<hbm>>
        tpu.wait_dma2 semaphore(%run_scoped3A_128 : memref<!tpu.dma_semaphore, #tpu.memory_space<semaphore_mem>>) src(%dma_wait3A_135 : memref<640x128xf32, #tpu.memory_space<hbm>>) dst(%dma_wait3A_133 : memref<640x128xf32, #tpu.memory_space<vmem_shared>>)
        tpu.yield
      }) : () -> ()
    } else {
    }
    %barrier3A_106 = arith.constant 0 : index
    tpu.barrier barrier_id(%barrier3A_106)
    %dma_start3A_107 = arith.constant 3 : i32
    %dma_start3A_108 = arith.constant 0 : i32
    %dma_start3A_109 = arith.constant 0 : i32
    %dma_start3A_110 = tpu.memref_slice %arg7[%dma_start3A_108, %dma_start3A_109] : memref<40x128xi32, #tpu.memory_space<vmem>> -> memref<1x128xi32, #tpu.memory_space<vmem>>
    %dma_start3A_111 = tpu.memref_squeeze %dma_start3A_110 : memref<1x128xi32, #tpu.memory_space<vmem>> -> memref<128xi32, #tpu.memory_space<vmem>>
    %dma_start3A_112 = arith.constant 0 : i32
    %dma_start3A_113 = arith.constant 0 : i32
    %dma_start3A_114 = tpu.memref_slice %arg2[%dma_start3A_107, %dma_start3A_112, %dma_start3A_113] : memref<4x10240x128xf32, #tpu.memory_space<hbm>> -> memref<1x10240x128xf32, #tpu.memory_space<hbm>>
    %dma_start3A_115 = tpu.memref_squeeze %dma_start3A_114 : memref<1x10240x128xf32, #tpu.memory_space<hbm>> -> memref<10240x128xf32, #tpu.memory_space<hbm>>
    %dma_start3A_116 = arith.constant 0 : i32
    %dma_start3A_117 = arith.constant 0 : i32
    %dma_start3A_118 = tpu.memref_slice %dma_start3A_115[%dma_start3A_116, %dma_start3A_117] : memref<10240x128xf32, #tpu.memory_space<hbm>> -> memref<10240x128xf32, #tpu.memory_space<hbm>>
    tpu.enqueue_indirect_dma source(%dma_start3A_118 : memref<10240x128xf32, #tpu.memory_space<hbm>>) target(%arg9 : memref<128x128xf32, #tpu.memory_space<vmem>>) offsets(%dma_start3A_111 : memref<128xi32, #tpu.memory_space<vmem>>) semaphore(%arg12 : memref<!tpu.dma_semaphore, #tpu.memory_space<semaphore_mem>>)
    %scan3A_119 = arith.constant 0 : i32
    %scan3A_120 = arith.constant 3 : i32
    %scan3A_121 = arith.constant 0 : i32
    %scan3A_122 = arith.constant 20 : i32
    %scan3A_123 = arith.addi %scan3A_121, %scan3A_122 : i32
    %scan3A_124 = arith.constant 1 : i32
    scf.for %scan3A_128 = %scan3A_121 to %scan3A_123 step %scan3A_124  : i32 {
      %mul3A_129 = arith.constant 2 : i32
      %mul3A_130 = arith.muli %mul3A_129, %scan3A_128 : i32
      %add3A_131 = arith.constant 1 : i32
      %add3A_132 = arith.addi %mul3A_130, %add3A_131 : i32
      %dma_start3A_133 = arith.constant 0 : i32
      %dma_start3A_134 = tpu.memref_slice %arg7[%add3A_132, %dma_start3A_133] : memref<40x128xi32, #tpu.memory_space<vmem>> -> memref<1x128xi32, #tpu.memory_space<vmem>>
      %dma_start3A_135 = tpu.memref_squeeze %dma_start3A_134 : memref<1x128xi32, #tpu.memory_space<vmem>> -> memref<128xi32, #tpu.memory_space<vmem>>
      %dma_start3A_136 = arith.constant 0 : i32
      %dma_start3A_137 = arith.constant 0 : i32
      %dma_start3A_138 = tpu.memref_slice %arg2[%scan3A_120, %dma_start3A_136, %dma_start3A_137] : memref<4x10240x128xf32, #tpu.memory_space<hbm>> -> memref<1x10240x128xf32, #tpu.memory_space<hbm>>
      %dma_start3A_139 = tpu.memref_squeeze %dma_start3A_138 : memref<1x10240x128xf32, #tpu.memory_space<hbm>> -> memref<10240x128xf32, #tpu.memory_space<hbm>>
      %dma_start3A_140 = arith.constant 0 : i32
      %dma_start3A_141 = arith.constant 0 : i32
      %dma_start3A_142 = tpu.memref_slice %dma_start3A_139[%dma_start3A_140, %dma_start3A_141] : memref<10240x128xf32, #tpu.memory_space<hbm>> -> memref<10240x128xf32, #tpu.memory_space<hbm>>
      tpu.enqueue_indirect_dma source(%dma_start3A_142 : memref<10240x128xf32, #tpu.memory_space<hbm>>) target(%arg10 : memref<128x128xf32, #tpu.memory_space<vmem>>) offsets(%dma_start3A_135 : memref<128xi32, #tpu.memory_space<vmem>>) semaphore(%arg13 : memref<!tpu.dma_semaphore, #tpu.memory_space<semaphore_mem>>)
      %dma_wait3A = arith.constant 0 : i32
      %dma_wait3A_143 = tpu.memref_slice %arg7[%mul3A_130, %dma_wait3A] : memref<40x128xi32, #tpu.memory_space<vmem>> -> memref<1x128xi32, #tpu.memory_space<vmem>>
      %dma_wait3A_144 = tpu.memref_squeeze %dma_wait3A_143 : memref<1x128xi32, #tpu.memory_space<vmem>> -> memref<128xi32, #tpu.memory_space<vmem>>
      %dma_wait3A_145 = arith.constant 0 : i32
      %dma_wait3A_146 = arith.constant 0 : i32
      %dma_wait3A_147 = tpu.memref_slice %arg2[%scan3A_120, %dma_wait3A_145, %dma_wait3A_146] : memref<4x10240x128xf32, #tpu.memory_space<hbm>> -> memref<1x10240x128xf32, #tpu.memory_space<hbm>>
      %dma_wait3A_148 = tpu.memref_squeeze %dma_wait3A_147 : memref<1x10240x128xf32, #tpu.memory_space<hbm>> -> memref<10240x128xf32, #tpu.memory_space<hbm>>
      %dma_wait3A_149 = arith.constant 0 : i32
      %dma_wait3A_150 = arith.constant 0 : i32
      %dma_wait3A_151 = tpu.memref_slice %dma_wait3A_148[%dma_wait3A_149, %dma_wait3A_150] : memref<10240x128xf32, #tpu.memory_space<hbm>> -> memref<10240x128xf32, #tpu.memory_space<hbm>>
      tpu.wait_indirect_dma semaphore(%arg12 : memref<!tpu.dma_semaphore, #tpu.memory_space<semaphore_mem>>) src(%dma_wait3A_151 : memref<10240x128xf32, #tpu.memory_space<hbm>>) dst(%arg9 : memref<128x128xf32, #tpu.memory_space<vmem>>)
      "tpu.region"() ({
        %run_scoped3A_170 = tpu.sem_alloc : memref<!tpu.dma_semaphore, #tpu.memory_space<semaphore_mem>>
        %dma_start3A_171 = arith.constant 0 : i32
        %dma_start3A_172 = tpu.memref_slice %arg8[%mul3A_130, %dma_start3A_171] : memref<40x128xi32, #tpu.memory_space<vmem>> -> memref<1x128xi32, #tpu.memory_space<vmem>>
        %dma_start3A_173 = tpu.memref_squeeze %dma_start3A_172 : memref<1x128xi32, #tpu.memory_space<vmem>> -> memref<128xi32, #tpu.memory_space<vmem>>
        %dma_start3A_174 = arith.constant 0 : i32
        %dma_start3A_175 = arith.constant 0 : i32
        %dma_start3A_176 = tpu.memref_slice %arg11[%dma_start3A_174, %dma_start3A_175] : memref<10240x128xf32, #tpu.memory_space<vmem_shared>> -> memref<10240x128xf32, #tpu.memory_space<vmem_shared>>
        tpu.enqueue_indirect_dma source(%arg9 : memref<128x128xf32, #tpu.memory_space<vmem>>) target(%dma_start3A_176 : memref<10240x128xf32, #tpu.memory_space<vmem_shared>>) offsets(%dma_start3A_173 : memref<128xi32, #tpu.memory_space<vmem>>) semaphore(%run_scoped3A_170 : memref<!tpu.dma_semaphore, #tpu.memory_space<semaphore_mem>>) {add = true}
        %dma_wait3A_177 = arith.constant 0 : i32
        %dma_wait3A_178 = tpu.memref_slice %arg8[%mul3A_130, %dma_wait3A_177] : memref<40x128xi32, #tpu.memory_space<vmem>> -> memref<1x128xi32, #tpu.memory_space<vmem>>
        %dma_wait3A_179 = tpu.memref_squeeze %dma_wait3A_178 : memref<1x128xi32, #tpu.memory_space<vmem>> -> memref<128xi32, #tpu.memory_space<vmem>>
        %dma_wait3A_180 = arith.constant 0 : i32
        %dma_wait3A_181 = arith.constant 0 : i32
        %dma_wait3A_182 = tpu.memref_slice %arg11[%dma_wait3A_180, %dma_wait3A_181] : memref<10240x128xf32, #tpu.memory_space<vmem_shared>> -> memref<10240x128xf32, #tpu.memory_space<vmem_shared>>
        tpu.wait_indirect_dma semaphore(%run_scoped3A_170 : memref<!tpu.dma_semaphore, #tpu.memory_space<semaphore_mem>>) src(%arg9 : memref<128x128xf32, #tpu.memory_space<vmem>>) dst(%dma_wait3A_182 : memref<10240x128xf32, #tpu.memory_space<vmem_shared>>)
        tpu.yield
      }) : () -> ()
      %lt3A = arith.constant 19 : i32
      %lt3A_152 = arith.cmpi slt, %scan3A_128, %lt3A : i32
      %convert_element_type3A_153 = arith.extui %lt3A_152 : i1 to i32
      %cond3A_154 = arith.constant 0 : i32
      %cond3A_155 = arith.cmpi ne, %convert_element_type3A_153, %cond3A_154 : i32
      scf.if %cond3A_155 {
        %add3A_170 = arith.constant 2 : i32
        %add3A_171 = arith.addi %mul3A_130, %add3A_170 : i32
        %dma_start3A_172 = arith.constant 0 : i32
        %dma_start3A_173 = tpu.memref_slice %arg7[%add3A_171, %dma_start3A_172] : memref<40x128xi32, #tpu.memory_space<vmem>> -> memref<1x128xi32, #tpu.memory_space<vmem>>
        %dma_start3A_174 = tpu.memref_squeeze %dma_start3A_173 : memref<1x128xi32, #tpu.memory_space<vmem>> -> memref<128xi32, #tpu.memory_space<vmem>>
        %dma_start3A_175 = arith.constant 0 : i32
        %dma_start3A_176 = arith.constant 0 : i32
        %dma_start3A_177 = tpu.memref_slice %arg2[%scan3A_120, %dma_start3A_175, %dma_start3A_176] : memref<4x10240x128xf32, #tpu.memory_space<hbm>> -> memref<1x10240x128xf32, #tpu.memory_space<hbm>>
        %dma_start3A_178 = tpu.memref_squeeze %dma_start3A_177 : memref<1x10240x128xf32, #tpu.memory_space<hbm>> -> memref<10240x128xf32, #tpu.memory_space<hbm>>
        %dma_start3A_179 = arith.constant 0 : i32
        %dma_start3A_180 = arith.constant 0 : i32
        %dma_start3A_181 = tpu.memref_slice %dma_start3A_178[%dma_start3A_179, %dma_start3A_180] : memref<10240x128xf32, #tpu.memory_space<hbm>> -> memref<10240x128xf32, #tpu.memory_space<hbm>>
        tpu.enqueue_indirect_dma source(%dma_start3A_181 : memref<10240x128xf32, #tpu.memory_space<hbm>>) target(%arg9 : memref<128x128xf32, #tpu.memory_space<vmem>>) offsets(%dma_start3A_174 : memref<128xi32, #tpu.memory_space<vmem>>) semaphore(%arg12 : memref<!tpu.dma_semaphore, #tpu.memory_space<semaphore_mem>>)
      } else {
      }
      %add3A_156 = arith.constant 1 : i32
      %add3A_157 = arith.addi %mul3A_130, %add3A_156 : i32
      %dma_wait3A_158 = arith.constant 0 : i32
      %dma_wait3A_159 = tpu.memref_slice %arg7[%add3A_157, %dma_wait3A_158] : memref<40x128xi32, #tpu.memory_space<vmem>> -> memref<1x128xi32, #tpu.memory_space<vmem>>
      %dma_wait3A_160 = tpu.memref_squeeze %dma_wait3A_159 : memref<1x128xi32, #tpu.memory_space<vmem>> -> memref<128xi32, #tpu.memory_space<vmem>>
      %dma_wait3A_161 = arith.constant 0 : i32
      %dma_wait3A_162 = arith.constant 0 : i32
      %dma_wait3A_163 = tpu.memref_slice %arg2[%scan3A_120, %dma_wait3A_161, %dma_wait3A_162] : memref<4x10240x128xf32, #tpu.memory_space<hbm>> -> memref<1x10240x128xf32, #tpu.memory_space<hbm>>
      %dma_wait3A_164 = tpu.memref_squeeze %dma_wait3A_163 : memref<1x10240x128xf32, #tpu.memory_space<hbm>> -> memref<10240x128xf32, #tpu.memory_space<hbm>>
      %dma_wait3A_165 = arith.constant 0 : i32
      %dma_wait3A_166 = arith.constant 0 : i32
      %dma_wait3A_167 = tpu.memref_slice %dma_wait3A_164[%dma_wait3A_165, %dma_wait3A_166] : memref<10240x128xf32, #tpu.memory_space<hbm>> -> memref<10240x128xf32, #tpu.memory_space<hbm>>
      tpu.wait_indirect_dma semaphore(%arg13 : memref<!tpu.dma_semaphore, #tpu.memory_space<semaphore_mem>>) src(%dma_wait3A_167 : memref<10240x128xf32, #tpu.memory_space<hbm>>) dst(%arg10 : memref<128x128xf32, #tpu.memory_space<vmem>>)
      %add3A_168 = arith.constant 1 : i32
      %add3A_169 = arith.addi %mul3A_130, %add3A_168 : i32
      "tpu.region"() ({
        %run_scoped3A_170 = tpu.sem_alloc : memref<!tpu.dma_semaphore, #tpu.memory_space<semaphore_mem>>
        %dma_start3A_171 = arith.constant 0 : i32
        %dma_start3A_172 = tpu.memref_slice %arg8[%add3A_169, %dma_start3A_171] : memref<40x128xi32, #tpu.memory_space<vmem>> -> memref<1x128xi32, #tpu.memory_space<vmem>>
        %dma_start3A_173 = tpu.memref_squeeze %dma_start3A_172 : memref<1x128xi32, #tpu.memory_space<vmem>> -> memref<128xi32, #tpu.memory_space<vmem>>
        %dma_start3A_174 = arith.constant 0 : i32
        %dma_start3A_175 = arith.constant 0 : i32
        %dma_start3A_176 = tpu.memref_slice %arg11[%dma_start3A_174, %dma_start3A_175] : memref<10240x128xf32, #tpu.memory_space<vmem_shared>> -> memref<10240x128xf32, #tpu.memory_space<vmem_shared>>
        tpu.enqueue_indirect_dma source(%arg10 : memref<128x128xf32, #tpu.memory_space<vmem>>) target(%dma_start3A_176 : memref<10240x128xf32, #tpu.memory_space<vmem_shared>>) offsets(%dma_start3A_173 : memref<128xi32, #tpu.memory_space<vmem>>) semaphore(%run_scoped3A_170 : memref<!tpu.dma_semaphore, #tpu.memory_space<semaphore_mem>>) {add = true}
        %dma_wait3A_177 = arith.constant 0 : i32
        %dma_wait3A_178 = tpu.memref_slice %arg8[%add3A_169, %dma_wait3A_177] : memref<40x128xi32, #tpu.memory_space<vmem>> -> memref<1x128xi32, #tpu.memory_space<vmem>>
        %dma_wait3A_179 = tpu.memref_squeeze %dma_wait3A_178 : memref<1x128xi32, #tpu.memory_space<vmem>> -> memref<128xi32, #tpu.memory_space<vmem>>
        %dma_wait3A_180 = arith.constant 0 : i32
        %dma_wait3A_181 = arith.constant 0 : i32
        %dma_wait3A_182 = tpu.memref_slice %arg11[%dma_wait3A_180, %dma_wait3A_181] : memref<10240x128xf32, #tpu.memory_space<vmem_shared>> -> memref<10240x128xf32, #tpu.memory_space<vmem_shared>>
        tpu.wait_indirect_dma semaphore(%run_scoped3A_170 : memref<!tpu.dma_semaphore, #tpu.memory_space<semaphore_mem>>) src(%arg10 : memref<128x128xf32, #tpu.memory_space<vmem>>) dst(%dma_wait3A_182 : memref<10240x128xf32, #tpu.memory_space<vmem_shared>>)
        tpu.yield
      }) : () -> ()
    }
    %scan3A_125 = arith.constant 20 : i32
    %barrier3A_126 = arith.constant 0 : index
    tpu.barrier barrier_id(%barrier3A_126)
    %run_scoped3A_127 = arith.constant 3 : i32
    "tpu.region"() ({
      %run_scoped3A_128 = tpu.sem_alloc : memref<!tpu.dma_semaphore, #tpu.memory_space<semaphore_mem>>
      %dma_start3A_129 = arith.constant 0 : i32
      %dma_start3A_130 = tpu.memref_slice %arg6[%run_scoped3A_127, %arg0, %mul3A_2, %dma_start3A_129] : memref<4x2x10240x128xf32, #tpu.memory_space<hbm>> -> memref<1x1x640x128xf32, #tpu.memory_space<hbm>>
      %dma_start3A_131 = tpu.memref_squeeze %dma_start3A_130 : memref<1x1x640x128xf32, #tpu.memory_space<hbm>> -> memref<640x128xf32, #tpu.memory_space<hbm>>
      %dma_start3A_132 = arith.constant 0 : i32
      %dma_start3A_133 = tpu.memref_slice %arg11[%mul3A_2, %dma_start3A_132] : memref<10240x128xf32, #tpu.memory_space<vmem_shared>> -> memref<640x128xf32, #tpu.memory_space<vmem_shared>>
      tpu.enqueue_dma source(%dma_start3A_133 : memref<640x128xf32, #tpu.memory_space<vmem_shared>>) target(%dma_start3A_131 : memref<640x128xf32, #tpu.memory_space<hbm>>) target_semaphore(%run_scoped3A_128 : memref<!tpu.dma_semaphore, #tpu.memory_space<semaphore_mem>>)
      %dma_wait3A = arith.constant 0 : i32
      %dma_wait3A_134 = tpu.memref_slice %arg6[%run_scoped3A_127, %arg0, %mul3A_2, %dma_wait3A] : memref<4x2x10240x128xf32, #tpu.memory_space<hbm>> -> memref<1x1x640x128xf32, #tpu.memory_space<hbm>>
      %dma_wait3A_135 = tpu.memref_squeeze %dma_wait3A_134 : memref<1x1x640x128xf32, #tpu.memory_space<hbm>> -> memref<640x128xf32, #tpu.memory_space<hbm>>
      %dma_wait3A_136 = arith.constant 0 : i32
      %dma_wait3A_137 = tpu.memref_slice %arg11[%mul3A_2, %dma_wait3A_136] : memref<10240x128xf32, #tpu.memory_space<vmem_shared>> -> memref<640x128xf32, #tpu.memory_space<vmem_shared>>
      tpu.wait_dma2 semaphore(%run_scoped3A_128 : memref<!tpu.dma_semaphore, #tpu.memory_space<semaphore_mem>>) src(%dma_wait3A_137 : memref<640x128xf32, #tpu.memory_space<vmem_shared>>) dst(%dma_wait3A_135 : memref<640x128xf32, #tpu.memory_space<hbm>>)
      tpu.yield
    }) : () -> ()
    return
  }
}

#map = affine_map<(d0, d1) -> (0, 0, 0)>
#map1 = affine_map<(d0, d1) -> (0)>
#map2 = affine_map<(d0, d1) -> (0, 0)>
module attributes {stable_mosaic.version = 14 : i64} {
  func.func @_deg_body(%arg0: i32, %arg1: i32, %arg2: memref<32x40x128xi32, #tpu.memory_space<hbm>>, %arg3: memref<128xf32, #tpu.memory_space<hbm>>, %arg4: memref<10240xf32, #tpu.memory_space<hbm>>, %arg5: memref<2x10240xf32, #tpu.memory_space<hbm>>, %arg6: memref<40x128xi32, #tpu.memory_space<vmem>>, %arg7: memref<128xf32, #tpu.memory_space<vmem>>, %arg8: memref<10240xf32, #tpu.memory_space<vmem_shared>>) attributes {dimension_semantics = [#tpu.dimension_semantics<core_parallel>, #tpu.dimension_semantics<subcore_parallel>], iteration_bounds = array<i64: 2, 16>, scalar_prefetch = 0 : i64, scratch_operands = 3 : i64, tpu.core_type = #tpu.core_type<sc_vector_subcore>, window_params = [{transform_indices = #map}, {transform_indices = #map1}, {transform_indices = #map1}, {transform_indices = #map2}]} {
    %mul3A = arith.constant 16 : i32
    %mul3A_0 = arith.muli %arg0, %mul3A : i32
    %add3A = arith.addi %mul3A_0, %arg1 : i32
    %mul3A_1 = arith.constant 640 : i32
    %mul3A_2 = arith.muli %arg1, %mul3A_1 : i32
    "tpu.region"() ({
      %run_scoped3A = tpu.sem_alloc : memref<!tpu.dma_semaphore, #tpu.memory_space<semaphore_mem>>
      %dma_start3A = arith.constant 0 : i32
      %dma_start3A_9 = arith.constant 0 : i32
      %dma_start3A_10 = tpu.memref_slice %arg2[%add3A, %dma_start3A, %dma_start3A_9] : memref<32x40x128xi32, #tpu.memory_space<hbm>> -> memref<1x40x128xi32, #tpu.memory_space<hbm>>
      %dma_start3A_11 = tpu.memref_squeeze %dma_start3A_10 : memref<1x40x128xi32, #tpu.memory_space<hbm>> -> memref<40x128xi32, #tpu.memory_space<hbm>>
      %dma_start3A_12 = arith.constant 0 : i32
      %dma_start3A_13 = arith.constant 0 : i32
      %dma_start3A_14 = tpu.memref_slice %arg2[%add3A, %dma_start3A_12, %dma_start3A_13] : memref<32x40x128xi32, #tpu.memory_space<hbm>> -> memref<1x40x128xi32, #tpu.memory_space<hbm>>
      %dma_start3A_15 = tpu.memref_squeeze %dma_start3A_14 : memref<1x40x128xi32, #tpu.memory_space<hbm>> -> memref<40x128xi32, #tpu.memory_space<hbm>>
      tpu.enqueue_dma source(%dma_start3A_15 : memref<40x128xi32, #tpu.memory_space<hbm>>) target(%arg6 : memref<40x128xi32, #tpu.memory_space<vmem>>) target_semaphore(%run_scoped3A : memref<!tpu.dma_semaphore, #tpu.memory_space<semaphore_mem>>)
      %dma_wait3A = arith.constant 0 : i32
      %dma_wait3A_16 = arith.constant 0 : i32
      %dma_wait3A_17 = tpu.memref_slice %arg2[%add3A, %dma_wait3A, %dma_wait3A_16] : memref<32x40x128xi32, #tpu.memory_space<hbm>> -> memref<1x40x128xi32, #tpu.memory_space<hbm>>
      %dma_wait3A_18 = tpu.memref_squeeze %dma_wait3A_17 : memref<1x40x128xi32, #tpu.memory_space<hbm>> -> memref<40x128xi32, #tpu.memory_space<hbm>>
      %dma_wait3A_19 = arith.constant 0 : i32
      %dma_wait3A_20 = arith.constant 0 : i32
      %dma_wait3A_21 = tpu.memref_slice %arg2[%add3A, %dma_wait3A_19, %dma_wait3A_20] : memref<32x40x128xi32, #tpu.memory_space<hbm>> -> memref<1x40x128xi32, #tpu.memory_space<hbm>>
      %dma_wait3A_22 = tpu.memref_squeeze %dma_wait3A_21 : memref<1x40x128xi32, #tpu.memory_space<hbm>> -> memref<40x128xi32, #tpu.memory_space<hbm>>
      tpu.wait_dma2 semaphore(%run_scoped3A : memref<!tpu.dma_semaphore, #tpu.memory_space<semaphore_mem>>) src(%dma_wait3A_22 : memref<40x128xi32, #tpu.memory_space<hbm>>) dst(%arg6 : memref<40x128xi32, #tpu.memory_space<vmem>>)
      tpu.yield
    }) : () -> ()
    "tpu.region"() ({
      %run_scoped3A = tpu.sem_alloc : memref<!tpu.dma_semaphore, #tpu.memory_space<semaphore_mem>>
      tpu.enqueue_dma source(%arg3 : memref<128xf32, #tpu.memory_space<hbm>>) target(%arg7 : memref<128xf32, #tpu.memory_space<vmem>>) target_semaphore(%run_scoped3A : memref<!tpu.dma_semaphore, #tpu.memory_space<semaphore_mem>>)
      tpu.wait_dma2 semaphore(%run_scoped3A : memref<!tpu.dma_semaphore, #tpu.memory_space<semaphore_mem>>) src(%arg3 : memref<128xf32, #tpu.memory_space<hbm>>) dst(%arg7 : memref<128xf32, #tpu.memory_space<vmem>>)
      tpu.yield
    }) : () -> ()
    "tpu.region"() ({
      %run_scoped3A = tpu.sem_alloc : memref<!tpu.dma_semaphore, #tpu.memory_space<semaphore_mem>>
      %dma_start3A = tpu.memref_slice %arg8[%mul3A_2] : memref<10240xf32, #tpu.memory_space<vmem_shared>> -> memref<640xf32, #tpu.memory_space<vmem_shared>>
      %dma_start3A_9 = tpu.memref_slice %arg4[%mul3A_2] : memref<10240xf32, #tpu.memory_space<hbm>> -> memref<640xf32, #tpu.memory_space<hbm>>
      tpu.enqueue_dma source(%dma_start3A_9 : memref<640xf32, #tpu.memory_space<hbm>>) target(%dma_start3A : memref<640xf32, #tpu.memory_space<vmem_shared>>) target_semaphore(%run_scoped3A : memref<!tpu.dma_semaphore, #tpu.memory_space<semaphore_mem>>)
      %dma_wait3A = tpu.memref_slice %arg8[%mul3A_2] : memref<10240xf32, #tpu.memory_space<vmem_shared>> -> memref<640xf32, #tpu.memory_space<vmem_shared>>
      %dma_wait3A_10 = tpu.memref_slice %arg4[%mul3A_2] : memref<10240xf32, #tpu.memory_space<hbm>> -> memref<640xf32, #tpu.memory_space<hbm>>
      tpu.wait_dma2 semaphore(%run_scoped3A : memref<!tpu.dma_semaphore, #tpu.memory_space<semaphore_mem>>) src(%dma_wait3A_10 : memref<640xf32, #tpu.memory_space<hbm>>) dst(%dma_wait3A : memref<640xf32, #tpu.memory_space<vmem_shared>>)
      tpu.yield
    }) : () -> ()
    %barrier3A = arith.constant 0 : index
    tpu.barrier barrier_id(%barrier3A)
    %scan3A = arith.constant 0 : i32
    %scan3A_3 = arith.constant 0 : i32
    %scan3A_4 = arith.constant 40 : i32
    %scan3A_5 = arith.addi %scan3A_3, %scan3A_4 : i32
    %scan3A_6 = arith.constant 1 : i32
    scf.for %scan3A_9 = %scan3A_3 to %scan3A_5 step %scan3A_6  : i32 {
      "tpu.region"() ({
        %run_scoped3A = tpu.sem_alloc : memref<!tpu.dma_semaphore, #tpu.memory_space<semaphore_mem>>
        %dma_start3A = arith.constant 0 : i32
        %dma_start3A_10 = tpu.memref_slice %arg6[%scan3A_9, %dma_start3A] : memref<40x128xi32, #tpu.memory_space<vmem>> -> memref<1x128xi32, #tpu.memory_space<vmem>>
        %dma_start3A_11 = tpu.memref_squeeze %dma_start3A_10 : memref<1x128xi32, #tpu.memory_space<vmem>> -> memref<128xi32, #tpu.memory_space<vmem>>
        %dma_start3A_12 = arith.constant 0 : i32
        %dma_start3A_13 = tpu.memref_slice %arg8[%dma_start3A_12] : memref<10240xf32, #tpu.memory_space<vmem_shared>> -> memref<10240xf32, #tpu.memory_space<vmem_shared>>
        tpu.enqueue_indirect_dma source(%arg7 : memref<128xf32, #tpu.memory_space<vmem>>) target(%dma_start3A_13 : memref<10240xf32, #tpu.memory_space<vmem_shared>>) offsets(%dma_start3A_11 : memref<128xi32, #tpu.memory_space<vmem>>) semaphore(%run_scoped3A : memref<!tpu.dma_semaphore, #tpu.memory_space<semaphore_mem>>) {add = true}
        %dma_wait3A = arith.constant 0 : i32
        %dma_wait3A_14 = tpu.memref_slice %arg6[%scan3A_9, %dma_wait3A] : memref<40x128xi32, #tpu.memory_space<vmem>> -> memref<1x128xi32, #tpu.memory_space<vmem>>
        %dma_wait3A_15 = tpu.memref_squeeze %dma_wait3A_14 : memref<1x128xi32, #tpu.memory_space<vmem>> -> memref<128xi32, #tpu.memory_space<vmem>>
        %dma_wait3A_16 = arith.constant 0 : i32
        %dma_wait3A_17 = tpu.memref_slice %arg8[%dma_wait3A_16] : memref<10240xf32, #tpu.memory_space<vmem_shared>> -> memref<10240xf32, #tpu.memory_space<vmem_shared>>
        tpu.wait_indirect_dma semaphore(%run_scoped3A : memref<!tpu.dma_semaphore, #tpu.memory_space<semaphore_mem>>) src(%arg7 : memref<128xf32, #tpu.memory_space<vmem>>) dst(%dma_wait3A_17 : memref<10240xf32, #tpu.memory_space<vmem_shared>>)
        tpu.yield
      }) : () -> ()
    }
    %scan3A_7 = arith.constant 40 : i32
    %barrier3A_8 = arith.constant 0 : index
    tpu.barrier barrier_id(%barrier3A_8)
    "tpu.region"() ({
      %run_scoped3A = tpu.sem_alloc : memref<!tpu.dma_semaphore, #tpu.memory_space<semaphore_mem>>
      %dma_start3A = tpu.memref_slice %arg5[%arg0, %mul3A_2] : memref<2x10240xf32, #tpu.memory_space<hbm>> -> memref<1x640xf32, #tpu.memory_space<hbm>>
      %dma_start3A_9 = tpu.memref_squeeze %dma_start3A : memref<1x640xf32, #tpu.memory_space<hbm>> -> memref<640xf32, #tpu.memory_space<hbm>>
      %dma_start3A_10 = tpu.memref_slice %arg8[%mul3A_2] : memref<10240xf32, #tpu.memory_space<vmem_shared>> -> memref<640xf32, #tpu.memory_space<vmem_shared>>
      tpu.enqueue_dma source(%dma_start3A_10 : memref<640xf32, #tpu.memory_space<vmem_shared>>) target(%dma_start3A_9 : memref<640xf32, #tpu.memory_space<hbm>>) target_semaphore(%run_scoped3A : memref<!tpu.dma_semaphore, #tpu.memory_space<semaphore_mem>>)
      %dma_wait3A = tpu.memref_slice %arg5[%arg0, %mul3A_2] : memref<2x10240xf32, #tpu.memory_space<hbm>> -> memref<1x640xf32, #tpu.memory_space<hbm>>
      %dma_wait3A_11 = tpu.memref_squeeze %dma_wait3A : memref<1x640xf32, #tpu.memory_space<hbm>> -> memref<640xf32, #tpu.memory_space<hbm>>
      %dma_wait3A_12 = tpu.memref_slice %arg8[%mul3A_2] : memref<10240xf32, #tpu.memory_space<vmem_shared>> -> memref<640xf32, #tpu.memory_space<vmem_shared>>
      tpu.wait_dma2 semaphore(%run_scoped3A : memref<!tpu.dma_semaphore, #tpu.memory_space<semaphore_mem>>) src(%dma_wait3A_12 : memref<640xf32, #tpu.memory_space<vmem_shared>>) dst(%dma_wait3A_11 : memref<640xf32, #tpu.memory_space<hbm>>)
      tpu.yield
    }) : () -> ()
    return
  }
}

#map = affine_map<(d0, d1) -> (0, 0, 0)>
#map1 = affine_map<(d0, d1) -> (0, 0)>
#map2 = affine_map<(d0, d1) -> (0, 0, 0, 0)>
module attributes {stable_mosaic.version = 14 : i64} {
  func.func @_agg_body(%arg0: i32, %arg1: i32, %arg2: memref<2x10240x128xf32, #tpu.memory_space<hbm>>, %arg3: memref<32x40x128xi32, #tpu.memory_space<hbm>>, %arg4: memref<32x40x128xi32, #tpu.memory_space<hbm>>, %arg5: memref<10240x128xf32, #tpu.memory_space<hbm>>, %arg6: memref<2x2x10240x128xf32, #tpu.memory_space<hbm>>, %arg7: memref<40x128xi32, #tpu.memory_space<vmem>>, %arg8: memref<40x128xi32, #tpu.memory_space<vmem>>, %arg9: memref<128x128xf32, #tpu.memory_space<vmem>>, %arg10: memref<128x128xf32, #tpu.memory_space<vmem>>, %arg11: memref<10240x128xf32, #tpu.memory_space<vmem_shared>>, %arg12: memref<!tpu.dma_semaphore, #tpu.memory_space<semaphore_mem>>, %arg13: memref<!tpu.dma_semaphore, #tpu.memory_space<semaphore_mem>>) attributes {dimension_semantics = [#tpu.dimension_semantics<core_parallel>, #tpu.dimension_semantics<subcore_parallel>], iteration_bounds = array<i64: 2, 16>, scalar_prefetch = 0 : i64, scratch_operands = 7 : i64, tpu.core_type = #tpu.core_type<sc_vector_subcore>, window_params = [{transform_indices = #map}, {transform_indices = #map}, {transform_indices = #map}, {transform_indices = #map1}, {transform_indices = #map2}]} {
    %mul3A = arith.constant 16 : i32
    %mul3A_0 = arith.muli %arg0, %mul3A : i32
    %add3A = arith.addi %mul3A_0, %arg1 : i32
    %mul3A_1 = arith.constant 640 : i32
    %mul3A_2 = arith.muli %arg1, %mul3A_1 : i32
    "tpu.region"() ({
      %run_scoped3A_62 = tpu.sem_alloc : memref<!tpu.dma_semaphore, #tpu.memory_space<semaphore_mem>>
      %dma_start3A_63 = arith.constant 0 : i32
      %dma_start3A_64 = arith.constant 0 : i32
      %dma_start3A_65 = tpu.memref_slice %arg3[%add3A, %dma_start3A_63, %dma_start3A_64] : memref<32x40x128xi32, #tpu.memory_space<hbm>> -> memref<1x40x128xi32, #tpu.memory_space<hbm>>
      %dma_start3A_66 = tpu.memref_squeeze %dma_start3A_65 : memref<1x40x128xi32, #tpu.memory_space<hbm>> -> memref<40x128xi32, #tpu.memory_space<hbm>>
      %dma_start3A_67 = arith.constant 0 : i32
      %dma_start3A_68 = arith.constant 0 : i32
      %dma_start3A_69 = tpu.memref_slice %arg3[%add3A, %dma_start3A_67, %dma_start3A_68] : memref<32x40x128xi32, #tpu.memory_space<hbm>> -> memref<1x40x128xi32, #tpu.memory_space<hbm>>
      %dma_start3A_70 = tpu.memref_squeeze %dma_start3A_69 : memref<1x40x128xi32, #tpu.memory_space<hbm>> -> memref<40x128xi32, #tpu.memory_space<hbm>>
      tpu.enqueue_dma source(%dma_start3A_70 : memref<40x128xi32, #tpu.memory_space<hbm>>) target(%arg7 : memref<40x128xi32, #tpu.memory_space<vmem>>) target_semaphore(%run_scoped3A_62 : memref<!tpu.dma_semaphore, #tpu.memory_space<semaphore_mem>>)
      %dma_wait3A = arith.constant 0 : i32
      %dma_wait3A_71 = arith.constant 0 : i32
      %dma_wait3A_72 = tpu.memref_slice %arg3[%add3A, %dma_wait3A, %dma_wait3A_71] : memref<32x40x128xi32, #tpu.memory_space<hbm>> -> memref<1x40x128xi32, #tpu.memory_space<hbm>>
      %dma_wait3A_73 = tpu.memref_squeeze %dma_wait3A_72 : memref<1x40x128xi32, #tpu.memory_space<hbm>> -> memref<40x128xi32, #tpu.memory_space<hbm>>
      %dma_wait3A_74 = arith.constant 0 : i32
      %dma_wait3A_75 = arith.constant 0 : i32
      %dma_wait3A_76 = tpu.memref_slice %arg3[%add3A, %dma_wait3A_74, %dma_wait3A_75] : memref<32x40x128xi32, #tpu.memory_space<hbm>> -> memref<1x40x128xi32, #tpu.memory_space<hbm>>
      %dma_wait3A_77 = tpu.memref_squeeze %dma_wait3A_76 : memref<1x40x128xi32, #tpu.memory_space<hbm>> -> memref<40x128xi32, #tpu.memory_space<hbm>>
      tpu.wait_dma2 semaphore(%run_scoped3A_62 : memref<!tpu.dma_semaphore, #tpu.memory_space<semaphore_mem>>) src(%dma_wait3A_77 : memref<40x128xi32, #tpu.memory_space<hbm>>) dst(%arg7 : memref<40x128xi32, #tpu.memory_space<vmem>>)
      tpu.yield
    }) : () -> ()
    "tpu.region"() ({
      %run_scoped3A_62 = tpu.sem_alloc : memref<!tpu.dma_semaphore, #tpu.memory_space<semaphore_mem>>
      %dma_start3A_63 = arith.constant 0 : i32
      %dma_start3A_64 = arith.constant 0 : i32
      %dma_start3A_65 = tpu.memref_slice %arg4[%add3A, %dma_start3A_63, %dma_start3A_64] : memref<32x40x128xi32, #tpu.memory_space<hbm>> -> memref<1x40x128xi32, #tpu.memory_space<hbm>>
      %dma_start3A_66 = tpu.memref_squeeze %dma_start3A_65 : memref<1x40x128xi32, #tpu.memory_space<hbm>> -> memref<40x128xi32, #tpu.memory_space<hbm>>
      %dma_start3A_67 = arith.constant 0 : i32
      %dma_start3A_68 = arith.constant 0 : i32
      %dma_start3A_69 = tpu.memref_slice %arg4[%add3A, %dma_start3A_67, %dma_start3A_68] : memref<32x40x128xi32, #tpu.memory_space<hbm>> -> memref<1x40x128xi32, #tpu.memory_space<hbm>>
      %dma_start3A_70 = tpu.memref_squeeze %dma_start3A_69 : memref<1x40x128xi32, #tpu.memory_space<hbm>> -> memref<40x128xi32, #tpu.memory_space<hbm>>
      tpu.enqueue_dma source(%dma_start3A_70 : memref<40x128xi32, #tpu.memory_space<hbm>>) target(%arg8 : memref<40x128xi32, #tpu.memory_space<vmem>>) target_semaphore(%run_scoped3A_62 : memref<!tpu.dma_semaphore, #tpu.memory_space<semaphore_mem>>)
      %dma_wait3A = arith.constant 0 : i32
      %dma_wait3A_71 = arith.constant 0 : i32
      %dma_wait3A_72 = tpu.memref_slice %arg4[%add3A, %dma_wait3A, %dma_wait3A_71] : memref<32x40x128xi32, #tpu.memory_space<hbm>> -> memref<1x40x128xi32, #tpu.memory_space<hbm>>
      %dma_wait3A_73 = tpu.memref_squeeze %dma_wait3A_72 : memref<1x40x128xi32, #tpu.memory_space<hbm>> -> memref<40x128xi32, #tpu.memory_space<hbm>>
      %dma_wait3A_74 = arith.constant 0 : i32
      %dma_wait3A_75 = arith.constant 0 : i32
      %dma_wait3A_76 = tpu.memref_slice %arg4[%add3A, %dma_wait3A_74, %dma_wait3A_75] : memref<32x40x128xi32, #tpu.memory_space<hbm>> -> memref<1x40x128xi32, #tpu.memory_space<hbm>>
      %dma_wait3A_77 = tpu.memref_squeeze %dma_wait3A_76 : memref<1x40x128xi32, #tpu.memory_space<hbm>> -> memref<40x128xi32, #tpu.memory_space<hbm>>
      tpu.wait_dma2 semaphore(%run_scoped3A_62 : memref<!tpu.dma_semaphore, #tpu.memory_space<semaphore_mem>>) src(%dma_wait3A_77 : memref<40x128xi32, #tpu.memory_space<hbm>>) dst(%arg8 : memref<40x128xi32, #tpu.memory_space<vmem>>)
      tpu.yield
    }) : () -> ()
    %eq3A = arith.constant 0 : i32
    %eq3A_3 = arith.cmpi eq, %arg0, %eq3A : i32
    %convert_element_type3A = arith.extui %eq3A_3 : i1 to i32
    %cond3A = arith.constant 0 : i32
    %cond3A_4 = arith.constant 0 : i32
    %cond3A_5 = arith.cmpi ne, %convert_element_type3A, %cond3A_4 : i32
    scf.if %cond3A_5 {
      "tpu.region"() ({
        %run_scoped3A_62 = tpu.sem_alloc : memref<!tpu.dma_semaphore, #tpu.memory_space<semaphore_mem>>
        %dma_start3A_63 = arith.constant 0 : i32
        %dma_start3A_64 = tpu.memref_slice %arg11[%mul3A_2, %dma_start3A_63] : memref<10240x128xf32, #tpu.memory_space<vmem_shared>> -> memref<640x128xf32, #tpu.memory_space<vmem_shared>>
        %dma_start3A_65 = arith.constant 0 : i32
        %dma_start3A_66 = arith.constant 0 : i32
        %dma_start3A_67 = tpu.memref_slice %arg2[%cond3A, %dma_start3A_65, %dma_start3A_66] : memref<2x10240x128xf32, #tpu.memory_space<hbm>> -> memref<1x10240x128xf32, #tpu.memory_space<hbm>>
        %dma_start3A_68 = tpu.memref_squeeze %dma_start3A_67 : memref<1x10240x128xf32, #tpu.memory_space<hbm>> -> memref<10240x128xf32, #tpu.memory_space<hbm>>
        %dma_start3A_69 = arith.constant 0 : i32
        %dma_start3A_70 = tpu.memref_slice %dma_start3A_68[%mul3A_2, %dma_start3A_69] : memref<10240x128xf32, #tpu.memory_space<hbm>> -> memref<640x128xf32, #tpu.memory_space<hbm>>
        tpu.enqueue_dma source(%dma_start3A_70 : memref<640x128xf32, #tpu.memory_space<hbm>>) target(%dma_start3A_64 : memref<640x128xf32, #tpu.memory_space<vmem_shared>>) target_semaphore(%run_scoped3A_62 : memref<!tpu.dma_semaphore, #tpu.memory_space<semaphore_mem>>)
        %dma_wait3A = arith.constant 0 : i32
        %dma_wait3A_71 = tpu.memref_slice %arg11[%mul3A_2, %dma_wait3A] : memref<10240x128xf32, #tpu.memory_space<vmem_shared>> -> memref<640x128xf32, #tpu.memory_space<vmem_shared>>
        %dma_wait3A_72 = arith.constant 0 : i32
        %dma_wait3A_73 = arith.constant 0 : i32
        %dma_wait3A_74 = tpu.memref_slice %arg2[%cond3A, %dma_wait3A_72, %dma_wait3A_73] : memref<2x10240x128xf32, #tpu.memory_space<hbm>> -> memref<1x10240x128xf32, #tpu.memory_space<hbm>>
        %dma_wait3A_75 = tpu.memref_squeeze %dma_wait3A_74 : memref<1x10240x128xf32, #tpu.memory_space<hbm>> -> memref<10240x128xf32, #tpu.memory_space<hbm>>
        %dma_wait3A_76 = arith.constant 0 : i32
        %dma_wait3A_77 = tpu.memref_slice %dma_wait3A_75[%mul3A_2, %dma_wait3A_76] : memref<10240x128xf32, #tpu.memory_space<hbm>> -> memref<640x128xf32, #tpu.memory_space<hbm>>
        tpu.wait_dma2 semaphore(%run_scoped3A_62 : memref<!tpu.dma_semaphore, #tpu.memory_space<semaphore_mem>>) src(%dma_wait3A_77 : memref<640x128xf32, #tpu.memory_space<hbm>>) dst(%dma_wait3A_71 : memref<640x128xf32, #tpu.memory_space<vmem_shared>>)
        tpu.yield
      }) : () -> ()
    } else {
    }
    %eq3A_6 = arith.constant 1 : i32
    %eq3A_7 = arith.cmpi eq, %arg0, %eq3A_6 : i32
    %convert_element_type3A_8 = arith.extui %eq3A_7 : i1 to i32
    %cond3A_9 = arith.constant 0 : i32
    %cond3A_10 = arith.cmpi ne, %convert_element_type3A_8, %cond3A_9 : i32
    scf.if %cond3A_10 {
      "tpu.region"() ({
        %run_scoped3A_62 = tpu.sem_alloc : memref<!tpu.dma_semaphore, #tpu.memory_space<semaphore_mem>>
        %dma_start3A_63 = arith.constant 0 : i32
        %dma_start3A_64 = tpu.memref_slice %arg11[%mul3A_2, %dma_start3A_63] : memref<10240x128xf32, #tpu.memory_space<vmem_shared>> -> memref<640x128xf32, #tpu.memory_space<vmem_shared>>
        %dma_start3A_65 = arith.constant 0 : i32
        %dma_start3A_66 = tpu.memref_slice %arg5[%mul3A_2, %dma_start3A_65] : memref<10240x128xf32, #tpu.memory_space<hbm>> -> memref<640x128xf32, #tpu.memory_space<hbm>>
        tpu.enqueue_dma source(%dma_start3A_66 : memref<640x128xf32, #tpu.memory_space<hbm>>) target(%dma_start3A_64 : memref<640x128xf32, #tpu.memory_space<vmem_shared>>) target_semaphore(%run_scoped3A_62 : memref<!tpu.dma_semaphore, #tpu.memory_space<semaphore_mem>>)
        %dma_wait3A = arith.constant 0 : i32
        %dma_wait3A_67 = tpu.memref_slice %arg11[%mul3A_2, %dma_wait3A] : memref<10240x128xf32, #tpu.memory_space<vmem_shared>> -> memref<640x128xf32, #tpu.memory_space<vmem_shared>>
        %dma_wait3A_68 = arith.constant 0 : i32
        %dma_wait3A_69 = tpu.memref_slice %arg5[%mul3A_2, %dma_wait3A_68] : memref<10240x128xf32, #tpu.memory_space<hbm>> -> memref<640x128xf32, #tpu.memory_space<hbm>>
        tpu.wait_dma2 semaphore(%run_scoped3A_62 : memref<!tpu.dma_semaphore, #tpu.memory_space<semaphore_mem>>) src(%dma_wait3A_69 : memref<640x128xf32, #tpu.memory_space<hbm>>) dst(%dma_wait3A_67 : memref<640x128xf32, #tpu.memory_space<vmem_shared>>)
        tpu.yield
      }) : () -> ()
    } else {
    }
    %barrier3A = arith.constant 0 : index
    tpu.barrier barrier_id(%barrier3A)
    %dma_start3A = arith.constant 0 : i32
    %dma_start3A_11 = arith.constant 0 : i32
    %dma_start3A_12 = arith.constant 0 : i32
    %dma_start3A_13 = tpu.memref_slice %arg7[%dma_start3A_11, %dma_start3A_12] : memref<40x128xi32, #tpu.memory_space<vmem>> -> memref<1x128xi32, #tpu.memory_space<vmem>>
    %dma_start3A_14 = tpu.memref_squeeze %dma_start3A_13 : memref<1x128xi32, #tpu.memory_space<vmem>> -> memref<128xi32, #tpu.memory_space<vmem>>
    %dma_start3A_15 = arith.constant 0 : i32
    %dma_start3A_16 = arith.constant 0 : i32
    %dma_start3A_17 = tpu.memref_slice %arg2[%dma_start3A, %dma_start3A_15, %dma_start3A_16] : memref<2x10240x128xf32, #tpu.memory_space<hbm>> -> memref<1x10240x128xf32, #tpu.memory_space<hbm>>
    %dma_start3A_18 = tpu.memref_squeeze %dma_start3A_17 : memref<1x10240x128xf32, #tpu.memory_space<hbm>> -> memref<10240x128xf32, #tpu.memory_space<hbm>>
    %dma_start3A_19 = arith.constant 0 : i32
    %dma_start3A_20 = arith.constant 0 : i32
    %dma_start3A_21 = tpu.memref_slice %dma_start3A_18[%dma_start3A_19, %dma_start3A_20] : memref<10240x128xf32, #tpu.memory_space<hbm>> -> memref<10240x128xf32, #tpu.memory_space<hbm>>
    tpu.enqueue_indirect_dma source(%dma_start3A_21 : memref<10240x128xf32, #tpu.memory_space<hbm>>) target(%arg9 : memref<128x128xf32, #tpu.memory_space<vmem>>) offsets(%dma_start3A_14 : memref<128xi32, #tpu.memory_space<vmem>>) semaphore(%arg12 : memref<!tpu.dma_semaphore, #tpu.memory_space<semaphore_mem>>)
    %scan3A = arith.constant 0 : i32
    %scan3A_22 = arith.constant 0 : i32
    %scan3A_23 = arith.constant 0 : i32
    %scan3A_24 = arith.constant 20 : i32
    %scan3A_25 = arith.addi %scan3A_23, %scan3A_24 : i32
    %scan3A_26 = arith.constant 1 : i32
    scf.for %scan3A_62 = %scan3A_23 to %scan3A_25 step %scan3A_26  : i32 {
      %mul3A_63 = arith.constant 2 : i32
      %mul3A_64 = arith.muli %mul3A_63, %scan3A_62 : i32
      %add3A_65 = arith.constant 1 : i32
      %add3A_66 = arith.addi %mul3A_64, %add3A_65 : i32
      %dma_start3A_67 = arith.constant 0 : i32
      %dma_start3A_68 = tpu.memref_slice %arg7[%add3A_66, %dma_start3A_67] : memref<40x128xi32, #tpu.memory_space<vmem>> -> memref<1x128xi32, #tpu.memory_space<vmem>>
      %dma_start3A_69 = tpu.memref_squeeze %dma_start3A_68 : memref<1x128xi32, #tpu.memory_space<vmem>> -> memref<128xi32, #tpu.memory_space<vmem>>
      %dma_start3A_70 = arith.constant 0 : i32
      %dma_start3A_71 = arith.constant 0 : i32
      %dma_start3A_72 = tpu.memref_slice %arg2[%scan3A_22, %dma_start3A_70, %dma_start3A_71] : memref<2x10240x128xf32, #tpu.memory_space<hbm>> -> memref<1x10240x128xf32, #tpu.memory_space<hbm>>
      %dma_start3A_73 = tpu.memref_squeeze %dma_start3A_72 : memref<1x10240x128xf32, #tpu.memory_space<hbm>> -> memref<10240x128xf32, #tpu.memory_space<hbm>>
      %dma_start3A_74 = arith.constant 0 : i32
      %dma_start3A_75 = arith.constant 0 : i32
      %dma_start3A_76 = tpu.memref_slice %dma_start3A_73[%dma_start3A_74, %dma_start3A_75] : memref<10240x128xf32, #tpu.memory_space<hbm>> -> memref<10240x128xf32, #tpu.memory_space<hbm>>
      tpu.enqueue_indirect_dma source(%dma_start3A_76 : memref<10240x128xf32, #tpu.memory_space<hbm>>) target(%arg10 : memref<128x128xf32, #tpu.memory_space<vmem>>) offsets(%dma_start3A_69 : memref<128xi32, #tpu.memory_space<vmem>>) semaphore(%arg13 : memref<!tpu.dma_semaphore, #tpu.memory_space<semaphore_mem>>)
      %dma_wait3A = arith.constant 0 : i32
      %dma_wait3A_77 = tpu.memref_slice %arg7[%mul3A_64, %dma_wait3A] : memref<40x128xi32, #tpu.memory_space<vmem>> -> memref<1x128xi32, #tpu.memory_space<vmem>>
      %dma_wait3A_78 = tpu.memref_squeeze %dma_wait3A_77 : memref<1x128xi32, #tpu.memory_space<vmem>> -> memref<128xi32, #tpu.memory_space<vmem>>
      %dma_wait3A_79 = arith.constant 0 : i32
      %dma_wait3A_80 = arith.constant 0 : i32
      %dma_wait3A_81 = tpu.memref_slice %arg2[%scan3A_22, %dma_wait3A_79, %dma_wait3A_80] : memref<2x10240x128xf32, #tpu.memory_space<hbm>> -> memref<1x10240x128xf32, #tpu.memory_space<hbm>>
      %dma_wait3A_82 = tpu.memref_squeeze %dma_wait3A_81 : memref<1x10240x128xf32, #tpu.memory_space<hbm>> -> memref<10240x128xf32, #tpu.memory_space<hbm>>
      %dma_wait3A_83 = arith.constant 0 : i32
      %dma_wait3A_84 = arith.constant 0 : i32
      %dma_wait3A_85 = tpu.memref_slice %dma_wait3A_82[%dma_wait3A_83, %dma_wait3A_84] : memref<10240x128xf32, #tpu.memory_space<hbm>> -> memref<10240x128xf32, #tpu.memory_space<hbm>>
      tpu.wait_indirect_dma semaphore(%arg12 : memref<!tpu.dma_semaphore, #tpu.memory_space<semaphore_mem>>) src(%dma_wait3A_85 : memref<10240x128xf32, #tpu.memory_space<hbm>>) dst(%arg9 : memref<128x128xf32, #tpu.memory_space<vmem>>)
      "tpu.region"() ({
        %run_scoped3A_104 = tpu.sem_alloc : memref<!tpu.dma_semaphore, #tpu.memory_space<semaphore_mem>>
        %dma_start3A_105 = arith.constant 0 : i32
        %dma_start3A_106 = tpu.memref_slice %arg8[%mul3A_64, %dma_start3A_105] : memref<40x128xi32, #tpu.memory_space<vmem>> -> memref<1x128xi32, #tpu.memory_space<vmem>>
        %dma_start3A_107 = tpu.memref_squeeze %dma_start3A_106 : memref<1x128xi32, #tpu.memory_space<vmem>> -> memref<128xi32, #tpu.memory_space<vmem>>
        %dma_start3A_108 = arith.constant 0 : i32
        %dma_start3A_109 = arith.constant 0 : i32
        %dma_start3A_110 = tpu.memref_slice %arg11[%dma_start3A_108, %dma_start3A_109] : memref<10240x128xf32, #tpu.memory_space<vmem_shared>> -> memref<10240x128xf32, #tpu.memory_space<vmem_shared>>
        tpu.enqueue_indirect_dma source(%arg9 : memref<128x128xf32, #tpu.memory_space<vmem>>) target(%dma_start3A_110 : memref<10240x128xf32, #tpu.memory_space<vmem_shared>>) offsets(%dma_start3A_107 : memref<128xi32, #tpu.memory_space<vmem>>) semaphore(%run_scoped3A_104 : memref<!tpu.dma_semaphore, #tpu.memory_space<semaphore_mem>>) {add = true}
        %dma_wait3A_111 = arith.constant 0 : i32
        %dma_wait3A_112 = tpu.memref_slice %arg8[%mul3A_64, %dma_wait3A_111] : memref<40x128xi32, #tpu.memory_space<vmem>> -> memref<1x128xi32, #tpu.memory_space<vmem>>
        %dma_wait3A_113 = tpu.memref_squeeze %dma_wait3A_112 : memref<1x128xi32, #tpu.memory_space<vmem>> -> memref<128xi32, #tpu.memory_space<vmem>>
        %dma_wait3A_114 = arith.constant 0 : i32
        %dma_wait3A_115 = arith.constant 0 : i32
        %dma_wait3A_116 = tpu.memref_slice %arg11[%dma_wait3A_114, %dma_wait3A_115] : memref<10240x128xf32, #tpu.memory_space<vmem_shared>> -> memref<10240x128xf32, #tpu.memory_space<vmem_shared>>
        tpu.wait_indirect_dma semaphore(%run_scoped3A_104 : memref<!tpu.dma_semaphore, #tpu.memory_space<semaphore_mem>>) src(%arg9 : memref<128x128xf32, #tpu.memory_space<vmem>>) dst(%dma_wait3A_116 : memref<10240x128xf32, #tpu.memory_space<vmem_shared>>)
        tpu.yield
      }) : () -> ()
      %lt3A = arith.constant 19 : i32
      %lt3A_86 = arith.cmpi slt, %scan3A_62, %lt3A : i32
      %convert_element_type3A_87 = arith.extui %lt3A_86 : i1 to i32
      %cond3A_88 = arith.constant 0 : i32
      %cond3A_89 = arith.cmpi ne, %convert_element_type3A_87, %cond3A_88 : i32
      scf.if %cond3A_89 {
        %add3A_104 = arith.constant 2 : i32
        %add3A_105 = arith.addi %mul3A_64, %add3A_104 : i32
        %dma_start3A_106 = arith.constant 0 : i32
        %dma_start3A_107 = tpu.memref_slice %arg7[%add3A_105, %dma_start3A_106] : memref<40x128xi32, #tpu.memory_space<vmem>> -> memref<1x128xi32, #tpu.memory_space<vmem>>
        %dma_start3A_108 = tpu.memref_squeeze %dma_start3A_107 : memref<1x128xi32, #tpu.memory_space<vmem>> -> memref<128xi32, #tpu.memory_space<vmem>>
        %dma_start3A_109 = arith.constant 0 : i32
        %dma_start3A_110 = arith.constant 0 : i32
        %dma_start3A_111 = tpu.memref_slice %arg2[%scan3A_22, %dma_start3A_109, %dma_start3A_110] : memref<2x10240x128xf32, #tpu.memory_space<hbm>> -> memref<1x10240x128xf32, #tpu.memory_space<hbm>>
        %dma_start3A_112 = tpu.memref_squeeze %dma_start3A_111 : memref<1x10240x128xf32, #tpu.memory_space<hbm>> -> memref<10240x128xf32, #tpu.memory_space<hbm>>
        %dma_start3A_113 = arith.constant 0 : i32
        %dma_start3A_114 = arith.constant 0 : i32
        %dma_start3A_115 = tpu.memref_slice %dma_start3A_112[%dma_start3A_113, %dma_start3A_114] : memref<10240x128xf32, #tpu.memory_space<hbm>> -> memref<10240x128xf32, #tpu.memory_space<hbm>>
        tpu.enqueue_indirect_dma source(%dma_start3A_115 : memref<10240x128xf32, #tpu.memory_space<hbm>>) target(%arg9 : memref<128x128xf32, #tpu.memory_space<vmem>>) offsets(%dma_start3A_108 : memref<128xi32, #tpu.memory_space<vmem>>) semaphore(%arg12 : memref<!tpu.dma_semaphore, #tpu.memory_space<semaphore_mem>>)
      } else {
      }
      %add3A_90 = arith.constant 1 : i32
      %add3A_91 = arith.addi %mul3A_64, %add3A_90 : i32
      %dma_wait3A_92 = arith.constant 0 : i32
      %dma_wait3A_93 = tpu.memref_slice %arg7[%add3A_91, %dma_wait3A_92] : memref<40x128xi32, #tpu.memory_space<vmem>> -> memref<1x128xi32, #tpu.memory_space<vmem>>
      %dma_wait3A_94 = tpu.memref_squeeze %dma_wait3A_93 : memref<1x128xi32, #tpu.memory_space<vmem>> -> memref<128xi32, #tpu.memory_space<vmem>>
      %dma_wait3A_95 = arith.constant 0 : i32
      %dma_wait3A_96 = arith.constant 0 : i32
      %dma_wait3A_97 = tpu.memref_slice %arg2[%scan3A_22, %dma_wait3A_95, %dma_wait3A_96] : memref<2x10240x128xf32, #tpu.memory_space<hbm>> -> memref<1x10240x128xf32, #tpu.memory_space<hbm>>
      %dma_wait3A_98 = tpu.memref_squeeze %dma_wait3A_97 : memref<1x10240x128xf32, #tpu.memory_space<hbm>> -> memref<10240x128xf32, #tpu.memory_space<hbm>>
      %dma_wait3A_99 = arith.constant 0 : i32
      %dma_wait3A_100 = arith.constant 0 : i32
      %dma_wait3A_101 = tpu.memref_slice %dma_wait3A_98[%dma_wait3A_99, %dma_wait3A_100] : memref<10240x128xf32, #tpu.memory_space<hbm>> -> memref<10240x128xf32, #tpu.memory_space<hbm>>
      tpu.wait_indirect_dma semaphore(%arg13 : memref<!tpu.dma_semaphore, #tpu.memory_space<semaphore_mem>>) src(%dma_wait3A_101 : memref<10240x128xf32, #tpu.memory_space<hbm>>) dst(%arg10 : memref<128x128xf32, #tpu.memory_space<vmem>>)
      %add3A_102 = arith.constant 1 : i32
      %add3A_103 = arith.addi %mul3A_64, %add3A_102 : i32
      "tpu.region"() ({
        %run_scoped3A_104 = tpu.sem_alloc : memref<!tpu.dma_semaphore, #tpu.memory_space<semaphore_mem>>
        %dma_start3A_105 = arith.constant 0 : i32
        %dma_start3A_106 = tpu.memref_slice %arg8[%add3A_103, %dma_start3A_105] : memref<40x128xi32, #tpu.memory_space<vmem>> -> memref<1x128xi32, #tpu.memory_space<vmem>>
        %dma_start3A_107 = tpu.memref_squeeze %dma_start3A_106 : memref<1x128xi32, #tpu.memory_space<vmem>> -> memref<128xi32, #tpu.memory_space<vmem>>
        %dma_start3A_108 = arith.constant 0 : i32
        %dma_start3A_109 = arith.constant 0 : i32
        %dma_start3A_110 = tpu.memref_slice %arg11[%dma_start3A_108, %dma_start3A_109] : memref<10240x128xf32, #tpu.memory_space<vmem_shared>> -> memref<10240x128xf32, #tpu.memory_space<vmem_shared>>
        tpu.enqueue_indirect_dma source(%arg10 : memref<128x128xf32, #tpu.memory_space<vmem>>) target(%dma_start3A_110 : memref<10240x128xf32, #tpu.memory_space<vmem_shared>>) offsets(%dma_start3A_107 : memref<128xi32, #tpu.memory_space<vmem>>) semaphore(%run_scoped3A_104 : memref<!tpu.dma_semaphore, #tpu.memory_space<semaphore_mem>>) {add = true}
        %dma_wait3A_111 = arith.constant 0 : i32
        %dma_wait3A_112 = tpu.memref_slice %arg8[%add3A_103, %dma_wait3A_111] : memref<40x128xi32, #tpu.memory_space<vmem>> -> memref<1x128xi32, #tpu.memory_space<vmem>>
        %dma_wait3A_113 = tpu.memref_squeeze %dma_wait3A_112 : memref<1x128xi32, #tpu.memory_space<vmem>> -> memref<128xi32, #tpu.memory_space<vmem>>
        %dma_wait3A_114 = arith.constant 0 : i32
        %dma_wait3A_115 = arith.constant 0 : i32
        %dma_wait3A_116 = tpu.memref_slice %arg11[%dma_wait3A_114, %dma_wait3A_115] : memref<10240x128xf32, #tpu.memory_space<vmem_shared>> -> memref<10240x128xf32, #tpu.memory_space<vmem_shared>>
        tpu.wait_indirect_dma semaphore(%run_scoped3A_104 : memref<!tpu.dma_semaphore, #tpu.memory_space<semaphore_mem>>) src(%arg10 : memref<128x128xf32, #tpu.memory_space<vmem>>) dst(%dma_wait3A_116 : memref<10240x128xf32, #tpu.memory_space<vmem_shared>>)
        tpu.yield
      }) : () -> ()
    }
    %scan3A_27 = arith.constant 20 : i32
    %barrier3A_28 = arith.constant 0 : index
    tpu.barrier barrier_id(%barrier3A_28)
    %run_scoped3A = arith.constant 0 : i32
    "tpu.region"() ({
      %run_scoped3A_62 = tpu.sem_alloc : memref<!tpu.dma_semaphore, #tpu.memory_space<semaphore_mem>>
      %dma_start3A_63 = arith.constant 0 : i32
      %dma_start3A_64 = tpu.memref_slice %arg6[%run_scoped3A, %arg0, %mul3A_2, %dma_start3A_63] : memref<2x2x10240x128xf32, #tpu.memory_space<hbm>> -> memref<1x1x640x128xf32, #tpu.memory_space<hbm>>
      %dma_start3A_65 = tpu.memref_squeeze %dma_start3A_64 : memref<1x1x640x128xf32, #tpu.memory_space<hbm>> -> memref<640x128xf32, #tpu.memory_space<hbm>>
      %dma_start3A_66 = arith.constant 0 : i32
      %dma_start3A_67 = tpu.memref_slice %arg11[%mul3A_2, %dma_start3A_66] : memref<10240x128xf32, #tpu.memory_space<vmem_shared>> -> memref<640x128xf32, #tpu.memory_space<vmem_shared>>
      tpu.enqueue_dma source(%dma_start3A_67 : memref<640x128xf32, #tpu.memory_space<vmem_shared>>) target(%dma_start3A_65 : memref<640x128xf32, #tpu.memory_space<hbm>>) target_semaphore(%run_scoped3A_62 : memref<!tpu.dma_semaphore, #tpu.memory_space<semaphore_mem>>)
      %dma_wait3A = arith.constant 0 : i32
      %dma_wait3A_68 = tpu.memref_slice %arg6[%run_scoped3A, %arg0, %mul3A_2, %dma_wait3A] : memref<2x2x10240x128xf32, #tpu.memory_space<hbm>> -> memref<1x1x640x128xf32, #tpu.memory_space<hbm>>
      %dma_wait3A_69 = tpu.memref_squeeze %dma_wait3A_68 : memref<1x1x640x128xf32, #tpu.memory_space<hbm>> -> memref<640x128xf32, #tpu.memory_space<hbm>>
      %dma_wait3A_70 = arith.constant 0 : i32
      %dma_wait3A_71 = tpu.memref_slice %arg11[%mul3A_2, %dma_wait3A_70] : memref<10240x128xf32, #tpu.memory_space<vmem_shared>> -> memref<640x128xf32, #tpu.memory_space<vmem_shared>>
      tpu.wait_dma2 semaphore(%run_scoped3A_62 : memref<!tpu.dma_semaphore, #tpu.memory_space<semaphore_mem>>) src(%dma_wait3A_71 : memref<640x128xf32, #tpu.memory_space<vmem_shared>>) dst(%dma_wait3A_69 : memref<640x128xf32, #tpu.memory_space<hbm>>)
      tpu.yield
    }) : () -> ()
    %eq3A_29 = arith.constant 0 : i32
    %eq3A_30 = arith.cmpi eq, %arg0, %eq3A_29 : i32
    %convert_element_type3A_31 = arith.extui %eq3A_30 : i1 to i32
    %cond3A_32 = arith.constant 1 : i32
    %cond3A_33 = arith.constant 0 : i32
    %cond3A_34 = arith.cmpi ne, %convert_element_type3A_31, %cond3A_33 : i32
    scf.if %cond3A_34 {
      "tpu.region"() ({
        %run_scoped3A_62 = tpu.sem_alloc : memref<!tpu.dma_semaphore, #tpu.memory_space<semaphore_mem>>
        %dma_start3A_63 = arith.constant 0 : i32
        %dma_start3A_64 = tpu.memref_slice %arg11[%mul3A_2, %dma_start3A_63] : memref<10240x128xf32, #tpu.memory_space<vmem_shared>> -> memref<640x128xf32, #tpu.memory_space<vmem_shared>>
        %dma_start3A_65 = arith.constant 0 : i32
        %dma_start3A_66 = arith.constant 0 : i32
        %dma_start3A_67 = tpu.memref_slice %arg2[%cond3A_32, %dma_start3A_65, %dma_start3A_66] : memref<2x10240x128xf32, #tpu.memory_space<hbm>> -> memref<1x10240x128xf32, #tpu.memory_space<hbm>>
        %dma_start3A_68 = tpu.memref_squeeze %dma_start3A_67 : memref<1x10240x128xf32, #tpu.memory_space<hbm>> -> memref<10240x128xf32, #tpu.memory_space<hbm>>
        %dma_start3A_69 = arith.constant 0 : i32
        %dma_start3A_70 = tpu.memref_slice %dma_start3A_68[%mul3A_2, %dma_start3A_69] : memref<10240x128xf32, #tpu.memory_space<hbm>> -> memref<640x128xf32, #tpu.memory_space<hbm>>
        tpu.enqueue_dma source(%dma_start3A_70 : memref<640x128xf32, #tpu.memory_space<hbm>>) target(%dma_start3A_64 : memref<640x128xf32, #tpu.memory_space<vmem_shared>>) target_semaphore(%run_scoped3A_62 : memref<!tpu.dma_semaphore, #tpu.memory_space<semaphore_mem>>)
        %dma_wait3A = arith.constant 0 : i32
        %dma_wait3A_71 = tpu.memref_slice %arg11[%mul3A_2, %dma_wait3A] : memref<10240x128xf32, #tpu.memory_space<vmem_shared>> -> memref<640x128xf32, #tpu.memory_space<vmem_shared>>
        %dma_wait3A_72 = arith.constant 0 : i32
        %dma_wait3A_73 = arith.constant 0 : i32
        %dma_wait3A_74 = tpu.memref_slice %arg2[%cond3A_32, %dma_wait3A_72, %dma_wait3A_73] : memref<2x10240x128xf32, #tpu.memory_space<hbm>> -> memref<1x10240x128xf32, #tpu.memory_space<hbm>>
        %dma_wait3A_75 = tpu.memref_squeeze %dma_wait3A_74 : memref<1x10240x128xf32, #tpu.memory_space<hbm>> -> memref<10240x128xf32, #tpu.memory_space<hbm>>
        %dma_wait3A_76 = arith.constant 0 : i32
        %dma_wait3A_77 = tpu.memref_slice %dma_wait3A_75[%mul3A_2, %dma_wait3A_76] : memref<10240x128xf32, #tpu.memory_space<hbm>> -> memref<640x128xf32, #tpu.memory_space<hbm>>
        tpu.wait_dma2 semaphore(%run_scoped3A_62 : memref<!tpu.dma_semaphore, #tpu.memory_space<semaphore_mem>>) src(%dma_wait3A_77 : memref<640x128xf32, #tpu.memory_space<hbm>>) dst(%dma_wait3A_71 : memref<640x128xf32, #tpu.memory_space<vmem_shared>>)
        tpu.yield
      }) : () -> ()
    } else {
    }
    %eq3A_35 = arith.constant 1 : i32
    %eq3A_36 = arith.cmpi eq, %arg0, %eq3A_35 : i32
    %convert_element_type3A_37 = arith.extui %eq3A_36 : i1 to i32
    %cond3A_38 = arith.constant 0 : i32
    %cond3A_39 = arith.cmpi ne, %convert_element_type3A_37, %cond3A_38 : i32
    scf.if %cond3A_39 {
      "tpu.region"() ({
        %run_scoped3A_62 = tpu.sem_alloc : memref<!tpu.dma_semaphore, #tpu.memory_space<semaphore_mem>>
        %dma_start3A_63 = arith.constant 0 : i32
        %dma_start3A_64 = tpu.memref_slice %arg11[%mul3A_2, %dma_start3A_63] : memref<10240x128xf32, #tpu.memory_space<vmem_shared>> -> memref<640x128xf32, #tpu.memory_space<vmem_shared>>
        %dma_start3A_65 = arith.constant 0 : i32
        %dma_start3A_66 = tpu.memref_slice %arg5[%mul3A_2, %dma_start3A_65] : memref<10240x128xf32, #tpu.memory_space<hbm>> -> memref<640x128xf32, #tpu.memory_space<hbm>>
        tpu.enqueue_dma source(%dma_start3A_66 : memref<640x128xf32, #tpu.memory_space<hbm>>) target(%dma_start3A_64 : memref<640x128xf32, #tpu.memory_space<vmem_shared>>) target_semaphore(%run_scoped3A_62 : memref<!tpu.dma_semaphore, #tpu.memory_space<semaphore_mem>>)
        %dma_wait3A = arith.constant 0 : i32
        %dma_wait3A_67 = tpu.memref_slice %arg11[%mul3A_2, %dma_wait3A] : memref<10240x128xf32, #tpu.memory_space<vmem_shared>> -> memref<640x128xf32, #tpu.memory_space<vmem_shared>>
        %dma_wait3A_68 = arith.constant 0 : i32
        %dma_wait3A_69 = tpu.memref_slice %arg5[%mul3A_2, %dma_wait3A_68] : memref<10240x128xf32, #tpu.memory_space<hbm>> -> memref<640x128xf32, #tpu.memory_space<hbm>>
        tpu.wait_dma2 semaphore(%run_scoped3A_62 : memref<!tpu.dma_semaphore, #tpu.memory_space<semaphore_mem>>) src(%dma_wait3A_69 : memref<640x128xf32, #tpu.memory_space<hbm>>) dst(%dma_wait3A_67 : memref<640x128xf32, #tpu.memory_space<vmem_shared>>)
        tpu.yield
      }) : () -> ()
    } else {
    }
    %barrier3A_40 = arith.constant 0 : index
    tpu.barrier barrier_id(%barrier3A_40)
    %dma_start3A_41 = arith.constant 1 : i32
    %dma_start3A_42 = arith.constant 0 : i32
    %dma_start3A_43 = arith.constant 0 : i32
    %dma_start3A_44 = tpu.memref_slice %arg7[%dma_start3A_42, %dma_start3A_43] : memref<40x128xi32, #tpu.memory_space<vmem>> -> memref<1x128xi32, #tpu.memory_space<vmem>>
    %dma_start3A_45 = tpu.memref_squeeze %dma_start3A_44 : memref<1x128xi32, #tpu.memory_space<vmem>> -> memref<128xi32, #tpu.memory_space<vmem>>
    %dma_start3A_46 = arith.constant 0 : i32
    %dma_start3A_47 = arith.constant 0 : i32
    %dma_start3A_48 = tpu.memref_slice %arg2[%dma_start3A_41, %dma_start3A_46, %dma_start3A_47] : memref<2x10240x128xf32, #tpu.memory_space<hbm>> -> memref<1x10240x128xf32, #tpu.memory_space<hbm>>
    %dma_start3A_49 = tpu.memref_squeeze %dma_start3A_48 : memref<1x10240x128xf32, #tpu.memory_space<hbm>> -> memref<10240x128xf32, #tpu.memory_space<hbm>>
    %dma_start3A_50 = arith.constant 0 : i32
    %dma_start3A_51 = arith.constant 0 : i32
    %dma_start3A_52 = tpu.memref_slice %dma_start3A_49[%dma_start3A_50, %dma_start3A_51] : memref<10240x128xf32, #tpu.memory_space<hbm>> -> memref<10240x128xf32, #tpu.memory_space<hbm>>
    tpu.enqueue_indirect_dma source(%dma_start3A_52 : memref<10240x128xf32, #tpu.memory_space<hbm>>) target(%arg9 : memref<128x128xf32, #tpu.memory_space<vmem>>) offsets(%dma_start3A_45 : memref<128xi32, #tpu.memory_space<vmem>>) semaphore(%arg12 : memref<!tpu.dma_semaphore, #tpu.memory_space<semaphore_mem>>)
    %scan3A_53 = arith.constant 0 : i32
    %scan3A_54 = arith.constant 1 : i32
    %scan3A_55 = arith.constant 0 : i32
    %scan3A_56 = arith.constant 20 : i32
    %scan3A_57 = arith.addi %scan3A_55, %scan3A_56 : i32
    %scan3A_58 = arith.constant 1 : i32
    scf.for %scan3A_62 = %scan3A_55 to %scan3A_57 step %scan3A_58  : i32 {
      %mul3A_63 = arith.constant 2 : i32
      %mul3A_64 = arith.muli %mul3A_63, %scan3A_62 : i32
      %add3A_65 = arith.constant 1 : i32
      %add3A_66 = arith.addi %mul3A_64, %add3A_65 : i32
      %dma_start3A_67 = arith.constant 0 : i32
      %dma_start3A_68 = tpu.memref_slice %arg7[%add3A_66, %dma_start3A_67] : memref<40x128xi32, #tpu.memory_space<vmem>> -> memref<1x128xi32, #tpu.memory_space<vmem>>
      %dma_start3A_69 = tpu.memref_squeeze %dma_start3A_68 : memref<1x128xi32, #tpu.memory_space<vmem>> -> memref<128xi32, #tpu.memory_space<vmem>>
      %dma_start3A_70 = arith.constant 0 : i32
      %dma_start3A_71 = arith.constant 0 : i32
      %dma_start3A_72 = tpu.memref_slice %arg2[%scan3A_54, %dma_start3A_70, %dma_start3A_71] : memref<2x10240x128xf32, #tpu.memory_space<hbm>> -> memref<1x10240x128xf32, #tpu.memory_space<hbm>>
      %dma_start3A_73 = tpu.memref_squeeze %dma_start3A_72 : memref<1x10240x128xf32, #tpu.memory_space<hbm>> -> memref<10240x128xf32, #tpu.memory_space<hbm>>
      %dma_start3A_74 = arith.constant 0 : i32
      %dma_start3A_75 = arith.constant 0 : i32
      %dma_start3A_76 = tpu.memref_slice %dma_start3A_73[%dma_start3A_74, %dma_start3A_75] : memref<10240x128xf32, #tpu.memory_space<hbm>> -> memref<10240x128xf32, #tpu.memory_space<hbm>>
      tpu.enqueue_indirect_dma source(%dma_start3A_76 : memref<10240x128xf32, #tpu.memory_space<hbm>>) target(%arg10 : memref<128x128xf32, #tpu.memory_space<vmem>>) offsets(%dma_start3A_69 : memref<128xi32, #tpu.memory_space<vmem>>) semaphore(%arg13 : memref<!tpu.dma_semaphore, #tpu.memory_space<semaphore_mem>>)
      %dma_wait3A = arith.constant 0 : i32
      %dma_wait3A_77 = tpu.memref_slice %arg7[%mul3A_64, %dma_wait3A] : memref<40x128xi32, #tpu.memory_space<vmem>> -> memref<1x128xi32, #tpu.memory_space<vmem>>
      %dma_wait3A_78 = tpu.memref_squeeze %dma_wait3A_77 : memref<1x128xi32, #tpu.memory_space<vmem>> -> memref<128xi32, #tpu.memory_space<vmem>>
      %dma_wait3A_79 = arith.constant 0 : i32
      %dma_wait3A_80 = arith.constant 0 : i32
      %dma_wait3A_81 = tpu.memref_slice %arg2[%scan3A_54, %dma_wait3A_79, %dma_wait3A_80] : memref<2x10240x128xf32, #tpu.memory_space<hbm>> -> memref<1x10240x128xf32, #tpu.memory_space<hbm>>
      %dma_wait3A_82 = tpu.memref_squeeze %dma_wait3A_81 : memref<1x10240x128xf32, #tpu.memory_space<hbm>> -> memref<10240x128xf32, #tpu.memory_space<hbm>>
      %dma_wait3A_83 = arith.constant 0 : i32
      %dma_wait3A_84 = arith.constant 0 : i32
      %dma_wait3A_85 = tpu.memref_slice %dma_wait3A_82[%dma_wait3A_83, %dma_wait3A_84] : memref<10240x128xf32, #tpu.memory_space<hbm>> -> memref<10240x128xf32, #tpu.memory_space<hbm>>
      tpu.wait_indirect_dma semaphore(%arg12 : memref<!tpu.dma_semaphore, #tpu.memory_space<semaphore_mem>>) src(%dma_wait3A_85 : memref<10240x128xf32, #tpu.memory_space<hbm>>) dst(%arg9 : memref<128x128xf32, #tpu.memory_space<vmem>>)
      "tpu.region"() ({
        %run_scoped3A_104 = tpu.sem_alloc : memref<!tpu.dma_semaphore, #tpu.memory_space<semaphore_mem>>
        %dma_start3A_105 = arith.constant 0 : i32
        %dma_start3A_106 = tpu.memref_slice %arg8[%mul3A_64, %dma_start3A_105] : memref<40x128xi32, #tpu.memory_space<vmem>> -> memref<1x128xi32, #tpu.memory_space<vmem>>
        %dma_start3A_107 = tpu.memref_squeeze %dma_start3A_106 : memref<1x128xi32, #tpu.memory_space<vmem>> -> memref<128xi32, #tpu.memory_space<vmem>>
        %dma_start3A_108 = arith.constant 0 : i32
        %dma_start3A_109 = arith.constant 0 : i32
        %dma_start3A_110 = tpu.memref_slice %arg11[%dma_start3A_108, %dma_start3A_109] : memref<10240x128xf32, #tpu.memory_space<vmem_shared>> -> memref<10240x128xf32, #tpu.memory_space<vmem_shared>>
        tpu.enqueue_indirect_dma source(%arg9 : memref<128x128xf32, #tpu.memory_space<vmem>>) target(%dma_start3A_110 : memref<10240x128xf32, #tpu.memory_space<vmem_shared>>) offsets(%dma_start3A_107 : memref<128xi32, #tpu.memory_space<vmem>>) semaphore(%run_scoped3A_104 : memref<!tpu.dma_semaphore, #tpu.memory_space<semaphore_mem>>) {add = true}
        %dma_wait3A_111 = arith.constant 0 : i32
        %dma_wait3A_112 = tpu.memref_slice %arg8[%mul3A_64, %dma_wait3A_111] : memref<40x128xi32, #tpu.memory_space<vmem>> -> memref<1x128xi32, #tpu.memory_space<vmem>>
        %dma_wait3A_113 = tpu.memref_squeeze %dma_wait3A_112 : memref<1x128xi32, #tpu.memory_space<vmem>> -> memref<128xi32, #tpu.memory_space<vmem>>
        %dma_wait3A_114 = arith.constant 0 : i32
        %dma_wait3A_115 = arith.constant 0 : i32
        %dma_wait3A_116 = tpu.memref_slice %arg11[%dma_wait3A_114, %dma_wait3A_115] : memref<10240x128xf32, #tpu.memory_space<vmem_shared>> -> memref<10240x128xf32, #tpu.memory_space<vmem_shared>>
        tpu.wait_indirect_dma semaphore(%run_scoped3A_104 : memref<!tpu.dma_semaphore, #tpu.memory_space<semaphore_mem>>) src(%arg9 : memref<128x128xf32, #tpu.memory_space<vmem>>) dst(%dma_wait3A_116 : memref<10240x128xf32, #tpu.memory_space<vmem_shared>>)
        tpu.yield
      }) : () -> ()
      %lt3A = arith.constant 19 : i32
      %lt3A_86 = arith.cmpi slt, %scan3A_62, %lt3A : i32
      %convert_element_type3A_87 = arith.extui %lt3A_86 : i1 to i32
      %cond3A_88 = arith.constant 0 : i32
      %cond3A_89 = arith.cmpi ne, %convert_element_type3A_87, %cond3A_88 : i32
      scf.if %cond3A_89 {
        %add3A_104 = arith.constant 2 : i32
        %add3A_105 = arith.addi %mul3A_64, %add3A_104 : i32
        %dma_start3A_106 = arith.constant 0 : i32
        %dma_start3A_107 = tpu.memref_slice %arg7[%add3A_105, %dma_start3A_106] : memref<40x128xi32, #tpu.memory_space<vmem>> -> memref<1x128xi32, #tpu.memory_space<vmem>>
        %dma_start3A_108 = tpu.memref_squeeze %dma_start3A_107 : memref<1x128xi32, #tpu.memory_space<vmem>> -> memref<128xi32, #tpu.memory_space<vmem>>
        %dma_start3A_109 = arith.constant 0 : i32
        %dma_start3A_110 = arith.constant 0 : i32
        %dma_start3A_111 = tpu.memref_slice %arg2[%scan3A_54, %dma_start3A_109, %dma_start3A_110] : memref<2x10240x128xf32, #tpu.memory_space<hbm>> -> memref<1x10240x128xf32, #tpu.memory_space<hbm>>
        %dma_start3A_112 = tpu.memref_squeeze %dma_start3A_111 : memref<1x10240x128xf32, #tpu.memory_space<hbm>> -> memref<10240x128xf32, #tpu.memory_space<hbm>>
        %dma_start3A_113 = arith.constant 0 : i32
        %dma_start3A_114 = arith.constant 0 : i32
        %dma_start3A_115 = tpu.memref_slice %dma_start3A_112[%dma_start3A_113, %dma_start3A_114] : memref<10240x128xf32, #tpu.memory_space<hbm>> -> memref<10240x128xf32, #tpu.memory_space<hbm>>
        tpu.enqueue_indirect_dma source(%dma_start3A_115 : memref<10240x128xf32, #tpu.memory_space<hbm>>) target(%arg9 : memref<128x128xf32, #tpu.memory_space<vmem>>) offsets(%dma_start3A_108 : memref<128xi32, #tpu.memory_space<vmem>>) semaphore(%arg12 : memref<!tpu.dma_semaphore, #tpu.memory_space<semaphore_mem>>)
      } else {
      }
      %add3A_90 = arith.constant 1 : i32
      %add3A_91 = arith.addi %mul3A_64, %add3A_90 : i32
      %dma_wait3A_92 = arith.constant 0 : i32
      %dma_wait3A_93 = tpu.memref_slice %arg7[%add3A_91, %dma_wait3A_92] : memref<40x128xi32, #tpu.memory_space<vmem>> -> memref<1x128xi32, #tpu.memory_space<vmem>>
      %dma_wait3A_94 = tpu.memref_squeeze %dma_wait3A_93 : memref<1x128xi32, #tpu.memory_space<vmem>> -> memref<128xi32, #tpu.memory_space<vmem>>
      %dma_wait3A_95 = arith.constant 0 : i32
      %dma_wait3A_96 = arith.constant 0 : i32
      %dma_wait3A_97 = tpu.memref_slice %arg2[%scan3A_54, %dma_wait3A_95, %dma_wait3A_96] : memref<2x10240x128xf32, #tpu.memory_space<hbm>> -> memref<1x10240x128xf32, #tpu.memory_space<hbm>>
      %dma_wait3A_98 = tpu.memref_squeeze %dma_wait3A_97 : memref<1x10240x128xf32, #tpu.memory_space<hbm>> -> memref<10240x128xf32, #tpu.memory_space<hbm>>
      %dma_wait3A_99 = arith.constant 0 : i32
      %dma_wait3A_100 = arith.constant 0 : i32
      %dma_wait3A_101 = tpu.memref_slice %dma_wait3A_98[%dma_wait3A_99, %dma_wait3A_100] : memref<10240x128xf32, #tpu.memory_space<hbm>> -> memref<10240x128xf32, #tpu.memory_space<hbm>>
      tpu.wait_indirect_dma semaphore(%arg13 : memref<!tpu.dma_semaphore, #tpu.memory_space<semaphore_mem>>) src(%dma_wait3A_101 : memref<10240x128xf32, #tpu.memory_space<hbm>>) dst(%arg10 : memref<128x128xf32, #tpu.memory_space<vmem>>)
      %add3A_102 = arith.constant 1 : i32
      %add3A_103 = arith.addi %mul3A_64, %add3A_102 : i32
      "tpu.region"() ({
        %run_scoped3A_104 = tpu.sem_alloc : memref<!tpu.dma_semaphore, #tpu.memory_space<semaphore_mem>>
        %dma_start3A_105 = arith.constant 0 : i32
        %dma_start3A_106 = tpu.memref_slice %arg8[%add3A_103, %dma_start3A_105] : memref<40x128xi32, #tpu.memory_space<vmem>> -> memref<1x128xi32, #tpu.memory_space<vmem>>
        %dma_start3A_107 = tpu.memref_squeeze %dma_start3A_106 : memref<1x128xi32, #tpu.memory_space<vmem>> -> memref<128xi32, #tpu.memory_space<vmem>>
        %dma_start3A_108 = arith.constant 0 : i32
        %dma_start3A_109 = arith.constant 0 : i32
        %dma_start3A_110 = tpu.memref_slice %arg11[%dma_start3A_108, %dma_start3A_109] : memref<10240x128xf32, #tpu.memory_space<vmem_shared>> -> memref<10240x128xf32, #tpu.memory_space<vmem_shared>>
        tpu.enqueue_indirect_dma source(%arg10 : memref<128x128xf32, #tpu.memory_space<vmem>>) target(%dma_start3A_110 : memref<10240x128xf32, #tpu.memory_space<vmem_shared>>) offsets(%dma_start3A_107 : memref<128xi32, #tpu.memory_space<vmem>>) semaphore(%run_scoped3A_104 : memref<!tpu.dma_semaphore, #tpu.memory_space<semaphore_mem>>) {add = true}
        %dma_wait3A_111 = arith.constant 0 : i32
        %dma_wait3A_112 = tpu.memref_slice %arg8[%add3A_103, %dma_wait3A_111] : memref<40x128xi32, #tpu.memory_space<vmem>> -> memref<1x128xi32, #tpu.memory_space<vmem>>
        %dma_wait3A_113 = tpu.memref_squeeze %dma_wait3A_112 : memref<1x128xi32, #tpu.memory_space<vmem>> -> memref<128xi32, #tpu.memory_space<vmem>>
        %dma_wait3A_114 = arith.constant 0 : i32
        %dma_wait3A_115 = arith.constant 0 : i32
        %dma_wait3A_116 = tpu.memref_slice %arg11[%dma_wait3A_114, %dma_wait3A_115] : memref<10240x128xf32, #tpu.memory_space<vmem_shared>> -> memref<10240x128xf32, #tpu.memory_space<vmem_shared>>
        tpu.wait_indirect_dma semaphore(%run_scoped3A_104 : memref<!tpu.dma_semaphore, #tpu.memory_space<semaphore_mem>>) src(%arg10 : memref<128x128xf32, #tpu.memory_space<vmem>>) dst(%dma_wait3A_116 : memref<10240x128xf32, #tpu.memory_space<vmem_shared>>)
        tpu.yield
      }) : () -> ()
    }
    %scan3A_59 = arith.constant 20 : i32
    %barrier3A_60 = arith.constant 0 : index
    tpu.barrier barrier_id(%barrier3A_60)
    %run_scoped3A_61 = arith.constant 1 : i32
    "tpu.region"() ({
      %run_scoped3A_62 = tpu.sem_alloc : memref<!tpu.dma_semaphore, #tpu.memory_space<semaphore_mem>>
      %dma_start3A_63 = arith.constant 0 : i32
      %dma_start3A_64 = tpu.memref_slice %arg6[%run_scoped3A_61, %arg0, %mul3A_2, %dma_start3A_63] : memref<2x2x10240x128xf32, #tpu.memory_space<hbm>> -> memref<1x1x640x128xf32, #tpu.memory_space<hbm>>
      %dma_start3A_65 = tpu.memref_squeeze %dma_start3A_64 : memref<1x1x640x128xf32, #tpu.memory_space<hbm>> -> memref<640x128xf32, #tpu.memory_space<hbm>>
      %dma_start3A_66 = arith.constant 0 : i32
      %dma_start3A_67 = tpu.memref_slice %arg11[%mul3A_2, %dma_start3A_66] : memref<10240x128xf32, #tpu.memory_space<vmem_shared>> -> memref<640x128xf32, #tpu.memory_space<vmem_shared>>
      tpu.enqueue_dma source(%dma_start3A_67 : memref<640x128xf32, #tpu.memory_space<vmem_shared>>) target(%dma_start3A_65 : memref<640x128xf32, #tpu.memory_space<hbm>>) target_semaphore(%run_scoped3A_62 : memref<!tpu.dma_semaphore, #tpu.memory_space<semaphore_mem>>)
      %dma_wait3A = arith.constant 0 : i32
      %dma_wait3A_68 = tpu.memref_slice %arg6[%run_scoped3A_61, %arg0, %mul3A_2, %dma_wait3A] : memref<2x2x10240x128xf32, #tpu.memory_space<hbm>> -> memref<1x1x640x128xf32, #tpu.memory_space<hbm>>
      %dma_wait3A_69 = tpu.memref_squeeze %dma_wait3A_68 : memref<1x1x640x128xf32, #tpu.memory_space<hbm>> -> memref<640x128xf32, #tpu.memory_space<hbm>>
      %dma_wait3A_70 = arith.constant 0 : i32
      %dma_wait3A_71 = tpu.memref_slice %arg11[%mul3A_2, %dma_wait3A_70] : memref<10240x128xf32, #tpu.memory_space<vmem_shared>> -> memref<640x128xf32, #tpu.memory_space<vmem_shared>>
      tpu.wait_dma2 semaphore(%run_scoped3A_62 : memref<!tpu.dma_semaphore, #tpu.memory_space<semaphore_mem>>) src(%dma_wait3A_71 : memref<640x128xf32, #tpu.memory_space<vmem_shared>>) dst(%dma_wait3A_69 : memref<640x128xf32, #tpu.memory_space<hbm>>)
      tpu.yield
    }) : () -> ()
    return
  }
}

module attributes {stable_mosaic.version = 14 : i64} {
  func.func @_tc1_body(%arg0: i32, %arg1: memref<512x256xf32, #tpu.memory_space<vmem>>, %arg2: memref<256x512xf32, #tpu.memory_space<vmem>>, %arg3: memref<512x128xf32, #tpu.memory_space<vmem>>, %arg4: memref<4x512x128xf32, #tpu.memory_space<vmem>>) attributes {dimension_semantics = [#tpu.dimension_semantics<arbitrary>], iteration_bounds = array<i64: 20>, scalar_prefetch = 0 : i64, scratch_operands = 0 : i64, tpu.core_type = #tpu.core_type<tc>, window_params = [{transform_indices = @transform_0, window_bounds = array<i64: 512, 256>}, {pipeline_mode = #tpu.pipeline_mode<synchronous>, transform_indices = @transform_1, window_bounds = array<i64: 256, 512>}, {transform_indices = @transform_2, window_bounds = array<i64: 512, 128>}, {transform_indices = @transform_3, window_bounds = array<i64: 4, 512, 128>}]} {
    %get3A = arith.constant 0 : index
    %get3A_0 = arith.constant 0 : index
    %get3A_1 = vector.load %arg1[%get3A, %get3A_0] : memref<512x256xf32, #tpu.memory_space<vmem>>, vector<512x256xf32>
    %convert_element_type3A = arith.truncf %get3A_1 : vector<512x256xf32> to vector<512x256xbf16>
    %get3A_2 = arith.constant 0 : index
    %get3A_3 = arith.constant 0 : index
    %get3A_4 = vector.load %arg2[%get3A_2, %get3A_3] : memref<256x512xf32, #tpu.memory_space<vmem>>, vector<256x512xf32>
    %convert_element_type3A_5 = arith.truncf %get3A_4 : vector<256x512xf32> to vector<256x512xbf16>
    %dot_general3A = arith.constant dense<0.000000e+00> : vector<512x512xf32>
    %dot_general3A_6 = tpu.matmul %convert_element_type3A, %convert_element_type3A_5, %dot_general3A {dimension_numbers = #tpu.dot_dimension_numbers<[1], [0], [0], [1], [0, 0, 1, 1], [], []>, transpose_lhs_hint = false} : vector<512x256xbf16>, vector<256x512xbf16>, vector<512x512xf32> -> vector<512x512xf32>
    %get3A_7 = arith.constant 0 : index
    %get3A_8 = arith.constant 0 : index
    %get3A_9 = vector.load %arg3[%get3A_7, %get3A_8] : memref<512x128xf32, #tpu.memory_space<vmem>>, vector<512x128xf32>
    %slice3A = vector.extract_strided_slice %dot_general3A_6 {offsets = [0, 0], sizes = [512, 128], strides = [1, 1]} : vector<512x512xf32> to vector<512x128xf32>
    %mul3A = arith.mulf %slice3A, %get3A_9 : vector<512x128xf32>
    %swap3A = arith.constant 0 : index
    %swap3A_10 = arith.constant 0 : index
    %swap3A_11 = arith.constant 0 : index
    %swap3A_12 = vector.load %arg4[%swap3A, %swap3A_10, %swap3A_11] : memref<4x512x128xf32, #tpu.memory_space<vmem>>, vector<1x512x128xf32>
    %swap3A_13 = vector.shape_cast %swap3A_12 : vector<1x512x128xf32> to vector<512x128xf32>
    %swap3A_14 = vector.shape_cast %mul3A : vector<512x128xf32> to vector<1x512x128xf32>
    tpu.vector_store %arg4[%swap3A, %swap3A_10, %swap3A_11], %swap3A_14 {strides = array<i32>} : memref<4x512x128xf32, #tpu.memory_space<vmem>>, vector<1x512x128xf32>,
    %slice3A_15 = vector.extract_strided_slice %dot_general3A_6 {offsets = [0, 128], sizes = [512, 128], strides = [1, 1]} : vector<512x512xf32> to vector<512x128xf32>
    %mul3A_16 = arith.mulf %slice3A_15, %get3A_9 : vector<512x128xf32>
    %swap3A_17 = arith.constant 1 : index
    %swap3A_18 = arith.constant 0 : index
    %swap3A_19 = arith.constant 0 : index
    %swap3A_20 = vector.load %arg4[%swap3A_17, %swap3A_18, %swap3A_19] : memref<4x512x128xf32, #tpu.memory_space<vmem>>, vector<1x512x128xf32>
    %swap3A_21 = vector.shape_cast %swap3A_20 : vector<1x512x128xf32> to vector<512x128xf32>
    %swap3A_22 = vector.shape_cast %mul3A_16 : vector<512x128xf32> to vector<1x512x128xf32>
    tpu.vector_store %arg4[%swap3A_17, %swap3A_18, %swap3A_19], %swap3A_22 {strides = array<i32>} : memref<4x512x128xf32, #tpu.memory_space<vmem>>, vector<1x512x128xf32>,
    %slice3A_23 = vector.extract_strided_slice %dot_general3A_6 {offsets = [0, 256], sizes = [512, 128], strides = [1, 1]} : vector<512x512xf32> to vector<512x128xf32>
    %mul3A_24 = arith.mulf %slice3A_23, %get3A_9 : vector<512x128xf32>
    %swap3A_25 = arith.constant 2 : index
    %swap3A_26 = arith.constant 0 : index
    %swap3A_27 = arith.constant 0 : index
    %swap3A_28 = vector.load %arg4[%swap3A_25, %swap3A_26, %swap3A_27] : memref<4x512x128xf32, #tpu.memory_space<vmem>>, vector<1x512x128xf32>
    %swap3A_29 = vector.shape_cast %swap3A_28 : vector<1x512x128xf32> to vector<512x128xf32>
    %swap3A_30 = vector.shape_cast %mul3A_24 : vector<512x128xf32> to vector<1x512x128xf32>
    tpu.vector_store %arg4[%swap3A_25, %swap3A_26, %swap3A_27], %swap3A_30 {strides = array<i32>} : memref<4x512x128xf32, #tpu.memory_space<vmem>>, vector<1x512x128xf32>,
    %slice3A_31 = vector.extract_strided_slice %dot_general3A_6 {offsets = [0, 384], sizes = [512, 128], strides = [1, 1]} : vector<512x512xf32> to vector<512x128xf32>
    %mul3A_32 = arith.mulf %slice3A_31, %get3A_9 : vector<512x128xf32>
    %swap3A_33 = arith.constant 3 : index
    %swap3A_34 = arith.constant 0 : index
    %swap3A_35 = arith.constant 0 : index
    %swap3A_36 = vector.load %arg4[%swap3A_33, %swap3A_34, %swap3A_35] : memref<4x512x128xf32, #tpu.memory_space<vmem>>, vector<1x512x128xf32>
    %swap3A_37 = vector.shape_cast %swap3A_36 : vector<1x512x128xf32> to vector<512x128xf32>
    %swap3A_38 = vector.shape_cast %mul3A_32 : vector<512x128xf32> to vector<1x512x128xf32>
    tpu.vector_store %arg4[%swap3A_33, %swap3A_34, %swap3A_35], %swap3A_38 {strides = array<i32>} : memref<4x512x128xf32, #tpu.memory_space<vmem>>, vector<1x512x128xf32>,
    return
  }
  func.func @transform_0(%arg0: i32) -> (i32, i32) {
    %c0_i32 = arith.constant 0 : i32
    %c0_i32_0 = arith.constant 0 : i32
    return %arg0, %c0_i32 : i32, i32
  }
  func.func @transform_1(%arg0: i32) -> (i32, i32) {
    %c0_i32 = arith.constant 0 : i32
    %c0_i32_0 = arith.constant 0 : i32
    %c0_i32_1 = arith.constant 0 : i32
    return %c0_i32, %c0_i32_0 : i32, i32
  }
  func.func @transform_2(%arg0: i32) -> (i32, i32) {
    %c0_i32 = arith.constant 0 : i32
    %c0_i32_0 = arith.constant 0 : i32
    return %arg0, %c0_i32 : i32, i32
  }
  func.func @transform_3(%arg0: i32) -> (i32, i32, i32) {
    %c0_i32 = arith.constant 0 : i32
    %c0_i32_0 = arith.constant 0 : i32
    %c0_i32_1 = arith.constant 0 : i32
    return %c0_i32, %arg0, %c0_i32_0 : i32, i32, i32
  }
}

module attributes {stable_mosaic.version = 14 : i64} {
  func.func @_tc2_body(%arg0: i32, %arg1: memref<4x2x512x128xf32, #tpu.memory_space<vmem>>, %arg2: memref<512x128xf32, #tpu.memory_space<vmem>>, %arg3: memref<512x256xf32, #tpu.memory_space<vmem>>, %arg4: memref<1x512xf32, #tpu.memory_space<vmem>>, %arg5: memref<2x512x128xf32, #tpu.memory_space<vmem>>) attributes {dimension_semantics = [#tpu.dimension_semantics<arbitrary>], iteration_bounds = array<i64: 20>, scalar_prefetch = 0 : i64, scratch_operands = 0 : i64, tpu.core_type = #tpu.core_type<tc>, window_params = [{transform_indices = @transform_0, window_bounds = array<i64: 4, 2, 512, 128>}, {transform_indices = @transform_1, window_bounds = array<i64: 512, 128>}, {pipeline_mode = #tpu.pipeline_mode<synchronous>, transform_indices = @transform_2, window_bounds = array<i64: 512, 256>}, {pipeline_mode = #tpu.pipeline_mode<synchronous>, transform_indices = @transform_3, window_bounds = array<i64: 1, 512>}, {transform_indices = @transform_4, window_bounds = array<i64: 2, 512, 128>}]} {
    %get3A = arith.constant 0 : index
    %get3A_0 = arith.constant 0 : index
    %get3A_1 = vector.load %arg2[%get3A, %get3A_0] : memref<512x128xf32, #tpu.memory_space<vmem>>, vector<512x128xf32>
    %get3A_2 = arith.constant 0 : index
    %get3A_3 = arith.constant 0 : index
    %get3A_4 = vector.load %arg4[%get3A_2, %get3A_3] : memref<1x512xf32, #tpu.memory_space<vmem>>, vector<1x512xf32>
    %get3A_5 = arith.constant 0 : index
    %get3A_6 = arith.constant 0 : index
    %get3A_7 = arith.constant 0 : index
    %get3A_8 = arith.constant 0 : index
    %get3A_9 = vector.load %arg1[%get3A_5, %get3A_6, %get3A_7, %get3A_8] : memref<4x2x512x128xf32, #tpu.memory_space<vmem>>, vector<1x1x512x128xf32>
    %get3A_10 = vector.shape_cast %get3A_9 : vector<1x1x512x128xf32> to vector<512x128xf32>
    %get3A_11 = arith.constant 0 : index
    %get3A_12 = arith.constant 1 : index
    %get3A_13 = arith.constant 0 : index
    %get3A_14 = arith.constant 0 : index
    %get3A_15 = vector.load %arg1[%get3A_11, %get3A_12, %get3A_13, %get3A_14] : memref<4x2x512x128xf32, #tpu.memory_space<vmem>>, vector<1x1x512x128xf32>
    %get3A_16 = vector.shape_cast %get3A_15 : vector<1x1x512x128xf32> to vector<512x128xf32>
    %add3A = arith.addf %get3A_10, %get3A_16 : vector<512x128xf32>
    %mul3A = arith.mulf %add3A, %get3A_1 : vector<512x128xf32>
    %slice3A = vector.extract_strided_slice %get3A_4 {offsets = [0, 0], sizes = [1, 128], strides = [1, 1]} : vector<1x512xf32> to vector<1x128xf32>
    %add3A_17 = vector.broadcast %slice3A : vector<1x128xf32> to vector<512x128xf32>
    %add3A_18 = arith.addf %mul3A, %add3A_17 : vector<512x128xf32>
    %max3A = arith.constant 0.000000e+00 : f32
    %max3A_19 = vector.broadcast %max3A : f32 to vector<512x128xf32>
    %max3A_20 = arith.maximumf %add3A_18, %max3A_19 : vector<512x128xf32>
    %get3A_21 = arith.constant 1 : index
    %get3A_22 = arith.constant 0 : index
    %get3A_23 = arith.constant 0 : index
    %get3A_24 = arith.constant 0 : index
    %get3A_25 = vector.load %arg1[%get3A_21, %get3A_22, %get3A_23, %get3A_24] : memref<4x2x512x128xf32, #tpu.memory_space<vmem>>, vector<1x1x512x128xf32>
    %get3A_26 = vector.shape_cast %get3A_25 : vector<1x1x512x128xf32> to vector<512x128xf32>
    %get3A_27 = arith.constant 1 : index
    %get3A_28 = arith.constant 1 : index
    %get3A_29 = arith.constant 0 : index
    %get3A_30 = arith.constant 0 : index
    %get3A_31 = vector.load %arg1[%get3A_27, %get3A_28, %get3A_29, %get3A_30] : memref<4x2x512x128xf32, #tpu.memory_space<vmem>>, vector<1x1x512x128xf32>
    %get3A_32 = vector.shape_cast %get3A_31 : vector<1x1x512x128xf32> to vector<512x128xf32>
    %add3A_33 = arith.addf %get3A_26, %get3A_32 : vector<512x128xf32>
    %mul3A_34 = arith.mulf %add3A_33, %get3A_1 : vector<512x128xf32>
    %slice3A_35 = vector.extract_strided_slice %get3A_4 {offsets = [0, 128], sizes = [1, 128], strides = [1, 1]} : vector<1x512xf32> to vector<1x128xf32>
    %add3A_36 = vector.broadcast %slice3A_35 : vector<1x128xf32> to vector<512x128xf32>
    %add3A_37 = arith.addf %mul3A_34, %add3A_36 : vector<512x128xf32>
    %max3A_38 = arith.constant 0.000000e+00 : f32
    %max3A_39 = vector.broadcast %max3A_38 : f32 to vector<512x128xf32>
    %max3A_40 = arith.maximumf %add3A_37, %max3A_39 : vector<512x128xf32>
    %get3A_41 = arith.constant 2 : index
    %get3A_42 = arith.constant 0 : index
    %get3A_43 = arith.constant 0 : index
    %get3A_44 = arith.constant 0 : index
    %get3A_45 = vector.load %arg1[%get3A_41, %get3A_42, %get3A_43, %get3A_44] : memref<4x2x512x128xf32, #tpu.memory_space<vmem>>, vector<1x1x512x128xf32>
    %get3A_46 = vector.shape_cast %get3A_45 : vector<1x1x512x128xf32> to vector<512x128xf32>
    %get3A_47 = arith.constant 2 : index
    %get3A_48 = arith.constant 1 : index
    %get3A_49 = arith.constant 0 : index
    %get3A_50 = arith.constant 0 : index
    %get3A_51 = vector.load %arg1[%get3A_47, %get3A_48, %get3A_49, %get3A_50] : memref<4x2x512x128xf32, #tpu.memory_space<vmem>>, vector<1x1x512x128xf32>
    %get3A_52 = vector.shape_cast %get3A_51 : vector<1x1x512x128xf32> to vector<512x128xf32>
    %add3A_53 = arith.addf %get3A_46, %get3A_52 : vector<512x128xf32>
    %mul3A_54 = arith.mulf %add3A_53, %get3A_1 : vector<512x128xf32>
    %slice3A_55 = vector.extract_strided_slice %get3A_4 {offsets = [0, 256], sizes = [1, 128], strides = [1, 1]} : vector<1x512xf32> to vector<1x128xf32>
    %add3A_56 = vector.broadcast %slice3A_55 : vector<1x128xf32> to vector<512x128xf32>
    %add3A_57 = arith.addf %mul3A_54, %add3A_56 : vector<512x128xf32>
    %max3A_58 = arith.constant 0.000000e+00 : f32
    %max3A_59 = vector.broadcast %max3A_58 : f32 to vector<512x128xf32>
    %max3A_60 = arith.maximumf %add3A_57, %max3A_59 : vector<512x128xf32>
    %get3A_61 = arith.constant 3 : index
    %get3A_62 = arith.constant 0 : index
    %get3A_63 = arith.constant 0 : index
    %get3A_64 = arith.constant 0 : index
    %get3A_65 = vector.load %arg1[%get3A_61, %get3A_62, %get3A_63, %get3A_64] : memref<4x2x512x128xf32, #tpu.memory_space<vmem>>, vector<1x1x512x128xf32>
    %get3A_66 = vector.shape_cast %get3A_65 : vector<1x1x512x128xf32> to vector<512x128xf32>
    %get3A_67 = arith.constant 3 : index
    %get3A_68 = arith.constant 1 : index
    %get3A_69 = arith.constant 0 : index
    %get3A_70 = arith.constant 0 : index
    %get3A_71 = vector.load %arg1[%get3A_67, %get3A_68, %get3A_69, %get3A_70] : memref<4x2x512x128xf32, #tpu.memory_space<vmem>>, vector<1x1x512x128xf32>
    %get3A_72 = vector.shape_cast %get3A_71 : vector<1x1x512x128xf32> to vector<512x128xf32>
    %add3A_73 = arith.addf %get3A_66, %get3A_72 : vector<512x128xf32>
    %mul3A_74 = arith.mulf %add3A_73, %get3A_1 : vector<512x128xf32>
    %slice3A_75 = vector.extract_strided_slice %get3A_4 {offsets = [0, 384], sizes = [1, 128], strides = [1, 1]} : vector<1x512xf32> to vector<1x128xf32>
    %add3A_76 = vector.broadcast %slice3A_75 : vector<1x128xf32> to vector<512x128xf32>
    %add3A_77 = arith.addf %mul3A_74, %add3A_76 : vector<512x128xf32>
    %max3A_78 = arith.constant 0.000000e+00 : f32
    %max3A_79 = vector.broadcast %max3A_78 : f32 to vector<512x128xf32>
    %max3A_80 = arith.maximumf %add3A_77, %max3A_79 : vector<512x128xf32>
    %concatenate3A = tpu.concatenate %max3A_20, %max3A_40, %max3A_60, %max3A_80 in 1 : vector<512x128xf32>, vector<512x128xf32>, vector<512x128xf32>, vector<512x128xf32> -> vector<512x512xf32>
    %convert_element_type3A = arith.truncf %concatenate3A : vector<512x512xf32> to vector<512x512xbf16>
    %get3A_81 = arith.constant 0 : index
    %get3A_82 = arith.constant 0 : index
    %get3A_83 = vector.load %arg3[%get3A_81, %get3A_82] : memref<512x256xf32, #tpu.memory_space<vmem>>, vector<512x256xf32>
    %convert_element_type3A_84 = arith.truncf %get3A_83 : vector<512x256xf32> to vector<512x256xbf16>
    %dot_general3A = arith.constant dense<0.000000e+00> : vector<512x256xf32>
    %dot_general3A_85 = tpu.matmul %convert_element_type3A, %convert_element_type3A_84, %dot_general3A {dimension_numbers = #tpu.dot_dimension_numbers<[1], [0], [0], [1], [0, 0, 1, 1], [], []>, transpose_lhs_hint = false} : vector<512x512xbf16>, vector<512x256xbf16>, vector<512x256xf32> -> vector<512x256xf32>
    %slice3A_86 = vector.extract_strided_slice %dot_general3A_85 {offsets = [0, 0], sizes = [512, 128], strides = [1, 1]} : vector<512x256xf32> to vector<512x128xf32>
    %mul3A_87 = arith.mulf %slice3A_86, %get3A_1 : vector<512x128xf32>
    %swap3A = arith.constant 0 : index
    %swap3A_88 = arith.constant 0 : index
    %swap3A_89 = arith.constant 0 : index
    %swap3A_90 = vector.load %arg5[%swap3A, %swap3A_88, %swap3A_89] : memref<2x512x128xf32, #tpu.memory_space<vmem>>, vector<1x512x128xf32>
    %swap3A_91 = vector.shape_cast %swap3A_90 : vector<1x512x128xf32> to vector<512x128xf32>
    %swap3A_92 = vector.shape_cast %mul3A_87 : vector<512x128xf32> to vector<1x512x128xf32>
    tpu.vector_store %arg5[%swap3A, %swap3A_88, %swap3A_89], %swap3A_92 {strides = array<i32>} : memref<2x512x128xf32, #tpu.memory_space<vmem>>, vector<1x512x128xf32>,
    %slice3A_93 = vector.extract_strided_slice %dot_general3A_85 {offsets = [0, 128], sizes = [512, 128], strides = [1, 1]} : vector<512x256xf32> to vector<512x128xf32>
    %mul3A_94 = arith.mulf %slice3A_93, %get3A_1 : vector<512x128xf32>
    %swap3A_95 = arith.constant 1 : index
    %swap3A_96 = arith.constant 0 : index
    %swap3A_97 = arith.constant 0 : index
    %swap3A_98 = vector.load %arg5[%swap3A_95, %swap3A_96, %swap3A_97] : memref<2x512x128xf32, #tpu.memory_space<vmem>>, vector<1x512x128xf32>
    %swap3A_99 = vector.shape_cast %swap3A_98 : vector<1x512x128xf32> to vector<512x128xf32>
    %swap3A_100 = vector.shape_cast %mul3A_94 : vector<512x128xf32> to vector<1x512x128xf32>
    tpu.vector_store %arg5[%swap3A_95, %swap3A_96, %swap3A_97], %swap3A_100 {strides = array<i32>} : memref<2x512x128xf32, #tpu.memory_space<vmem>>, vector<1x512x128xf32>,
    return
  }
  func.func @transform_0(%arg0: i32) -> (i32, i32, i32, i32) {
    %c0_i32 = arith.constant 0 : i32
    %c0_i32_0 = arith.constant 0 : i32
    %c0_i32_1 = arith.constant 0 : i32
    %c0_i32_2 = arith.constant 0 : i32
    return %c0_i32, %c0_i32_0, %arg0, %c0_i32_1 : i32, i32, i32, i32
  }
  func.func @transform_1(%arg0: i32) -> (i32, i32) {
    %c0_i32 = arith.constant 0 : i32
    %c0_i32_0 = arith.constant 0 : i32
    return %arg0, %c0_i32 : i32, i32
  }
  func.func @transform_2(%arg0: i32) -> (i32, i32) {
    %c0_i32 = arith.constant 0 : i32
    %c0_i32_0 = arith.constant 0 : i32
    %c0_i32_1 = arith.constant 0 : i32
    return %c0_i32, %c0_i32_0 : i32, i32
  }
  func.func @transform_3(%arg0: i32) -> (i32, i32) {
    %c0_i32 = arith.constant 0 : i32
    %c0_i32_0 = arith.constant 0 : i32
    %c0_i32_1 = arith.constant 0 : i32
    return %c0_i32, %c0_i32_0 : i32, i32
  }
  func.func @transform_4(%arg0: i32) -> (i32, i32, i32) {
    %c0_i32 = arith.constant 0 : i32
    %c0_i32_0 = arith.constant 0 : i32
    %c0_i32_1 = arith.constant 0 : i32
    return %c0_i32, %arg0, %c0_i32_0 : i32, i32, i32
  }
}

module attributes {stable_mosaic.version = 14 : i64} {
  func.func @_tc3a_body(%arg0: i32, %arg1: memref<2x2x512x128xf32, #tpu.memory_space<vmem>>, %arg2: memref<512x128xf32, #tpu.memory_space<vmem>>, %arg3: memref<1x256xf32, #tpu.memory_space<vmem>>, %arg4: memref<512x256xf32, #tpu.memory_space<vmem>>) attributes {dimension_semantics = [#tpu.dimension_semantics<arbitrary>], iteration_bounds = array<i64: 20>, scalar_prefetch = 0 : i64, scratch_operands = 0 : i64, tpu.core_type = #tpu.core_type<tc>, window_params = [{transform_indices = @transform_0, window_bounds = array<i64: 2, 2, 512, 128>}, {transform_indices = @transform_1, window_bounds = array<i64: 512, 128>}, {pipeline_mode = #tpu.pipeline_mode<synchronous>, transform_indices = @transform_2, window_bounds = array<i64: 1, 256>}, {transform_indices = @transform_3, window_bounds = array<i64: 512, 256>}]} {
    %get3A = arith.constant 0 : index
    %get3A_0 = arith.constant 0 : index
    %get3A_1 = vector.load %arg2[%get3A, %get3A_0] : memref<512x128xf32, #tpu.memory_space<vmem>>, vector<512x128xf32>
    %get3A_2 = arith.constant 0 : index
    %get3A_3 = arith.constant 0 : index
    %get3A_4 = vector.load %arg3[%get3A_2, %get3A_3] : memref<1x256xf32, #tpu.memory_space<vmem>>, vector<1x256xf32>
    %get3A_5 = arith.constant 0 : index
    %get3A_6 = arith.constant 0 : index
    %get3A_7 = arith.constant 0 : index
    %get3A_8 = arith.constant 0 : index
    %get3A_9 = vector.load %arg1[%get3A_5, %get3A_6, %get3A_7, %get3A_8] : memref<2x2x512x128xf32, #tpu.memory_space<vmem>>, vector<1x1x512x128xf32>
    %get3A_10 = vector.shape_cast %get3A_9 : vector<1x1x512x128xf32> to vector<512x128xf32>
    %get3A_11 = arith.constant 0 : index
    %get3A_12 = arith.constant 1 : index
    %get3A_13 = arith.constant 0 : index
    %get3A_14 = arith.constant 0 : index
    %get3A_15 = vector.load %arg1[%get3A_11, %get3A_12, %get3A_13, %get3A_14] : memref<2x2x512x128xf32, #tpu.memory_space<vmem>>, vector<1x1x512x128xf32>
    %get3A_16 = vector.shape_cast %get3A_15 : vector<1x1x512x128xf32> to vector<512x128xf32>
    %add3A = arith.addf %get3A_10, %get3A_16 : vector<512x128xf32>
    %mul3A = arith.mulf %add3A, %get3A_1 : vector<512x128xf32>
    %slice3A = vector.extract_strided_slice %get3A_4 {offsets = [0, 0], sizes = [1, 128], strides = [1, 1]} : vector<1x256xf32> to vector<1x128xf32>
    %add3A_17 = vector.broadcast %slice3A : vector<1x128xf32> to vector<512x128xf32>
    %add3A_18 = arith.addf %mul3A, %add3A_17 : vector<512x128xf32>
    %max3A = arith.constant 0.000000e+00 : f32
    %max3A_19 = vector.broadcast %max3A : f32 to vector<512x128xf32>
    %max3A_20 = arith.maximumf %add3A_18, %max3A_19 : vector<512x128xf32>
    %get3A_21 = arith.constant 1 : index
    %get3A_22 = arith.constant 0 : index
    %get3A_23 = arith.constant 0 : index
    %get3A_24 = arith.constant 0 : index
    %get3A_25 = vector.load %arg1[%get3A_21, %get3A_22, %get3A_23, %get3A_24] : memref<2x2x512x128xf32, #tpu.memory_space<vmem>>, vector<1x1x512x128xf32>
    %get3A_26 = vector.shape_cast %get3A_25 : vector<1x1x512x128xf32> to vector<512x128xf32>
    %get3A_27 = arith.constant 1 : index
    %get3A_28 = arith.constant 1 : index
    %get3A_29 = arith.constant 0 : index
    %get3A_30 = arith.constant 0 : index
    %get3A_31 = vector.load %arg1[%get3A_27, %get3A_28, %get3A_29, %get3A_30] : memref<2x2x512x128xf32, #tpu.memory_space<vmem>>, vector<1x1x512x128xf32>
    %get3A_32 = vector.shape_cast %get3A_31 : vector<1x1x512x128xf32> to vector<512x128xf32>
    %add3A_33 = arith.addf %get3A_26, %get3A_32 : vector<512x128xf32>
    %mul3A_34 = arith.mulf %add3A_33, %get3A_1 : vector<512x128xf32>
    %slice3A_35 = vector.extract_strided_slice %get3A_4 {offsets = [0, 128], sizes = [1, 128], strides = [1, 1]} : vector<1x256xf32> to vector<1x128xf32>
    %add3A_36 = vector.broadcast %slice3A_35 : vector<1x128xf32> to vector<512x128xf32>
    %add3A_37 = arith.addf %mul3A_34, %add3A_36 : vector<512x128xf32>
    %max3A_38 = arith.constant 0.000000e+00 : f32
    %max3A_39 = vector.broadcast %max3A_38 : f32 to vector<512x128xf32>
    %max3A_40 = arith.maximumf %add3A_37, %max3A_39 : vector<512x128xf32>
    %concatenate3A = tpu.concatenate %max3A_20, %max3A_40 in 1 : vector<512x128xf32>, vector<512x128xf32> -> vector<512x256xf32>
    %swap3A = arith.constant 0 : index
    %swap3A_41 = arith.constant 0 : index
    %swap3A_42 = vector.load %arg4[%swap3A, %swap3A_41] : memref<512x256xf32, #tpu.memory_space<vmem>>, vector<512x256xf32>
    tpu.vector_store %arg4[%swap3A, %swap3A_41], %concatenate3A {strides = array<i32>} : memref<512x256xf32, #tpu.memory_space<vmem>>, vector<512x256xf32>,
    return
  }
  func.func @transform_0(%arg0: i32) -> (i32, i32, i32, i32) {
    %c0_i32 = arith.constant 0 : i32
    %c0_i32_0 = arith.constant 0 : i32
    %c0_i32_1 = arith.constant 0 : i32
    %c0_i32_2 = arith.constant 0 : i32
    return %c0_i32, %c0_i32_0, %arg0, %c0_i32_1 : i32, i32, i32, i32
  }
  func.func @transform_1(%arg0: i32) -> (i32, i32) {
    %c0_i32 = arith.constant 0 : i32
    %c0_i32_0 = arith.constant 0 : i32
    return %arg0, %c0_i32 : i32, i32
  }
  func.func @transform_2(%arg0: i32) -> (i32, i32) {
    %c0_i32 = arith.constant 0 : i32
    %c0_i32_0 = arith.constant 0 : i32
    %c0_i32_1 = arith.constant 0 : i32
    return %c0_i32, %c0_i32_0 : i32, i32
  }
  func.func @transform_3(%arg0: i32) -> (i32, i32) {
    %c0_i32 = arith.constant 0 : i32
    %c0_i32_0 = arith.constant 0 : i32
    return %arg0, %c0_i32 : i32, i32
  }
}

module attributes {stable_mosaic.version = 14 : i64} {
  func.func @_tc3b_body(%arg0: i32, %arg1: memref<400x256xf32, #tpu.memory_space<vmem>>, %arg2: memref<8000x256xf32, #tpu.memory_space<vmem>>, %arg3: memref<400x8000xf32, #tpu.memory_space<vmem>>) attributes {dimension_semantics = [#tpu.dimension_semantics<arbitrary>], iteration_bounds = array<i64: 5>, scalar_prefetch = 0 : i64, scratch_operands = 0 : i64, tpu.core_type = #tpu.core_type<tc>, window_params = [{transform_indices = @transform_0, window_bounds = array<i64: 400, 256>}, {pipeline_mode = #tpu.pipeline_mode<synchronous>, transform_indices = @transform_1, window_bounds = array<i64: 8000, 256>}, {transform_indices = @transform_2, window_bounds = array<i64: 400, 8000>}]} {
    %get3A = arith.constant 0 : index
    %get3A_0 = arith.constant 0 : index
    %get3A_1 = vector.load %arg1[%get3A, %get3A_0] : memref<400x256xf32, #tpu.memory_space<vmem>>, vector<400x256xf32>
    %convert_element_type3A = arith.truncf %get3A_1 : vector<400x256xf32> to vector<400x256xbf16>
    %get3A_2 = arith.constant 0 : index
    %get3A_3 = arith.constant 0 : index
    %get3A_4 = vector.load %arg2[%get3A_2, %get3A_3] : memref<8000x256xf32, #tpu.memory_space<vmem>>, vector<8000x256xf32>
    %convert_element_type3A_5 = arith.truncf %get3A_4 : vector<8000x256xf32> to vector<8000x256xbf16>
    %dot_general3A = arith.constant dense<0.000000e+00> : vector<400x8000xf32>
    %dot_general3A_6 = tpu.matmul %convert_element_type3A, %convert_element_type3A_5, %dot_general3A {dimension_numbers = #tpu.dot_dimension_numbers<[1], [1], [0], [0], [0, 0, 1, 0], [], []>, transpose_lhs_hint = false} : vector<400x256xbf16>, vector<8000x256xbf16>, vector<400x8000xf32> -> vector<400x8000xf32>
    %neg3A = arith.constant 0.000000e+00 : f32
    %neg3A_7 = vector.broadcast %neg3A : f32 to vector<400x8000xf32>
    %neg3A_8 = arith.subf %neg3A_7, %dot_general3A_6 : vector<400x8000xf32>
    %exp3A = math.exp %neg3A_8 : vector<400x8000xf32>
    %add3A = arith.constant 1.000000e+00 : f32
    %add3A_9 = vector.broadcast %add3A : f32 to vector<400x8000xf32>
    %add3A_10 = arith.addf %add3A_9, %exp3A : vector<400x8000xf32>
    %div3A = arith.constant 4.000000e+00 : f32
    %div3A_11 = vector.broadcast %div3A : f32 to vector<400x8000xf32>
    %div3A_12 = arith.divf %div3A_11, %add3A_10 : vector<400x8000xf32>
    %add3A_13 = arith.constant 1.000000e+00 : f32
    %add3A_14 = vector.broadcast %add3A_13 : f32 to vector<400x8000xf32>
    %add3A_15 = arith.addf %div3A_12, %add3A_14 : vector<400x8000xf32>
    %swap3A = arith.constant 0 : index
    %swap3A_16 = arith.constant 0 : index
    %swap3A_17 = vector.load %arg3[%swap3A, %swap3A_16] : memref<400x8000xf32, #tpu.memory_space<vmem>>, vector<400x8000xf32>
    tpu.vector_store %arg3[%swap3A, %swap3A_16], %add3A_15 {strides = array<i32>} : memref<400x8000xf32, #tpu.memory_space<vmem>>, vector<400x8000xf32>,
    return
  }
  func.func @transform_0(%arg0: i32) -> (i32, i32) {
    %c0_i32 = arith.constant 0 : i32
    %c0_i32_0 = arith.constant 0 : i32
    return %arg0, %c0_i32 : i32, i32
  }
  func.func @transform_1(%arg0: i32) -> (i32, i32) {
    %c0_i32 = arith.constant 0 : i32
    %c0_i32_0 = arith.constant 0 : i32
    %c0_i32_1 = arith.constant 0 : i32
    return %c0_i32, %c0_i32_0 : i32, i32
  }
  func.func @transform_2(%arg0: i32) -> (i32, i32) {
    %c0_i32 = arith.constant 0 : i32
    %c0_i32_0 = arith.constant 0 : i32
    return %arg0, %c0_i32 : i32, i32
  }
}

</mosaic_0001>

<sc_bundles>
// kernel: gather_offload_async_start.1
scs
__scs_entry_jumppad:
0x0: {  	(pc) =	sbr.rel $0x88, $3  }
0x1: {  	(tag) =	ssettag $0x0;
	lr =	simm.s32 $0x1  }
0x2: {  	[smem:$0x3F98] =	sst lr;
	_ =	strace $0xD0000000  }
0x3: {  	_ = 	snop  }
0x4: {  	_ = 	snop  }
0x5: {  	_ = 	snop  }
0x6: {  	_ = 	snop  }
0x7: {  	_ = 	snop  }
__scs_overlays_trampoline_lowered:
0x8: {  	[smem:$0x3FA7] =	sst s0  }
0x9: {  	[smem:$0x3FA8] =	sst s1  }
0xa: {  	[smem:$0x3FA9] =	sst s2  }
0xb: {  	[smem:$0x3FAA] =	sst s3  }
0xc: {  	[smem:$0x3FAB] =	sst s4  }
0xd: {  	[smem:$0x3FAC] =	sst s5  }
0xe: {  	[smem:$0x3FAD] =	sst s6  }
0xf: {  	[smem:$0x3FAE] =	sst s7  }
0x10: {  	[smem:$0x3FAF] =	sst s8  }
0x11: {  	[smem:$0x3FB0] =	sst s9;
	s0 =	simm.s32 @!p0 $0x0  }
0x12: {  	s1 =	sld [smem:$0x3F96];
	s0 =	simm.s32 @p0 $0x1  }
0x13: {  	[smem:$0x3FB1] =	sst s0;
	s0 =	simm.s32 @!p1 $0x0  }
0x14: {  	s2 =	sld [smem:$0x3F95];
	s0 =	simm.s32 @p1 $0x1  }
0x15: {  	[smem:$0x3FB2] =	sst s0;
	s0 =	simm.s32 @!p2 $0x0  }
0x16: {  	s3 =	sld [smem:$0x3FDB];
	s0 =	simm.s32 @p2 $0x1  }
0x17: {  	s4 =	simm.s32 $0x1BF5;
	[smem:$0x3FB4] =	sst s0  }
0x18: {  	s0 =	sld [smem:$0x3F97];
	_ =	swait.ge [sflag:s4], $0x0  }
0x19: {  	s7 =	sld [smem:$0x3F98]  }
0x1a: {  	s8 =	sadd.s32 $0xFFFFE003, lr  }
0x1b: {  	s9 =	sadd.s32 $0xFFFFFEF7, lr;
	s5 =	simm.s32 $0xFFFFFFFF;
	p2 =	slt.u32 s8, $0xFFFFF086  }
0x1c: {  	p1 =	slt.u32 s9, $0xF7A;
	s5 =	simm.s32 @!p2 $0x0  }
0x1d: {  	s5 =	simm.s32 @p1 $0x1;
	p0 =	seq.s32 s7, s2  }
0x1e: {  	s7 =	smul.u32 @!p0 $0xF7A, s2;
	p2 =	seq.s32 @!p0 s5, $0x0  }
0x1f: {  	s9 =	smul.u32 $0xF7A, s1;
	s8 =	simm.s32 @!p0 $0x1BF5;
	p2 =	por !p2, p0  }
0x20: {  	[sflag:s8] =	ssyncset.s32 @!p0 $0xFFFFF086;
	s6 =	sadd.s32 @!p0 s3, s7;
	s7 =	simm.s32 @!p0 $0x108  }
0x21: {  	s3 =	sadd.s32 s3, s9;
	s6 =	sadd.s32 @!p0 $0x88, s6;
	s7 =	simm.s32 @p2 $0x1082  }
0x22: {  	[simem:s7], [sflag:s8] =	dma.local @!p0 [hbm:s6], $0xF7A  }
0x23: {  	s9 =	sor.u32 $0xD0000000, s2;
	s6 =	simm.s32 $0x108;
	_ =	swait.ge @!p0 [sflag:s8], $0x0  }
0x24: {  	s3 =	sadd.s32 $0x88, s3;
	s6 =	simm.s32 @!p1 $0x1082;
	[sflag:s4] =	ssyncset.s32 $0xFFFFF086  }
0x25: {  	[simem:s6], [sflag:s4] =	dma.local [hbm:s3], $0xF7A  }
0x26: {  	[smem:$0x3F98] =	sst s1;
	(tag) =	ssettag s2;
	_ =	strace s9  }
0x27: {  	s1 =	sld [smem:$0x3FA8]  }
0x28: {  	s2 =	sld [smem:$0x3FA9]  }
0x29: {  	s4 =	sld [smem:$0x3FAB]  }
0x2a: {  	p0 =	seq.s32 s5, $0x0;
	s5 =	sld [smem:$0x3FAC]  }
0x2b: {  	s6 =	sld [smem:$0x3FAD]  }
0x2c: {  	s7 =	sld [smem:$0x3FAE]  }
0x2d: {  	s3 =	simm.s32 $0x108;
	s8 =	sld [smem:$0x3FAF]  }
0x2e: {  	s3 =	simm.s32 @!p0 $0x1082;
	s9 =	sld [smem:$0x3FB0]  }
0x2f: {  	lr =	sadd.s32 s0, s3;
	s0 =	sld [smem:$0x3FA7]  }
0x30: {  	s3 =	sld [smem:$0x3FAA]  }
0x31: {  	[smem:$0x3FB3] =	sst s10  }
0x32: {  	s10 =	sld [smem:$0x3FB1];
	_ =	sdelay $0x3  }
0x33: {  	p0 =	seq.s32 s10, $0x1;
	s10 =	sld [smem:$0x3FB3];
	_ =	sdelay $0x3  }
0x34: {  	[smem:$0x3FB3] =	sst s10  }
0x35: {  	s10 =	sld [smem:$0x3FB2];
	_ =	sdelay $0x3  }
0x36: {  	p1 =	seq.s32 s10, $0x1;
	s10 =	sld [smem:$0x3FB3];
	_ =	sdelay $0x3  }
0x37: {  	[smem:$0x3FB3] =	sst s10  }
0x38: {  	s10 =	sld [smem:$0x3FB4]  }
0x39: {  	_ = 	snop;
	(pc) =	sbr.ind lr, $3  }
0x3a: {  	_ = 	snop  }
0x3b: {  	_ = 	snop  }
0x3c: {  	p2 =	seq.s32 s10, $0x1;
	s10 =	sld [smem:$0x3FB3]  }
0x3d: {  	_ =	shalt  }
0x3e: {  	_ =	shalt  }
0x3f: {  	_ =	shalt  }
0x40: {  	_ =	shalt  }
0x41: {  	_ =	shalt  }
0x42: {  	_ =	shalt  }
0x43: {  	_ =	shalt  }
0x44: {  	_ =	shalt  }
0x45: {  	_ =	shalt  }
0x46: {  	_ =	shalt  }
0x47: {  	_ =	shalt  }
0x48: {  	_ =	shalt  }
0x49: {  	_ =	shalt  }
0x4a: {  	_ =	shalt  }
0x4b: {  	_ =	shalt  }
0x4c: {  	_ =	shalt  }
0x4d: {  	_ =	shalt  }
0x4e: {  	_ =	shalt  }
0x4f: {  	_ =	shalt  }
0x50: {  	_ =	shalt  }
0x51: {  	_ =	shalt  }
0x52: {  	_ =	shalt  }
0x53: {  	_ =	shalt  }
0x54: {  	_ =	shalt  }
0x55: {  	_ =	shalt  }
0x56: {  	_ =	shalt  }
0x57: {  	_ =	shalt  }
0x58: {  	_ =	shalt  }
0x59: {  	_ =	shalt  }
0x5a: {  	_ =	shalt  }
0x5b: {  	_ =	shalt  }
0x5c: {  	_ =	shalt  }
0x5d: {  	_ =	shalt  }
0x5e: {  	_ =	shalt  }
0x5f: {  	_ =	shalt  }
0x60: {  	_ =	shalt  }
0x61: {  	_ =	shalt  }
0x62: {  	_ =	shalt  }
0x63: {  	_ =	shalt  }
0x64: {  	_ =	shalt  }
0x65: {  	_ =	shalt  }
0x66: {  	_ =	shalt  }
0x67: {  	_ =	shalt  }
0x68: {  	_ =	shalt  }
0x69: {  	_ =	shalt  }
0x6a: {  	_ =	shalt  }
0x6b: {  	_ =	shalt  }
0x6c: {  	_ =	shalt  }
0x6d: {  	_ =	shalt  }
0x6e: {  	_ =	shalt  }
0x6f: {  	_ =	shalt  }
0x70: {  	_ =	shalt  }
0x71: {  	_ =	shalt  }
0x72: {  	_ =	shalt  }
0x73: {  	_ =	shalt  }
0x74: {  	_ =	shalt  }
0x75: {  	_ =	shalt  }
0x76: {  	_ =	shalt  }
0x77: {  	_ =	shalt  }
0x78: {  	_ =	shalt  }
0x79: {  	_ =	shalt  }
0x7a: {  	_ =	shalt  }
0x7b: {  	_ =	shalt  }
0x7c: {  	_ =	shalt  }
0x7d: {  	_ =	shalt  }
0x7e: {  	_ =	shalt  }
0x7f: {  	_ =	shalt  }
0x80: {  	_ =	shalt  }
0x81: {  	_ =	shalt  }
0x82: {  	_ =	shalt  }
0x83: {  	_ =	shalt  }
0x84: {  	_ =	shalt  }
0x85: {  	_ =	shalt  }
0x86: {  	_ =	shalt  }
0x87: {  	_ =	shalt  }
.Lfunc_end0:
.L_simem_size_0:
called_computation.1_lowered:
.L_overlay_start_0:
0x88: {  	s2 =	sld [smem:$0x3FD9]  }
0x89: {  	s3 =	sld [smem:$0x3FFE];
	_ =	sdelay $0x1  }
0x8a: {  	s1 =	srdreg.scid  }
0x8b: {  	s0 =	sand.u32 $0x1, s1  }
0x8c: {  	s17 =	sshll.u32 s0, $0xA;
	s2 =	sadd.s32 s3, s2  }
0x8d: {  	s2 =	sadd.s32 s2, s17  }
0x8e: {  	[smem:$0x3FBF] =	sst s2  }
0x8f: {  	_ = 	snop  }
0x90: {  	s4 =	sld [smem:$0x3FC5]  }
0x91: {  	s18 =	sld [smem:$0x3FD0];
	(tm) =	ssettm $0x1  }
0x92: {  	s19 =	sld [smem:$0x3FFB];
	_ =	sdelay $0x3  }
0x93: {  	_ =	strace s19  }
0x94: {  	s2 =	sld [smem:$0x3FFC];
	_ =	sdelay $0x3  }
0x95: {  	_ =	strace s2  }
0x96: {  	s2 =	sld [smem:$0x3FFD];
	_ =	sdelay $0x3  }
0x97: {  	_ =	strace s2  }
0x98: {  	_ =	strace $0x8FFFFFFF  }
0x99: {  	s20 =	sld [smem:$0x3FDB];
	_ =	sdelay $0x1  }
0x9a: {  	s5 =	simm.s32 $_scs_section_size  }
0x9b: {  	s6 =	simm.s32 $_size__tile_overlayer_lowered;
	s7 =	simm.s32 $_tile_overlayer_lowered  }
0x9c: {  	s8 =	simm.s32 $0x1BFF;
	s21 =	sshll.u32 s7, $0x1;
	s5 =	sadd.s32 s5, s20  }
0x9d: {  	s22 =	simm.s32 $0x0;
	s6 =	sshll.u32 s6, $0x1;
	s7 =	sadd.s32 s21, s5  }
0x9e: {  	[timem:s22], [sflag:s8] =	dma.local [hbm:s7], s6  }
0x9f: {  	_ =	swait.ge [sflag:s8], s6  }
0xa0: {  	s6 =	ssub.s32 $0x0, s6;
	[sflag:s8] =	ssyncset.done $0x0  }
0xa1: {  	[sflag:s8] =	ssyncadd.s32 s6;
	_ =	sdelay $0x1  }
0xa2: {  	s23 =	simm.s32 $0x1B8B  }
0xa3: {  	_ =	swait.ge [sflag:s23], $0x1  }
0xa4: {  	[sflag:s23] =	ssyncset.done $0x0  }
0xa5: {  	[sflag:s23] =	ssyncadd.s32 $0xFFFFFFFF  }
0xa6: {  	s6 =	sld [smem:$0x0]  }
0xa7: {  	s7 =	sand.u32 $0xFFFFFFFE, s1  }
0xa8: {  	p0 =	sne.s32 s1, s7  }
0xa9: {  	s7 =	sshll.u32 @p0 s7, $0xE  }
0xaa: {  	s7 =	sadd.s32 @p0 $0x11B8D, s7;
	s8 =	sshll.u32 @p0 s6, $0x11  }
0xab: {  	s7 =	sor.u32 @p0 s8, s7  }
0xac: {  	[sflag:s7] =	ssyncadd.remote.s32 @p0 $0x1;
	_ =	sdelay $0x1  }
0xad: {  	s7 =	simm.s32 @p0 $0x1B8D  }
0xae: {  	_ =	swait.eq @p0 [sflag:s7], $0x1  }
0xaf: {  	[sflag:s7] =	ssyncadd.s32 @p0 $0xFFFFFFFF  }
0xb0: {  	s8 =	sshll.u32 @!p0 s1, $0xE  }
0xb1: {  	s8 =	sor.u32 @!p0 $0x4000, s8;
	s7 =	simm.s32 @!p0 $0x1B8D  }
0xb2: {  	s6 =	sshll.u32 @!p0 s6, $0x11;
	s8 =	sadd.s32 @!p0 $0x11B8D, s8;
	_ =	swait.eq @!p0 [sflag:s7], $0x1  }
0xb3: {  	s6 =	sor.u32 @!p0 s6, s8;
	[sflag:s7] =	ssyncadd.s32 @!p0 $0xFFFFFFFF  }
0xb4: {  	s25 =	simm.s32 $0x1B8E;
	s24 =	sld [smem:$0x3FFE];
	[sflag:s6] =	ssyncadd.remote.s32 @!p0 $0x1  }
0xb5: {  	s26 =	simm.s32 $execute0_lowered;
	[smem:$0x3FD2] =	sst s25  }
0xb6: {  	s7 =	sshll.u32 s26, $0x1;
	_ =	strace $0x80000049;
	[dreg:$0x1] =	wrdreg $0xFFFFFFFF  }
0xb7: {  	s28 =	simm.s32 $_size_execute0_lowered;
	s5 =	sadd.s32 s5, s7;
	[dreg:$0x0] =	wrdreg $0x0  }
0xb8: {  	s7 =	sshll.u32 s28, $0x1;
	[dreg:$0x2] =	wrdreg s5  }
0xb9: {  	[dreg:$0x3] =	wrdreg s7  }
0xba: {  	[dreg:$0x4] =	wrdreg $0xC0  }
0xbb: {  	_ =	task [dreg:s22], $0x5FFFF  }
0xbc: {  	[dreg:$0x1] =	wrdreg $0xFFFFFFFF  }
0xbd: {  	[dreg:$0x0] =	wrdreg $0x60  }
0xbe: {  	[dreg:$0x2] =	wrdreg s4  }
0xbf: {  	[dreg:$0x3] =	wrdreg s24  }
0xc0: {  	[dreg:$0x4] =	wrdreg s18  }
0xc1: {  	[dreg:$0x5] =	wrdreg $0xA  }
0xc2: {  	_ =	task.clear_ibuf [dreg:s22], $0x6FFFF;
	_ =	strace $0x90000049  }
0xc3: {  	s29 =	simm.s32 $0xA;
	_ =	strace $0x8000004B  }
0xc4: {  	_ =	swait.ge [sflag:s29], $0x1  }
0xc5: {  	[sflag:s29] =	ssyncadd.s32 $0xFFFFFFFF  }
0xc6: {  	_ =	strace $0x9000004B  }
0xc7: {  	_ =	sfence  }
0xc8: {  	s30 =	sld [smem:$0x0];
	_ =	sdelay $0x2  }
0xc9: {  	s31 =	sshll.u32 s1, $0xD;
	s1 =	sshrl.u32 s1, $0x2  }
0xca: {  	s4 =	sand.u32 $0x4000, s31;
	s1 =	sadd.s32 s1, s30  }
0xcb: {  	s0 =	sor.u32 s4, s0;
	s1 =	sshll.u32 s1, $0x11  }
0xcc: {  	s0 =	sor.u32 s1, s0  }
0xcd: {  	s0 =	sadd.s32 $0x8F2B, s0  }
0xce: {  	[sflag:s0] =	ssyncadd.remote.s32 $0x1  }
0xcf: {  	_ =	sfence.sel $0xFFFF  }
0xd0: {  	[dreg:$0x0] =	wrdreg $0xFFFFFFFF;
	(pc) =	sbr.abs _section_cstart, $3  }
0xd1: {  	[dreg:$0x1] =	wrdreg $0xFFFFFFFF  }
0xd2: {  	_ =	task.clear_ibuf [dreg:s22], $0x2FFFF;
	_ =	strace $0x9FFFFFFF  }
0xd3: {  	(tm) =	ssettm $0x7FFFFFFF  }
tec
execute0_lowered:
.L_overlay_start_1:
0x0: {  	(tag) =	ssettag $0x1  }
0x1: {  	s0 =	srdreg.scid  }
0x2: {  	s1 =	sshll.u32 s0, $0x4  }
0x3: {  	s0 =	stileid.u32;
	s1 =	sand.u32 $0x10, s1  }
0x4: {  	s2 =	sor.u32 s0, s1  }
0x5: {  	s1 =	smin.u32 s2, $0x12  }
0x6: {  	s1 =	sadd.s32 s2, s1  }
0x7: {  	p0 =	slt.u32 s2, $0x12;
	s2 =	simm.s32 $0x140;
	s1 =	smul.u32 $0xA0, s1  }
0x8: {  	s2 =	simm.s32 @!p0 $0xA0  }
0x9: {  	s2 =	sadd.s32 s2, s1  }
0xa: {  	s3 =	smin.u32 s2, $0x1F40  }
0xb: {  	s7 =	ssub.s32 s3, s1  }
0xc: {  	p0 =	sgt.s32 s7, $0x0  }
0xd: {  	s4 =	rddreg [dreg:$0x0];
	s7 =	simm.s32 @!p0 $0x0  }
0xe: {  	s9 =	rddreg [dreg:$0x1];
	s31 =	smul.u32 $0xCCCD, s7  }
0xf: {  	s5 =	rddreg [dreg:$0x2]  }
0x10: {  	s6 =	simm.s32 $0x1;
	s11 =	simm.s32 $0x3;
	s8 =	sshrl.u32 s31, $0x17  }
0x11: {  	s13 =	simm.s32 $0x0;
	s12 =	simm.s32 $0x0;
	s10 =	smul.u32 $0xA0, s8  }
.Ltmp0:
0x12: {  	s9 =	sadd.s32 $0x11A00, s9;
	s2 =	rddreg [dreg:$0x3];
	(pc) =	sbr.rel .LBB2_1-.Ltmp0, $4  }
0x13: {  	_ =	strace $0x8000004A;
	p0 =	sne.s32 s7, s10;
	s10 =	simm.s32 $0x1  }
0x14: {  	[sflag:s6] =	ssyncpa.u1 $0x0;
	s7 =	simm.s32 $0x2;
	s10 =	simm.s32 @!p0 $0x0  }
0x15: {  	[sflag:s7] =	ssyncpa.u1 $0x0;
	p0 =	por $0x0, $0x0;
	s8 =	sadd.s32 s8, s10  }
0x16: {  	vm0 =	vmmov $0xff;
	vm1 =	vcmask $0x3F20;
	[sflag:s11] =	ssyncpa.u1 $0x0;
	s11 =	smov.u32 s1;
	s10 =	sadd.s32 $0x1, s8  }
.LBB2_8:
0x17: {  	[hbm:s17] =	stream.linear.scatter [tilespmem:s14], [sflag:$0x3], $0x800, $0x38;
	[tilespmem:$0x14140] =	vst v63  }
.LBB2_9:
0x18: {  	s13 =	sadd.s32 $0xA0, s11  }
0x19: {  	s15 =	smov.u32 s1;
	p2 =	slt.s32 s13, s3  }
0x1a: {  	s15 =	smov.u32 @p2 s13;
	p2 =	sne.s32 s12, s10  }
.Ltmp1:
0x1b: {  	p1 =	slt.u32 s12, $0x2;
	(pc) =	sbr.rel @!p2 .LBB2_10-.Ltmp1, $4  }
0x1c: {  	s14 =	simm.s32 @!p1 $0x3  }
0x1d: {  	s16 =	sadd.s32 $0x1, s12;
	_ =	swait.ge @!p1 [sflag:s14], $0xA000  }
0x1e: {  	p0 =	por !p0, !p0;
	s13 =	smov.u32 s11;
	[sflag:s14] =	ssyncset.done @!p1 $0x0  }
0x1f: {  	s12 =	smov.u32 s16;
	s11 =	smov.u32 s15;
	[sflag:s14] =	ssyncadd.s32 @!p1 $0xFFFF6000  }
.LBB2_1:
0x20: {  	p1 =	sge.u32 s12, s8  }
0x21: {  	s14 =	sxor.u32 @!p1 $0xFFFFFFFF, s12  }
0x22: {  	s14 =	sand.u32 @!p1 $0x1, s14  }
0x23: {  	s14 =	smul.u32 @!p1 $0x280, s14  }
0x24: {  	s31 =	sadd.s32 $0xFFFFFFFF, s12;
	s15 =	sshrl.u32 @!p1 s11, $0x3  }
0x25: {  	s16 =	sand.u32 @!p1 $0x7, s11;
	s15 =	sadd.s32 @!p1 s9, s15;
	s14 =	sshrl.u32 @!p1 s14, $0x2  }
0x26: {  	[tilespmem:s14], [sflag:$0x2] =	stream.linear.gather @!p1 [hbm4b:s15+s16], $0xA0, $0x38;
	[tilespmem:$0x14140] =	vst v63  }
0x27: {  	p1 =	sge.u32 s31, s8  }
.Ltmp2:
0x28: {  	_ = 	snop;
	(pc) =	sbr.rel @p1 .LBB2_9-.Ltmp2, $1  }
0x29: {  	_ =	sdelay $0x3  }
0x2a: {  	s14 =	simm.s32 $0x1;
	s15 =	sand.u32 $0x1, s12  }
0x2b: {  	s14 =	simm.s32 @!p0 $0x0;
	s16 =	smul.u32 $0x28000, s15  }
0x2c: {  	_ =	swait.ge [sflag:s7], $0xA0;
	s14 =	smul.u32 $0x28000, s14  }
0x2d: {  	s17 =	simm.s32 $0x0;
	[sflag:s7] =	ssyncset.done $0x0;
	s15 =	smul.u32 $0x280, s15  }
0x2e: {  	[sflag:s7] =	ssyncadd.s32 $0xFFFFFF60;
	s16 =	sshrl.u32 s16, $0x2;
	s14 =	sshrl.u32 s14, $0x2  }
0x2f: {  	s15 =	sshrl.u32 s15, $0x2;
	s16 =	sor.u32 $0x140, s16;
	s14 =	sor.u32 $0x140, s14  }
.LBB2_3:
0x30: {  	s18 =	sshll.u32 s17, $0x4  }
0x31: {  	s18 =	sand.u32 $0x3FFFFFF0, s18  }
0x32: {  	s18 =	sadd.s32 s18, s15  }
0x33: {  	v0 =	vld.msk [tilespmem:s18+$0x0 ss:$0x1], $0xffff;
	_ =	sdelay $0x4  }
0x34: {  	vm2 =	vgt.s32 v0, $0x0  }
0x35: {  	v0 =	vnsel vm2, $0x0, v0  }
0x36: {  	v0 =	vmin.u32 v0, $0x1F3F  }
0x37: {  	s31 =	sshll.u32 s17, $0xC;
	v1 =	vshll.u32 v0, $0x5;
	v0 =	vshll.u32 v0, $0x4  }
0x38: {  	s18 =	sand.u32 $0x3FFFF000, s31;
	v1 =	vand.u32 $0x3FF00, v1;
	v0 =	vand.u32 $0x70, v0  }
0x39: {  	p1 =	por $0x1, $0x1;
	s19 =	simm.s32 $0x0;
	s18 =	sadd.s32 s18, s16;
	v0 =	vor.u32 v0, v1  }
.LBB2_4:
0x3a: {  	_ =	sdelay $0x1  }
0x3b: {  	s19 =	sshra.s32 s19, $0x2;
	p2 =	por p1, p1  }
.Ltmp3:
0x3c: {  	s19 =	sadd.s32 s19, s18;
	(pc) =	sbr.rel @p2 .LBB2_4-.Ltmp3, $4  }
0x3d: {  	[tilespmem:s19], [sflag:$0x1] =	stream.indirect_vreg.gather [hbm:s4], $0x80, v0, vm0, $0x38;
	[tilespmem:$0x14140] =	vst v63  }
0x3e: {  	s19 =	sadd.s32 $0x800, s19  }
0x3f: {  	[tilespmem:s19], [sflag:$0x1] =	stream.indirect_vreg.gather [hbm:s4], $0x80, v0, vm1, $0x38;
	[tilespmem:$0x14140] =	vst v63  }
0x40: {  	p1 =	por $0x0, $0x0;
	v0 =	vadd.s32 $0x80, v0;
	s19 =	simm.s32 $0x1000  }
0x41: {  	s17 =	sadd.s32 $0x1, s17  }
0x42: {  	p1 =	sne.s32 s17, $0xA  }
.Ltmp4:
0x43: {  	_ = 	snop;
	(pc) =	sbr.rel @p1 .LBB2_3-.Ltmp4, $1  }
0x44: {  	_ =	sdelay $0x3  }
0x45: {  	s15 =	sshll.u32 s13, $0x5  }
0x46: {  	s31 =	sshll.u32 s13, $0x4;
	s15 =	sand.u32 $0xFFFFFF00, s15  }
0x47: {  	_ =	swait.ge [sflag:s6], $0xA000;
	s13 =	sand.u32 $0x70, s31;
	s15 =	sadd.s32 s15, s5  }
0x48: {  	s16 =	sadd.s32 $0x800, s14;
	[sflag:s6] =	ssyncset.done $0x0;
	s13 =	sadd.s32 s13, s15  }
0x49: {  	[sflag:s6] =	ssyncadd.s32 $0xFFFF6000;
	s15 =	simm.s32 $0x100;
	s17 =	sadd.s32 $0x0, s13  }
.LBB2_7:
0x4a: {  	[hbm:s17] =	stream.linear.scatter [tilespmem:s14], [sflag:$0x3], $0x800, $0x38;
	[tilespmem:$0x14140] =	vst v63  }
0x4b: {  	s17 =	smov.u32 s15;
	s14 =	smov.u32 s16;
	p1 =	sne.s32 s15, $0x1300  }
.Ltmp5:
0x4c: {  	s15 =	sadd.s32 $0x100, s15;
	(pc) =	sbr.rel @p1 .LBB2_7-.Ltmp5, $2  }
0x4d: {  	_ =	sdelay $0x2  }
0x4e: {  	s16 =	sadd.s32 $0x800, s16;
	s17 =	sadd.s32 s17, s13  }
.Ltmp6:
0x4f: {  	_ = 	snop;
	(pc) =	sbr.rel .LBB2_8-.Ltmp6, $1  }
0x50: {  	_ =	sdelay $0x3  }
.LBB2_10:
0x51: {  	_ =	sfence.sel $0x180000  }
0x52: {  	s1 =	simm.s32 $0x2;
	[bflag:$0x0] =	sbarrier.arrive $0xFFFF  }
0x53: {  	s30 =	simm.s32 $0x3;
	[sflag:s1] =	ssyncpa.u1 $0x1  }
0x54: {  	s31 =	simm.s32 $0x1;
	[sflag:s30] =	ssyncpa.u1 $0x1  }
0x55: {  	[sflag:s31] =	ssyncpa.u1 $0x1  }
0x56: {  	p0 =	sne.s32 s0, $0x0;
	_ =	strace $0x9000004A  }
0x57: {  	s0 =	sadd.s32 @!p0 $0x100000, s2;
	[bflag:$0x2] =	sbarrier.arrive $0xFFFF  }
0x58: {  	[sflag:s0] =	ssyncadd.tile.s32 @!p0 $0x1;
	_ =	shalt  }
.Lfunc_end2:
_tile_overlayer_lowered:
.L_overlay_start_2:
0x59: {  	(tag) =	ssettag $0x2  }
0x5a: {  	s0 =	rddreg [dreg:$0x0];
	s2 =	stileid.u32  }
0x5b: {  	s1 =	rddreg [dreg:$0x1];
	p0 =	sne.s32 s2, $0x0  }
0x5c: {  	s3 =	rddreg [dreg:$0x2];
	[bflag:$0x3] =	sbarrier.arrive $0xFFFF;
	s2 =	simm.s32 @!p0 $0x1C01  }
0x5d: {  	[timem:s3], [sflag:s2] =	dma.local @!p0 [hbm:s0], s1  }
0x5e: {  	s0 =	simm.s32 @!p0 $0x1  }
0x5f: {  	_ =	swait.ge @!p0 [sflag:s0], s1  }
0x60: {  	s1 =	ssub.s32 @!p0 $0x0, s1;
	[sflag:s0] =	ssyncset.done @!p0 $0x0  }
0x61: {  	[sflag:s0] =	ssyncadd.s32 @!p0 s1  }
0x62: {  	[bflag:$0x3] =	sbarrier.arrive $0xFFFF  }
0x63: {  	_ =	shalt  }

// kernel: gather_offload_async_start
scs
__scs_entry_jumppad:
0x0: {  	(pc) =	sbr.rel $0x88, $3  }
0x1: {  	(tag) =	ssettag $0x0;
	lr =	simm.s32 $0x1  }
0x2: {  	[smem:$0x3F98] =	sst lr;
	_ =	strace $0xD0000000  }
0x3: {  	_ = 	snop  }
0x4: {  	_ = 	snop  }
0x5: {  	_ = 	snop  }
0x6: {  	_ = 	snop  }
0x7: {  	_ = 	snop  }
__scs_overlays_trampoline_lowered:
0x8: {  	[smem:$0x3FA7] =	sst s0  }
0x9: {  	[smem:$0x3FA8] =	sst s1  }
0xa: {  	[smem:$0x3FA9] =	sst s2  }
0xb: {  	[smem:$0x3FAA] =	sst s3  }
0xc: {  	[smem:$0x3FAB] =	sst s4  }
0xd: {  	[smem:$0x3FAC] =	sst s5  }
0xe: {  	[smem:$0x3FAD] =	sst s6  }
0xf: {  	[smem:$0x3FAE] =	sst s7  }
0x10: {  	[smem:$0x3FAF] =	sst s8  }
0x11: {  	[smem:$0x3FB0] =	sst s9;
	s0 =	simm.s32 @!p0 $0x0  }
0x12: {  	s1 =	sld [smem:$0x3F96];
	s0 =	simm.s32 @p0 $0x1  }
0x13: {  	[smem:$0x3FB1] =	sst s0;
	s0 =	simm.s32 @!p1 $0x0  }
0x14: {  	s2 =	sld [smem:$0x3F95];
	s0 =	simm.s32 @p1 $0x1  }
0x15: {  	[smem:$0x3FB2] =	sst s0;
	s0 =	simm.s32 @!p2 $0x0  }
0x16: {  	s3 =	sld [smem:$0x3FDB];
	s0 =	simm.s32 @p2 $0x1  }
0x17: {  	s4 =	simm.s32 $0x1BF5;
	[smem:$0x3FB4] =	sst s0  }
0x18: {  	s0 =	sld [smem:$0x3F97];
	_ =	swait.ge [sflag:s4], $0x0  }
0x19: {  	s7 =	sld [smem:$0x3F98]  }
0x1a: {  	s8 =	sadd.s32 $0xFFFFE003, lr  }
0x1b: {  	s9 =	sadd.s32 $0xFFFFFEF7, lr;
	s5 =	simm.s32 $0xFFFFFFFF;
	p2 =	slt.u32 s8, $0xFFFFF086  }
0x1c: {  	p1 =	slt.u32 s9, $0xF7A;
	s5 =	simm.s32 @!p2 $0x0  }
0x1d: {  	s5 =	simm.s32 @p1 $0x1;
	p0 =	seq.s32 s7, s2  }
0x1e: {  	s7 =	smul.u32 @!p0 $0xF7A, s2;
	p2 =	seq.s32 @!p0 s5, $0x0  }
0x1f: {  	s9 =	smul.u32 $0xF7A, s1;
	s8 =	simm.s32 @!p0 $0x1BF5;
	p2 =	por !p2, p0  }
0x20: {  	[sflag:s8] =	ssyncset.s32 @!p0 $0xFFFFF086;
	s6 =	sadd.s32 @!p0 s3, s7;
	s7 =	simm.s32 @!p0 $0x108  }
0x21: {  	s3 =	sadd.s32 s3, s9;
	s6 =	sadd.s32 @!p0 $0x88, s6;
	s7 =	simm.s32 @p2 $0x1082  }
0x22: {  	[simem:s7], [sflag:s8] =	dma.local @!p0 [hbm:s6], $0xF7A  }
0x23: {  	s9 =	sor.u32 $0xD0000000, s2;
	s6 =	simm.s32 $0x108;
	_ =	swait.ge @!p0 [sflag:s8], $0x0  }
0x24: {  	s3 =	sadd.s32 $0x88, s3;
	s6 =	simm.s32 @!p1 $0x1082;
	[sflag:s4] =	ssyncset.s32 $0xFFFFF086  }
0x25: {  	[simem:s6], [sflag:s4] =	dma.local [hbm:s3], $0xF7A  }
0x26: {  	[smem:$0x3F98] =	sst s1;
	(tag) =	ssettag s2;
	_ =	strace s9  }
0x27: {  	s1 =	sld [smem:$0x3FA8]  }
0x28: {  	s2 =	sld [smem:$0x3FA9]  }
0x29: {  	s4 =	sld [smem:$0x3FAB]  }
0x2a: {  	p0 =	seq.s32 s5, $0x0;
	s5 =	sld [smem:$0x3FAC]  }
0x2b: {  	s6 =	sld [smem:$0x3FAD]  }
0x2c: {  	s7 =	sld [smem:$0x3FAE]  }
0x2d: {  	s3 =	simm.s32 $0x108;
	s8 =	sld [smem:$0x3FAF]  }
0x2e: {  	s3 =	simm.s32 @!p0 $0x1082;
	s9 =	sld [smem:$0x3FB0]  }
0x2f: {  	lr =	sadd.s32 s0, s3;
	s0 =	sld [smem:$0x3FA7]  }
0x30: {  	s3 =	sld [smem:$0x3FAA]  }
0x31: {  	[smem:$0x3FB3] =	sst s10  }
0x32: {  	s10 =	sld [smem:$0x3FB1];
	_ =	sdelay $0x3  }
0x33: {  	p0 =	seq.s32 s10, $0x1;
	s10 =	sld [smem:$0x3FB3];
	_ =	sdelay $0x3  }
0x34: {  	[smem:$0x3FB3] =	sst s10  }
0x35: {  	s10 =	sld [smem:$0x3FB2];
	_ =	sdelay $0x3  }
0x36: {  	p1 =	seq.s32 s10, $0x1;
	s10 =	sld [smem:$0x3FB3];
	_ =	sdelay $0x3  }
0x37: {  	[smem:$0x3FB3] =	sst s10  }
0x38: {  	s10 =	sld [smem:$0x3FB4]  }
0x39: {  	_ = 	snop;
	(pc) =	sbr.ind lr, $3  }
0x3a: {  	_ = 	snop  }
0x3b: {  	_ = 	snop  }
0x3c: {  	p2 =	seq.s32 s10, $0x1;
	s10 =	sld [smem:$0x3FB3]  }
0x3d: {  	_ =	shalt  }
0x3e: {  	_ =	shalt  }
0x3f: {  	_ =	shalt  }
0x40: {  	_ =	shalt  }
0x41: {  	_ =	shalt  }
0x42: {  	_ =	shalt  }
0x43: {  	_ =	shalt  }
0x44: {  	_ =	shalt  }
0x45: {  	_ =	shalt  }
0x46: {  	_ =	shalt  }
0x47: {  	_ =	shalt  }
0x48: {  	_ =	shalt  }
0x49: {  	_ =	shalt  }
0x4a: {  	_ =	shalt  }
0x4b: {  	_ =	shalt  }
0x4c: {  	_ =	shalt  }
0x4d: {  	_ =	shalt  }
0x4e: {  	_ =	shalt  }
0x4f: {  	_ =	shalt  }
0x50: {  	_ =	shalt  }
0x51: {  	_ =	shalt  }
0x52: {  	_ =	shalt  }
0x53: {  	_ =	shalt  }
0x54: {  	_ =	shalt  }
0x55: {  	_ =	shalt  }
0x56: {  	_ =	shalt  }
0x57: {  	_ =	shalt  }
0x58: {  	_ =	shalt  }
0x59: {  	_ =	shalt  }
0x5a: {  	_ =	shalt  }
0x5b: {  	_ =	shalt  }
0x5c: {  	_ =	shalt  }
0x5d: {  	_ =	shalt  }
0x5e: {  	_ =	shalt  }
0x5f: {  	_ =	shalt  }
0x60: {  	_ =	shalt  }
0x61: {  	_ =	shalt  }
0x62: {  	_ =	shalt  }
0x63: {  	_ =	shalt  }
0x64: {  	_ =	shalt  }
0x65: {  	_ =	shalt  }
0x66: {  	_ =	shalt  }
0x67: {  	_ =	shalt  }
0x68: {  	_ =	shalt  }
0x69: {  	_ =	shalt  }
0x6a: {  	_ =	shalt  }
0x6b: {  	_ =	shalt  }
0x6c: {  	_ =	shalt  }
0x6d: {  	_ =	shalt  }
0x6e: {  	_ =	shalt  }
0x6f: {  	_ =	shalt  }
0x70: {  	_ =	shalt  }
0x71: {  	_ =	shalt  }
0x72: {  	_ =	shalt  }
0x73: {  	_ =	shalt  }
0x74: {  	_ =	shalt  }
0x75: {  	_ =	shalt  }
0x76: {  	_ =	shalt  }
0x77: {  	_ =	shalt  }
0x78: {  	_ =	shalt  }
0x79: {  	_ =	shalt  }
0x7a: {  	_ =	shalt  }
0x7b: {  	_ =	shalt  }
0x7c: {  	_ =	shalt  }
0x7d: {  	_ =	shalt  }
0x7e: {  	_ =	shalt  }
0x7f: {  	_ =	shalt  }
0x80: {  	_ =	shalt  }
0x81: {  	_ =	shalt  }
0x82: {  	_ =	shalt  }
0x83: {  	_ =	shalt  }
0x84: {  	_ =	shalt  }
0x85: {  	_ =	shalt  }
0x86: {  	_ =	shalt  }
0x87: {  	_ =	shalt  }
.Lfunc_end0:
.L_simem_size_0:
called_computation_lowered:
.L_overlay_start_0:
0x88: {  	s0 =	sld [smem:$0x3FD9]  }
0x89: {  	s1 =	sld [smem:$0x3FFE];
	_ =	sdelay $0x3  }
0x8a: {  	s0 =	sadd.s32 s1, s0  }
0x8b: {  	[smem:$0x3FBF] =	sst s0  }
0x8c: {  	_ = 	snop  }
0x8d: {  	s0 =	sld [smem:$0x3FC6];
	(tm) =	ssettm $0x1  }
0x8e: {  	s16 =	sld [smem:$0x3FFB];
	_ =	sdelay $0x3  }
0x8f: {  	_ =	strace s16  }
0x90: {  	s1 =	sld [smem:$0x3FFC];
	_ =	sdelay $0x3  }
0x91: {  	_ =	strace s1  }
0x92: {  	s1 =	sld [smem:$0x3FFD];
	_ =	sdelay $0x3  }
0x93: {  	_ =	strace s1  }
0x94: {  	_ =	strace $0x8FFFFFFF  }
0x95: {  	s17 =	sld [smem:$0x3FDB];
	_ =	sdelay $0x1  }
0x96: {  	s2 =	simm.s32 $_scs_section_size  }
0x97: {  	s3 =	simm.s32 $_size__tile_overlayer_lowered;
	s4 =	simm.s32 $_tile_overlayer_lowered  }
0x98: {  	s20 =	simm.s32 $0x1BFF;
	s19 =	sshll.u32 s4, $0x1;
	s1 =	sadd.s32 s2, s17  }
0x99: {  	s5 =	simm.s32 $0x0;
	s18 =	sshll.u32 s3, $0x1;
	s3 =	sadd.s32 s19, s1  }
0x9a: {  	[timem:s5], [sflag:s20] =	dma.local [hbm:s3], s18  }
0x9b: {  	_ =	swait.ge [sflag:s20], s18  }
0x9c: {  	s2 =	ssub.s32 $0x0, s18;
	[sflag:s20] =	ssyncset.done $0x0  }
0x9d: {  	[sflag:s20] =	ssyncadd.s32 s2;
	_ =	sdelay $0x1  }
0x9e: {  	s21 =	simm.s32 $0x1B8B  }
0x9f: {  	_ =	swait.ge [sflag:s21], $0x1  }
0xa0: {  	[sflag:s21] =	ssyncset.done $0x0  }
0xa1: {  	s23 =	simm.s32 $0x1B8E;
	s22 =	sld [smem:$0x3FFE];
	[sflag:s21] =	ssyncadd.s32 $0xFFFFFFFF  }
0xa2: {  	s24 =	simm.s32 $execute0_lowered;
	[smem:$0x3FD2] =	sst s23  }
0xa3: {  	s3 =	sshll.u32 s24, $0x1;
	_ =	strace $0x80000046;
	[dreg:$0x1] =	wrdreg $0xFFFFFFFF  }
0xa4: {  	s25 =	simm.s32 $_size_execute0_lowered;
	s1 =	sadd.s32 s1, s3;
	[dreg:$0x0] =	wrdreg $0x0  }
0xa5: {  	s3 =	sshll.u32 s25, $0x1;
	[dreg:$0x2] =	wrdreg s1  }
0xa6: {  	[dreg:$0x3] =	wrdreg s3  }
0xa7: {  	[dreg:$0x4] =	wrdreg $0xC0  }
0xa8: {  	_ =	task [dreg:s5], $0x5FFFF  }
0xa9: {  	[dreg:$0x1] =	wrdreg $0xFFFFFFFF  }
0xaa: {  	[dreg:$0x0] =	wrdreg $0x60  }
0xab: {  	[dreg:$0x2] =	wrdreg s0  }
0xac: {  	[dreg:$0x3] =	wrdreg s22  }
0xad: {  	[dreg:$0x4] =	wrdreg $0x9  }
0xae: {  	_ =	task.clear_ibuf [dreg:s5], $0x5FFFF;
	_ =	strace $0x90000046  }
0xaf: {  	s26 =	simm.s32 $0x9;
	_ =	strace $0x80000048  }
0xb0: {  	_ =	swait.ge [sflag:s26], $0x1  }
0xb1: {  	[sflag:s26] =	ssyncadd.s32 $0xFFFFFFFF  }
0xb2: {  	_ =	strace $0x90000048  }
0xb3: {  	_ =	sfence  }
0xb4: {  	s28 =	sld [smem:$0x0];
	_ =	sdelay $0x1  }
0xb5: {  	s29 =	srdreg.scid  }
0xb6: {  	s30 =	sshll.u32 s29, $0xD;
	s31 =	sshrl.u32 s29, $0x2  }
0xb7: {  	s2 =	sand.u32 $0x4000, s30;
	s1 =	sand.u32 $0x1, s29;
	s0 =	sadd.s32 s31, s28  }
0xb8: {  	s1 =	sor.u32 s2, s1;
	s0 =	sshll.u32 s0, $0x11  }
0xb9: {  	s0 =	sor.u32 s0, s1  }
0xba: {  	s0 =	sadd.s32 $0x8F2B, s0  }
0xbb: {  	[sflag:s0] =	ssyncadd.remote.s32 $0x1  }
0xbc: {  	_ =	sfence.sel $0xFFFF  }
0xbd: {  	[dreg:$0x0] =	wrdreg $0xFFFFFFFF;
	(pc) =	sbr.abs _section_cstart, $3  }
0xbe: {  	[dreg:$0x1] =	wrdreg $0xFFFFFFFF  }
0xbf: {  	_ =	task.clear_ibuf [dreg:s5], $0x2FFFF;
	_ =	strace $0x9FFFFFFF  }
0xc0: {  	(tm) =	ssettm $0x7FFFFFFF  }
0xc1: {  	_ =	shalt  }
tec
execute0_lowered:
.L_overlay_start_1:
0x0: {  	(tag) =	ssettag $0x1  }
0x1: {  	s0 =	stileid.u32  }
0x2: {  	s1 =	smin.u32 s0, $0x9  }
0x3: {  	s1 =	sadd.s32 s0, s1  }
0x4: {  	s2 =	simm.s32 $0xA0;
	p0 =	slt.u32 s0, $0x9;
	s1 =	smul.u32 $0x50, s1  }
0x5: {  	s2 =	simm.s32 @!p0 $0x50  }
0x6: {  	s2 =	sadd.s32 s2, s1  }
0x7: {  	s3 =	smin.u32 s2, $0x7D0  }
0x8: {  	s7 =	ssub.s32 s3, s1  }
0x9: {  	p0 =	sgt.s32 s7, $0x0  }
0xa: {  	s7 =	simm.s32 @!p0 $0x0  }
0xb: {  	s4 =	rddreg [dreg:$0x0];
	s31 =	smul.u32 $0xCCCD, s7  }
0xc: {  	s9 =	rddreg [dreg:$0x1];
	s6 =	simm.s32 $0x1  }
0xd: {  	s11 =	simm.s32 $0x3;
	s13 =	simm.s32 $0x0;
	s8 =	sshrl.u32 s31, $0x16  }
0xe: {  	s12 =	simm.s32 $0x0;
	s5 =	sadd.s32 $0x1E00, s9;
	s10 =	smul.u32 $0x50, s8  }
.Ltmp0:
0xf: {  	s9 =	sadd.s32 $0x2000, s9;
	s2 =	rddreg [dreg:$0x2];
	(pc) =	sbr.rel .LBB2_1-.Ltmp0, $4  }
0x10: {  	_ =	strace $0x80000047;
	p0 =	sne.s32 s7, s10;
	s10 =	simm.s32 $0x1  }
0x11: {  	[sflag:s6] =	ssyncpa.u1 $0x0;
	s7 =	simm.s32 $0x2;
	s10 =	simm.s32 @!p0 $0x0  }
0x12: {  	[sflag:s7] =	ssyncpa.u1 $0x0;
	p0 =	por $0x0, $0x0;
	s8 =	sadd.s32 s8, s10  }
0x13: {  	vm0 =	vmmov $0xff;
	vm1 =	vcmask $0x3F20;
	[sflag:s11] =	ssyncpa.u1 $0x0;
	s11 =	smov.u32 s1;
	s10 =	sadd.s32 $0x1, s8  }
.LBB2_8:
0x14: {  	[hbm:s17] =	stream.linear.scatter [tilespmem:s14], [sflag:$0x3], $0x800, $0x38;
	[tilespmem:$0xA0A0] =	vst v63  }
.LBB2_9:
0x15: {  	s13 =	sadd.s32 $0x50, s11  }
0x16: {  	s15 =	smov.u32 s1;
	p2 =	slt.s32 s13, s3  }
0x17: {  	s15 =	smov.u32 @p2 s13;
	p2 =	sne.s32 s12, s10  }
.Ltmp1:
0x18: {  	p1 =	slt.u32 s12, $0x2;
	(pc) =	sbr.rel @!p2 .LBB2_10-.Ltmp1, $4  }
0x19: {  	s14 =	simm.s32 @!p1 $0x3  }
0x1a: {  	s16 =	sadd.s32 $0x1, s12;
	_ =	swait.ge @!p1 [sflag:s14], $0x5000  }
0x1b: {  	p0 =	por !p0, !p0;
	s13 =	smov.u32 s11;
	[sflag:s14] =	ssyncset.done @!p1 $0x0  }
0x1c: {  	s12 =	smov.u32 s16;
	s11 =	smov.u32 s15;
	[sflag:s14] =	ssyncadd.s32 @!p1 $0xFFFFB000  }
.LBB2_1:
0x1d: {  	p1 =	sge.u32 s12, s8  }
0x1e: {  	s14 =	sxor.u32 @!p1 $0xFFFFFFFF, s12  }
0x1f: {  	s14 =	sand.u32 @!p1 $0x1, s14  }
0x20: {  	s14 =	smul.u32 @!p1 $0x140, s14  }
0x21: {  	s31 =	sadd.s32 $0xFFFFFFFF, s12;
	s15 =	sshrl.u32 @!p1 s11, $0x3  }
0x22: {  	s16 =	sand.u32 @!p1 $0x7, s11;
	s15 =	sadd.s32 @!p1 s5, s15;
	s14 =	sshrl.u32 @!p1 s14, $0x2  }
0x23: {  	[tilespmem:s14], [sflag:$0x2] =	stream.linear.gather @!p1 [hbm4b:s15+s16], $0x50, $0x38;
	[tilespmem:$0xA0A0] =	vst v63  }
0x24: {  	p1 =	sge.u32 s31, s8  }
.Ltmp2:
0x25: {  	_ = 	snop;
	(pc) =	sbr.rel @p1 .LBB2_9-.Ltmp2, $1  }
0x26: {  	_ =	sdelay $0x3  }
0x27: {  	s14 =	simm.s32 $0x1;
	s15 =	sand.u32 $0x1, s12  }
0x28: {  	s14 =	simm.s32 @!p0 $0x0;
	s16 =	smul.u32 $0x14000, s15  }
0x29: {  	_ =	swait.ge [sflag:s7], $0x50;
	s14 =	smul.u32 $0x14000, s14  }
0x2a: {  	s17 =	simm.s32 $0x0;
	[sflag:s7] =	ssyncset.done $0x0;
	s15 =	smul.u32 $0x140, s15  }
0x2b: {  	[sflag:s7] =	ssyncadd.s32 $0xFFFFFFB0;
	s16 =	sshrl.u32 s16, $0x2;
	s14 =	sshrl.u32 s14, $0x2  }
0x2c: {  	s15 =	sshrl.u32 s15, $0x2;
	s16 =	sor.u32 $0xA0, s16;
	s14 =	sor.u32 $0xA0, s14  }
.LBB2_3:
0x2d: {  	s18 =	sshll.u32 s17, $0x4  }
0x2e: {  	s18 =	sand.u32 $0x3FFFFFF0, s18  }
0x2f: {  	s18 =	sadd.s32 s18, s15  }
0x30: {  	v0 =	vld.msk [tilespmem:s18+$0x0 ss:$0x1], $0xffff;
	_ =	sdelay $0x4  }
0x31: {  	vm2 =	vgt.s32 v0, $0x0  }
0x32: {  	v0 =	vnsel vm2, $0x0, v0  }
0x33: {  	v0 =	vmin.u32 v0, $0x7CF  }
0x34: {  	s31 =	sshll.u32 s17, $0xC;
	v1 =	vshll.u32 v0, $0x5;
	v0 =	vshll.u32 v0, $0x4  }
0x35: {  	s18 =	sand.u32 $0x3FFFF000, s31;
	v1 =	vand.u32 $0xFF00, v1;
	v0 =	vand.u32 $0x70, v0  }
0x36: {  	p1 =	por $0x1, $0x1;
	s19 =	simm.s32 $0x0;
	s18 =	sadd.s32 s18, s16;
	v0 =	vor.u32 v0, v1  }
.LBB2_4:
0x37: {  	_ =	sdelay $0x1  }
0x38: {  	s19 =	sshra.s32 s19, $0x2;
	p2 =	por p1, p1  }
.Ltmp3:
0x39: {  	s19 =	sadd.s32 s19, s18;
	(pc) =	sbr.rel @p2 .LBB2_4-.Ltmp3, $4  }
0x3a: {  	[tilespmem:s19], [sflag:$0x1] =	stream.indirect_vreg.gather [hbm:s4], $0x80, v0, vm0, $0x38;
	[tilespmem:$0xA0A0] =	vst v63  }
0x3b: {  	s19 =	sadd.s32 $0x800, s19  }
0x3c: {  	[tilespmem:s19], [sflag:$0x1] =	stream.indirect_vreg.gather [hbm:s4], $0x80, v0, vm1, $0x38;
	[tilespmem:$0xA0A0] =	vst v63  }
0x3d: {  	p1 =	por $0x0, $0x0;
	v0 =	vadd.s32 $0x80, v0;
	s19 =	simm.s32 $0x1000  }
0x3e: {  	s17 =	sadd.s32 $0x1, s17  }
0x3f: {  	p1 =	sne.s32 s17, $0x5  }
.Ltmp4:
0x40: {  	_ = 	snop;
	(pc) =	sbr.rel @p1 .LBB2_3-.Ltmp4, $1  }
0x41: {  	_ =	sdelay $0x3  }
0x42: {  	s15 =	sshll.u32 s13, $0x5  }
0x43: {  	s31 =	sshll.u32 s13, $0x4;
	s15 =	sand.u32 $0xFFFFFF00, s15  }
0x44: {  	_ =	swait.ge [sflag:s6], $0x5000;
	s13 =	sand.u32 $0x70, s31;
	s15 =	sadd.s32 s15, s9  }
0x45: {  	s16 =	sadd.s32 $0x800, s14;
	[sflag:s6] =	ssyncset.done $0x0;
	s13 =	sadd.s32 s13, s15  }
0x46: {  	[sflag:s6] =	ssyncadd.s32 $0xFFFFB000;
	s15 =	simm.s32 $0x100;
	s17 =	sadd.s32 $0x0, s13  }
.LBB2_7:
0x47: {  	[hbm:s17] =	stream.linear.scatter [tilespmem:s14], [sflag:$0x3], $0x800, $0x38;
	[tilespmem:$0xA0A0] =	vst v63  }
0x48: {  	s17 =	smov.u32 s15;
	s14 =	smov.u32 s16;
	p1 =	sne.s32 s15, $0x900  }
.Ltmp5:
0x49: {  	s15 =	sadd.s32 $0x100, s15;
	(pc) =	sbr.rel @p1 .LBB2_7-.Ltmp5, $2  }
0x4a: {  	_ =	sdelay $0x2  }
0x4b: {  	s16 =	sadd.s32 $0x800, s16;
	s17 =	sadd.s32 s17, s13  }
.Ltmp6:
0x4c: {  	_ = 	snop;
	(pc) =	sbr.rel .LBB2_8-.Ltmp6, $1  }
0x4d: {  	_ =	sdelay $0x3  }
.LBB2_10:
0x4e: {  	_ =	sfence.sel $0x180000  }
0x4f: {  	s1 =	simm.s32 $0x2;
	[bflag:$0x0] =	sbarrier.arrive $0xFFFF  }
0x50: {  	s30 =	simm.s32 $0x3;
	[sflag:s1] =	ssyncpa.u1 $0x1  }
0x51: {  	s31 =	simm.s32 $0x1;
	[sflag:s30] =	ssyncpa.u1 $0x1  }
0x52: {  	[sflag:s31] =	ssyncpa.u1 $0x1  }
0x53: {  	p0 =	sne.s32 s0, $0x0;
	_ =	strace $0x90000047  }
0x54: {  	s0 =	sadd.s32 @!p0 $0x100000, s2;
	[bflag:$0x2] =	sbarrier.arrive $0xFFFF  }
0x55: {  	[sflag:s0] =	ssyncadd.tile.s32 @!p0 $0x1;
	_ =	shalt  }
.Lfunc_end2:
_tile_overlayer_lowered:
.L_overlay_start_2:
0x56: {  	(tag) =	ssettag $0x2  }
0x57: {  	s0 =	rddreg [dreg:$0x0];
	s2 =	stileid.u32  }
0x58: {  	s1 =	rddreg [dreg:$0x1];
	p0 =	sne.s32 s2, $0x0  }
0x59: {  	s3 =	rddreg [dreg:$0x2];
	[bflag:$0x3] =	sbarrier.arrive $0xFFFF;
	s2 =	simm.s32 @!p0 $0x1C01  }
0x5a: {  	[timem:s3], [sflag:s2] =	dma.local @!p0 [hbm:s0], s1  }
0x5b: {  	s0 =	simm.s32 @!p0 $0x1  }
0x5c: {  	_ =	swait.ge @!p0 [sflag:s0], s1  }
0x5d: {  	s1 =	ssub.s32 @!p0 $0x0, s1;
	[sflag:s0] =	ssyncset.done @!p0 $0x0  }
0x5e: {  	[sflag:s0] =	ssyncadd.s32 @!p0 s1  }
0x5f: {  	[bflag:$0x3] =	sbarrier.arrive $0xFFFF  }
0x60: {  	_ =	shalt  }

// kernel: kernel.12.cloned.1.call-start
scs
__scs_entry_jumppad:
0x0: {  	(pc) =	sbr.rel $0x88, $3  }
0x1: {  	(tag) =	ssettag $0x0;
	lr =	simm.s32 $0x1  }
0x2: {  	[smem:$0x3F98] =	sst lr;
	_ =	strace $0xD0000000  }
0x3: {  	_ = 	snop  }
0x4: {  	_ = 	snop  }
0x5: {  	_ = 	snop  }
0x6: {  	_ = 	snop  }
0x7: {  	_ = 	snop  }
__scs_overlays_trampoline_lowered:
0x8: {  	[smem:$0x3FA7] =	sst s0  }
0x9: {  	[smem:$0x3FA8] =	sst s1  }
0xa: {  	[smem:$0x3FA9] =	sst s2  }
0xb: {  	[smem:$0x3FAA] =	sst s3  }
0xc: {  	[smem:$0x3FAB] =	sst s4  }
0xd: {  	[smem:$0x3FAC] =	sst s5  }
0xe: {  	[smem:$0x3FAD] =	sst s6  }
0xf: {  	[smem:$0x3FAE] =	sst s7  }
0x10: {  	[smem:$0x3FAF] =	sst s8  }
0x11: {  	[smem:$0x3FB0] =	sst s9;
	s0 =	simm.s32 @!p0 $0x0  }
0x12: {  	s1 =	sld [smem:$0x3F96];
	s0 =	simm.s32 @p0 $0x1  }
0x13: {  	[smem:$0x3FB1] =	sst s0;
	s0 =	simm.s32 @!p1 $0x0  }
0x14: {  	s2 =	sld [smem:$0x3F95];
	s0 =	simm.s32 @p1 $0x1  }
0x15: {  	[smem:$0x3FB2] =	sst s0;
	s0 =	simm.s32 @!p2 $0x0  }
0x16: {  	s3 =	sld [smem:$0x3FDB];
	s0 =	simm.s32 @p2 $0x1  }
0x17: {  	s4 =	simm.s32 $0x1BF5;
	[smem:$0x3FB4] =	sst s0  }
0x18: {  	s0 =	sld [smem:$0x3F97];
	_ =	swait.ge [sflag:s4], $0x0  }
0x19: {  	s7 =	sld [smem:$0x3F98]  }
0x1a: {  	s8 =	sadd.s32 $0xFFFFE003, lr  }
0x1b: {  	s9 =	sadd.s32 $0xFFFFFEF7, lr;
	s5 =	simm.s32 $0xFFFFFFFF;
	p2 =	slt.u32 s8, $0xFFFFF086  }
0x1c: {  	p1 =	slt.u32 s9, $0xF7A;
	s5 =	simm.s32 @!p2 $0x0  }
0x1d: {  	s5 =	simm.s32 @p1 $0x1;
	p0 =	seq.s32 s7, s2  }
0x1e: {  	s7 =	smul.u32 @!p0 $0xF7A, s2;
	p2 =	seq.s32 @!p0 s5, $0x0  }
0x1f: {  	s9 =	smul.u32 $0xF7A, s1;
	s8 =	simm.s32 @!p0 $0x1BF5;
	p2 =	por !p2, p0  }
0x20: {  	[sflag:s8] =	ssyncset.s32 @!p0 $0xFFFFF086;
	s6 =	sadd.s32 @!p0 s3, s7;
	s7 =	simm.s32 @!p0 $0x108  }
0x21: {  	s3 =	sadd.s32 s3, s9;
	s6 =	sadd.s32 @!p0 $0x88, s6;
	s7 =	simm.s32 @p2 $0x1082  }
0x22: {  	[simem:s7], [sflag:s8] =	dma.local @!p0 [hbm:s6], $0xF7A  }
0x23: {  	s9 =	sor.u32 $0xD0000000, s2;
	s6 =	simm.s32 $0x108;
	_ =	swait.ge @!p0 [sflag:s8], $0x0  }
0x24: {  	s3 =	sadd.s32 $0x88, s3;
	s6 =	simm.s32 @!p1 $0x1082;
	[sflag:s4] =	ssyncset.s32 $0xFFFFF086  }
0x25: {  	[simem:s6], [sflag:s4] =	dma.local [hbm:s3], $0xF7A  }
0x26: {  	[smem:$0x3F98] =	sst s1;
	(tag) =	ssettag s2;
	_ =	strace s9  }
0x27: {  	s1 =	sld [smem:$0x3FA8]  }
0x28: {  	s2 =	sld [smem:$0x3FA9]  }
0x29: {  	s4 =	sld [smem:$0x3FAB]  }
0x2a: {  	p0 =	seq.s32 s5, $0x0;
	s5 =	sld [smem:$0x3FAC]  }
0x2b: {  	s6 =	sld [smem:$0x3FAD]  }
0x2c: {  	s7 =	sld [smem:$0x3FAE]  }
0x2d: {  	s3 =	simm.s32 $0x108;
	s8 =	sld [smem:$0x3FAF]  }
0x2e: {  	s3 =	simm.s32 @!p0 $0x1082;
	s9 =	sld [smem:$0x3FB0]  }
0x2f: {  	lr =	sadd.s32 s0, s3;
	s0 =	sld [smem:$0x3FA7]  }
0x30: {  	s3 =	sld [smem:$0x3FAA]  }
0x31: {  	[smem:$0x3FB3] =	sst s10  }
0x32: {  	s10 =	sld [smem:$0x3FB1];
	_ =	sdelay $0x3  }
0x33: {  	p0 =	seq.s32 s10, $0x1;
	s10 =	sld [smem:$0x3FB3];
	_ =	sdelay $0x3  }
0x34: {  	[smem:$0x3FB3] =	sst s10  }
0x35: {  	s10 =	sld [smem:$0x3FB2];
	_ =	sdelay $0x3  }
0x36: {  	p1 =	seq.s32 s10, $0x1;
	s10 =	sld [smem:$0x3FB3];
	_ =	sdelay $0x3  }
0x37: {  	[smem:$0x3FB3] =	sst s10  }
0x38: {  	s10 =	sld [smem:$0x3FB4]  }
0x39: {  	_ = 	snop;
	(pc) =	sbr.ind lr, $3  }
0x3a: {  	_ = 	snop  }
0x3b: {  	_ = 	snop  }
0x3c: {  	p2 =	seq.s32 s10, $0x1;
	s10 =	sld [smem:$0x3FB3]  }
0x3d: {  	_ =	shalt  }
0x3e: {  	_ =	shalt  }
0x3f: {  	_ =	shalt  }
0x40: {  	_ =	shalt  }
0x41: {  	_ =	shalt  }
0x42: {  	_ =	shalt  }
0x43: {  	_ =	shalt  }
0x44: {  	_ =	shalt  }
0x45: {  	_ =	shalt  }
0x46: {  	_ =	shalt  }
0x47: {  	_ =	shalt  }
0x48: {  	_ =	shalt  }
0x49: {  	_ =	shalt  }
0x4a: {  	_ =	shalt  }
0x4b: {  	_ =	shalt  }
0x4c: {  	_ =	shalt  }
0x4d: {  	_ =	shalt  }
0x4e: {  	_ =	shalt  }
0x4f: {  	_ =	shalt  }
0x50: {  	_ =	shalt  }
0x51: {  	_ =	shalt  }
0x52: {  	_ =	shalt  }
0x53: {  	_ =	shalt  }
0x54: {  	_ =	shalt  }
0x55: {  	_ =	shalt  }
0x56: {  	_ =	shalt  }
0x57: {  	_ =	shalt  }
0x58: {  	_ =	shalt  }
0x59: {  	_ =	shalt  }
0x5a: {  	_ =	shalt  }
0x5b: {  	_ =	shalt  }
0x5c: {  	_ =	shalt  }
0x5d: {  	_ =	shalt  }
0x5e: {  	_ =	shalt  }
0x5f: {  	_ =	shalt  }
0x60: {  	_ =	shalt  }
0x61: {  	_ =	shalt  }
0x62: {  	_ =	shalt  }
0x63: {  	_ =	shalt  }
0x64: {  	_ =	shalt  }
0x65: {  	_ =	shalt  }
0x66: {  	_ =	shalt  }
0x67: {  	_ =	shalt  }
0x68: {  	_ =	shalt  }
0x69: {  	_ =	shalt  }
0x6a: {  	_ =	shalt  }
0x6b: {  	_ =	shalt  }
0x6c: {  	_ =	shalt  }
0x6d: {  	_ =	shalt  }
0x6e: {  	_ =	shalt  }
0x6f: {  	_ =	shalt  }
0x70: {  	_ =	shalt  }
0x71: {  	_ =	shalt  }
0x72: {  	_ =	shalt  }
0x73: {  	_ =	shalt  }
0x74: {  	_ =	shalt  }
0x75: {  	_ =	shalt  }
0x76: {  	_ =	shalt  }
0x77: {  	_ =	shalt  }
0x78: {  	_ =	shalt  }
0x79: {  	_ =	shalt  }
0x7a: {  	_ =	shalt  }
0x7b: {  	_ =	shalt  }
0x7c: {  	_ =	shalt  }
0x7d: {  	_ =	shalt  }
0x7e: {  	_ =	shalt  }
0x7f: {  	_ =	shalt  }
0x80: {  	_ =	shalt  }
0x81: {  	_ =	shalt  }
0x82: {  	_ =	shalt  }
0x83: {  	_ =	shalt  }
0x84: {  	_ =	shalt  }
0x85: {  	_ =	shalt  }
0x86: {  	_ =	shalt  }
0x87: {  	_ =	shalt  }
.Lfunc_end0:
.L_simem_size_0:
called_computation.3_lowered:
.L_overlay_start_0:
0x88: {  	s2 =	sld [smem:$0x3FD9]  }
0x89: {  	s3 =	sld [smem:$0x3FFE];
	_ =	sdelay $0x1  }
0x8a: {  	s1 =	srdreg.scid  }
0x8b: {  	s0 =	sand.u32 $0x1, s1  }
0x8c: {  	s17 =	sshll.u32 s0, $0xA;
	s2 =	sadd.s32 s3, s2  }
0x8d: {  	s2 =	sadd.s32 s2, s17  }
0x8e: {  	[smem:$0x3FBF] =	sst s2  }
0x8f: {  	_ = 	snop  }
0x90: {  	s2 =	sld [smem:$0x3FD0];
	(tm) =	ssettm $0x1  }
0x91: {  	s18 =	sld [smem:$0x3FFB];
	_ =	sdelay $0x3  }
0x92: {  	_ =	strace s18  }
0x93: {  	s3 =	sld [smem:$0x3FFC];
	_ =	sdelay $0x3  }
0x94: {  	_ =	strace s3  }
0x95: {  	s3 =	sld [smem:$0x3FFD];
	_ =	sdelay $0x3  }
0x96: {  	_ =	strace s3  }
0x97: {  	_ =	strace $0x8FFFFFFF  }
0x98: {  	s19 =	sld [smem:$0x3FDB];
	_ =	sdelay $0x1  }
0x99: {  	s4 =	simm.s32 $_scs_section_size  }
0x9a: {  	s5 =	simm.s32 $_size__tile_overlayer_lowered;
	s6 =	simm.s32 $_tile_overlayer_lowered  }
0x9b: {  	s22 =	simm.s32 $0x1BFF;
	s21 =	sshll.u32 s6, $0x1;
	s3 =	sadd.s32 s4, s19  }
0x9c: {  	s7 =	simm.s32 $0x0;
	s20 =	sshll.u32 s5, $0x1;
	s5 =	sadd.s32 s21, s3  }
0x9d: {  	[timem:s7], [sflag:s22] =	dma.local [hbm:s5], s20  }
0x9e: {  	_ =	swait.ge [sflag:s22], s20  }
0x9f: {  	s4 =	ssub.s32 $0x0, s20;
	[sflag:s22] =	ssyncset.done $0x0  }
0xa0: {  	[sflag:s22] =	ssyncadd.s32 s4;
	_ =	sdelay $0x1  }
0xa1: {  	s23 =	simm.s32 $0x1B8B  }
0xa2: {  	_ =	swait.ge [sflag:s23], $0x1  }
0xa3: {  	[sflag:s23] =	ssyncset.done $0x0  }
0xa4: {  	s25 =	simm.s32 $0x1B8E;
	s24 =	sld [smem:$0x3FFE];
	[sflag:s23] =	ssyncadd.s32 $0xFFFFFFFF  }
0xa5: {  	s26 =	simm.s32 $execute0_lowered;
	[smem:$0x3FD2] =	sst s25  }
0xa6: {  	s5 =	sshll.u32 s26, $0x1;
	_ =	strace $0x8000004F;
	[dreg:$0x1] =	wrdreg $0xFFFFFFFF  }
0xa7: {  	s28 =	simm.s32 $_size_execute0_lowered;
	s3 =	sadd.s32 s3, s5;
	[dreg:$0x0] =	wrdreg $0x0  }
0xa8: {  	s5 =	sshll.u32 s28, $0x1;
	[dreg:$0x2] =	wrdreg s3  }
0xa9: {  	[dreg:$0x3] =	wrdreg s5  }
0xaa: {  	[dreg:$0x4] =	wrdreg $0xC0  }
0xab: {  	_ =	task [dreg:s7], $0x5FFFF  }
0xac: {  	[dreg:$0x1] =	wrdreg $0xFFFFFFFF  }
0xad: {  	[dreg:$0x0] =	wrdreg $0x60  }
0xae: {  	[dreg:$0x2] =	wrdreg s24  }
0xaf: {  	[dreg:$0x3] =	wrdreg s2  }
0xb0: {  	[dreg:$0x4] =	wrdreg $0xA8000  }
0xb1: {  	[dreg:$0x5] =	wrdreg $0x9  }
0xb2: {  	_ =	task.clear_ibuf [dreg:s7], $0x6FFFF;
	_ =	strace $0x9000004F  }
0xb3: {  	s29 =	simm.s32 $0x9;
	_ =	strace $0x80000051  }
0xb4: {  	_ =	swait.ge [sflag:s29], $0x1  }
0xb5: {  	[sflag:s29] =	ssyncadd.s32 $0xFFFFFFFF  }
0xb6: {  	_ =	strace $0x90000051  }
0xb7: {  	_ =	sfence  }
0xb8: {  	s30 =	sld [smem:$0x0];
	_ =	sdelay $0x2  }
0xb9: {  	s31 =	sshll.u32 s1, $0xD;
	s1 =	sshrl.u32 s1, $0x2  }
0xba: {  	s3 =	sand.u32 $0x4000, s31;
	s1 =	sadd.s32 s1, s30  }
0xbb: {  	s0 =	sor.u32 s3, s0;
	s1 =	sshll.u32 s1, $0x11  }
0xbc: {  	s0 =	sor.u32 s1, s0  }
0xbd: {  	s0 =	sadd.s32 $0x8F2B, s0  }
0xbe: {  	[sflag:s0] =	ssyncadd.remote.s32 $0x1  }
0xbf: {  	_ =	sfence.sel $0xFFFF  }
0xc0: {  	[dreg:$0x0] =	wrdreg $0xFFFFFFFF;
	(pc) =	sbr.abs _section_cstart, $3  }
0xc1: {  	[dreg:$0x1] =	wrdreg $0xFFFFFFFF  }
0xc2: {  	_ =	task.clear_ibuf [dreg:s7], $0x2FFFF;
	_ =	strace $0x9FFFFFFF  }
0xc3: {  	(tm) =	ssettm $0x7FFFFFFF  }
tec
execute0_lowered:
.L_overlay_start_1:
0x0: {  	(tag) =	ssettag $0x1  }
0x1: {  	s0 =	rddreg [dreg:$0x0]  }
0x2: {  	s1 =	srdreg.scid;
	s8 =	rddreg [dreg:$0x1]  }
0x3: {  	s2 =	rddreg [dreg:$0x2];
	s19 =	stileid.u32;
	s3 =	simm.s32 $0x0  }
0x4: {  	s22 =	simm.s32 $0x80;
	s28 =	simm.s32 $0x1380;
	s29 =	simm.s32 $0x2700  }
0x5: {  	s30 =	simm.s32 $0x2780;
	s31 =	simm.s32 $0x0;
	s7 =	smul.u32 $0x50000, s19  }
0x6: {  	s1 =	sand.u32 $0x1, s1;
	[smem:$0x7FF] =	sst s3;
	s11 =	smul.u32 $0x14000, s19  }
0x7: {  	s17 =	sadd.s32 $0xBD000, s0;
	s18 =	smul.u32 $0x2800, s19;
	s12 =	sadd.s32 $0x6D000, s0  }
0x8: {  	s14 =	sadd.s32 $0x95000, s0;
	s26 =	sshll.u32 s19, $0x6;
	s4 =	sshll.u32 s1, $0x4  }
0x9: {  	_ =	strace $0x80000050;
	s23 =	ssub.s32 $0x2, s1;
	s9 =	smul.u32 $0x140000, s1  }
0xa: {  	p0 =	seq.s32 s1, $0x0;
	s20 =	sor.u32 $0x1C03, s26;
	s26 =	simm.s32 $0x2  }
0xb: {  	s4 =	sor.u32 s19, s4;
	s10 =	sshrl.u32 s23, $0x1;
	s7 =	sshrl.u32 s7, $0x2  }
0xc: {  	s5 =	smul.u32 $0x280, s4;
	s4 =	sadd.s32 $0x1D000, s0;
	s16 =	ssub.s32 s23, s10  }
0xd: {  	s9 =	sadd.s32 s11, s9;
	s21 =	sadd.s32 s7, s2;
	s7 =	sshrl.u32 s11, $0x3  }
0xe: {  	s10 =	sadd.s32 $0x45000, s0;
	s23 =	simm.s32 $0x2800;
	s9 =	sshrl.u32 s9, $0x3  }
0xf: {  	s16 =	smax.u32 s16, $0x1;
	s21 =	sshrl.u32 s21, $0x3;
	s6 =	sadd.s32 s5, s0  }
0x10: {  	s8 =	sadd.s32 s8, s9;
	s9 =	sadd.s32 s17, s7;
	s17 =	smov.u32 @p0 s4  }
0x11: {  	p0 =	sne.s32 s1, $0x0;
	s24 =	sadd.s32 $0x18000, s6;
	s25 =	sadd.s32 $0x11E00, s6  }
0x12: {  	s11 =	sadd.s32 $0x50000, s8;
	s13 =	sadd.s32 $0xA0000, s8;
	s15 =	sadd.s32 $0xF0000, s8  }
0x13: {  	s17 =	sadd.s32 s17, s18;
	s18 =	simm.s32 $0x3;
	[dreg:$0x4] =	wrdreg s24  }
0x14: {  	[dreg:$0x5] =	wrdreg s25;
	s24 =	simm.s32 $0x6800;
	s25 =	simm.s32 $0x1  }
.LBB2_1:
0x15: {  	s0 =	rddreg [dreg:$0x4]  }
0x16: {  	[tilespmem:s3], [sflag:$0x3] =	stream.linear.gather [hbm4b:s0+s3], $0x1400, $0x38;
	[tilespmem:$0x1E800] =	vst v63  }
0x17: {  	_ =	swait.ge [sflag:s18], $0x1400  }
0x18: {  	[sflag:s18] =	ssyncset.done $0x0  }
0x19: {  	s1 =	simm.s32 $0x1400;
	s19 =	rddreg [dreg:$0x5];
	[sflag:s18] =	ssyncadd.s32 $0xFFFFEC00  }
0x1a: {  	[tilespmem:s1], [sflag:$0x3] =	stream.linear.gather [hbm4b:s19+s3], $0x1400, $0x38;
	[tilespmem:$0x1E800] =	vst v63  }
0x1b: {  	_ =	swait.ge [sflag:s18], $0x1400  }
0x1c: {  	[sflag:s18] =	ssyncset.done $0x0  }
0x1d: {  	[sflag:s18] =	ssyncadd.s32 $0xFFFFEC00  }
0x1e: {  	[spmem:s21], [sflag:s20] =	dma.local [hbm:s17], $0x2800  }
0x1f: {  	_ =	swait.ge [sflag:s18], $0x2800  }
0x20: {  	[sflag:s18] =	ssyncset.done $0x0  }
0x21: {  	[sflag:s18] =	ssyncadd.s32 $0xFFFFD800  }
0x22: {  	[bflag:$0x0] =	sbarrier.arrive $0xFFFF  }
0x23: {  	[tilespmem:s23], [sflag:$0x1] =	stream.indirect.gather [hbm4b:s4+s22], $0x80, s3, s22, $0xb8;
	[tilespmem:$0x1E800] =	vst v63  }
0x24: {  	s1 =	simm.s32 $0x80  }
0x25: {  	[tilespmem:s24], [sflag:$0x2] =	stream.indirect.gather [hbm4b:s4+s22], $0x80, s1, s22, $0xb8;
	[tilespmem:$0x1E800] =	vst v63  }
0x26: {  	_ =	swait.ge [sflag:s25], $0x4000  }
0x27: {  	[sflag:s25] =	ssyncset.done $0x0  }
0x28: {  	s5 =	simm.s32 $0x1400;
	[sflag:s25] =	ssyncadd.s32 $0xFFFFC000  }
0x29: {  	[spmem:s2] =	stream.indirect.scatter.add.f32 [tilespmem:s23], [sflag:$0x3], $0x80, s5, s22, $0xb8;
	[tilespmem:$0x1E800] =	vst v63  }
0x2a: {  	_ =	swait.ge [sflag:s18], $0x4000  }
0x2b: {  	[sflag:s18] =	ssyncset.done $0x0  }
0x2c: {  	s6 =	simm.s32 $0x100;
	[sflag:s18] =	ssyncadd.s32 $0xFFFFC000  }
0x2d: {  	[tilespmem:s23], [sflag:$0x1] =	stream.indirect.gather [hbm4b:s4+s22], $0x80, s6, s22, $0xb8;
	[tilespmem:$0x1E800] =	vst v63  }
0x2e: {  	_ =	swait.ge [sflag:s26], $0x4000  }
0x2f: {  	[sflag:s26] =	ssyncset.done $0x0  }
0x30: {  	s19 =	simm.s32 $0x1480;
	[sflag:s26] =	ssyncadd.s32 $0xFFFFC000  }
0x31: {  	[spmem:s2] =	stream.indirect.scatter.add.f32 [tilespmem:s24], [sflag:$0x3], $0x80, s19, s22, $0xb8;
	[tilespmem:$0x1E800] =	vst v63  }
0x32: {  	_ =	swait.ge [sflag:s18], $0x4000  }
0x33: {  	s0 =	simm.s32 $0x100;
	s1 =	simm.s32 $0x800;
	[sflag:s18] =	ssyncset.done $0x0  }
.LBB2_2:
0x34: {  	s19 =	sadd.s32 $0x80, s0  }
0x35: {  	[sflag:s18] =	ssyncadd.s32 $0xFFFFC000;
	s5 =	smov.u32 s1;
	s6 =	sadd.s32 $0x400, s1  }
0x36: {  	[tilespmem:s24], [sflag:$0x2] =	stream.indirect.gather [hbm4b:s4+s22], $0x80, s19, s22, $0xb8;
	[tilespmem:$0x1E800] =	vst v63  }
0x37: {  	p1 =	sne.s32 s1, $0x4800;
	_ =	swait.ge [sflag:s25], $0x4000  }
0x38: {  	[sflag:s25] =	ssyncset.done $0x0  }
0x39: {  	s1 =	sadd.s32 $0x1400, s0;
	[sflag:s25] =	ssyncadd.s32 $0xFFFFC000  }
0x3a: {  	[spmem:s2] =	stream.indirect.scatter.add.f32 [tilespmem:s23], [sflag:$0x3], $0x80, s1, s22, $0xb8;
	[tilespmem:$0x1E800] =	vst v63  }
0x3b: {  	_ =	swait.ge [sflag:s18], $0x4000  }
0x3c: {  	[sflag:s18] =	ssyncset.done $0x0  }
0x3d: {  	s1 =	sadd.s32 $0x100, s0;
	[sflag:s18] =	ssyncadd.s32 $0xFFFFC000  }
0x3e: {  	[tilespmem:s23], [sflag:$0x1] =	stream.indirect.gather [hbm4b:s4+s22], $0x80, s1, s22, $0xb8;
	[tilespmem:$0x1E800] =	vst v63  }
0x3f: {  	_ =	swait.ge [sflag:s26], $0x4000  }
.Ltmp0:
0x40: {  	[sflag:s26] =	ssyncset.done $0x0;
	(pc) =	sbr.rel @p1 .LBB2_2-.Ltmp0, $4  }
0x41: {  	s0 =	sadd.s32 $0x1480, s0;
	[sflag:s26] =	ssyncadd.s32 $0xFFFFC000  }
0x42: {  	[spmem:s2] =	stream.indirect.scatter.add.f32 [tilespmem:s24], [sflag:$0x3], $0x80, s0, s22, $0xb8;
	[tilespmem:$0x1E800] =	vst v63  }
0x43: {  	_ =	swait.ge [sflag:s18], $0x4000  }
0x44: {  	s1 =	smov.u32 s6;
	s0 =	sshra.s32 s5, $0x2;
	[sflag:s18] =	ssyncset.done $0x0  }
0x45: {  	s1 =	sadd.s32 $0x80, s0;
	[sflag:s18] =	ssyncadd.s32 $0xFFFFC000  }
0x46: {  	[tilespmem:s24], [sflag:$0x2] =	stream.indirect.gather [hbm4b:s4+s22], $0x80, s1, s22, $0xb8;
	[tilespmem:$0x1E800] =	vst v63  }
0x47: {  	_ =	swait.ge [sflag:s25], $0x4000  }
0x48: {  	[sflag:s25] =	ssyncset.done $0x0  }
0x49: {  	s19 =	sadd.s32 $0x1400, s0;
	[sflag:s25] =	ssyncadd.s32 $0xFFFFC000  }
0x4a: {  	[spmem:s2] =	stream.indirect.scatter.add.f32 [tilespmem:s23], [sflag:$0x3], $0x80, s19, s22, $0xb8;
	[tilespmem:$0x1E800] =	vst v63  }
0x4b: {  	_ =	swait.ge [sflag:s18], $0x4000  }
0x4c: {  	[sflag:s18] =	ssyncset.done $0x0  }
0x4d: {  	s5 =	sadd.s32 $0x100, s0;
	[sflag:s18] =	ssyncadd.s32 $0xFFFFC000  }
0x4e: {  	[tilespmem:s23], [sflag:$0x1] =	stream.indirect.gather [hbm4b:s4+s22], $0x80, s5, s22, $0xb8;
	[tilespmem:$0x1E800] =	vst v63  }
0x4f: {  	_ =	swait.ge [sflag:s26], $0x4000  }
0x50: {  	[sflag:s26] =	ssyncset.done $0x0  }
0x51: {  	s6 =	sadd.s32 $0x1480, s0;
	[sflag:s26] =	ssyncadd.s32 $0xFFFFC000  }
0x52: {  	[spmem:s2] =	stream.indirect.scatter.add.f32 [tilespmem:s24], [sflag:$0x3], $0x80, s6, s22, $0xb8;
	[tilespmem:$0x1E800] =	vst v63  }
0x53: {  	_ =	swait.ge [sflag:s18], $0x4000  }
0x54: {  	[sflag:s18] =	ssyncset.done $0x0  }
0x55: {  	[sflag:s18] =	ssyncadd.s32 $0xFFFFC000  }
0x56: {  	[tilespmem:s24], [sflag:$0x2] =	stream.indirect.gather [hbm4b:s4+s22], $0x80, s28, s22, $0xb8;
	[tilespmem:$0x1E800] =	vst v63  }
0x57: {  	_ =	swait.ge [sflag:s25], $0x4000  }
0x58: {  	[sflag:s25] =	ssyncset.done $0x0  }
0x59: {  	[sflag:s25] =	ssyncadd.s32 $0xFFFFC000  }
0x5a: {  	[spmem:s2] =	stream.indirect.scatter.add.f32 [tilespmem:s23], [sflag:$0x3], $0x80, s29, s22, $0xb8;
	[tilespmem:$0x1E800] =	vst v63  }
0x5b: {  	_ =	swait.ge [sflag:s18], $0x4000  }
0x5c: {  	[sflag:s18] =	ssyncset.done $0x0  }
0x5d: {  	[sflag:s18] =	ssyncadd.s32 $0xFFFFC000  }
0x5e: {  	_ =	swait.ge [sflag:s26], $0x4000  }
0x5f: {  	[sflag:s26] =	ssyncset.done $0x0  }
0x60: {  	[sflag:s26] =	ssyncadd.s32 $0xFFFFC000  }
0x61: {  	[spmem:s2] =	stream.indirect.scatter.add.f32 [tilespmem:s24], [sflag:$0x3], $0x80, s30, s22, $0xb8;
	[tilespmem:$0x1E800] =	vst v63  }
0x62: {  	_ =	swait.ge [sflag:s18], $0x4000  }
0x63: {  	[sflag:s18] =	ssyncset.done $0x0  }
0x64: {  	[sflag:s18] =	ssyncadd.s32 $0xFFFFC000  }
0x65: {  	[bflag:$0x0] =	sbarrier.arrive $0xFFFF  }
0x66: {  	[hbm:s8], [sflag:s20] =	dma.local [spmem:s21], $0x2800  }
0x67: {  	_ =	swait.ge [sflag:s18], $0x2800  }
0x68: {  	s0 =	sadd.s32 @!p0 s7, s10;
	[sflag:s18] =	ssyncset.done $0x0  }
0x69: {  	s0 =	smov.u32 @p0 s9;
	[sflag:s18] =	ssyncadd.s32 $0xFFFFD800  }
0x6a: {  	[spmem:s21], [sflag:s20] =	dma.local [hbm:s0], $0x2800  }
0x6b: {  	_ =	swait.ge [sflag:s18], $0x2800  }
0x6c: {  	[sflag:s18] =	ssyncset.done $0x0  }
0x6d: {  	[sflag:s18] =	ssyncadd.s32 $0xFFFFD800  }
0x6e: {  	s19 =	simm.s32 $0x0;
	[bflag:$0x0] =	sbarrier.arrive $0xFFFF  }
0x6f: {  	[tilespmem:s23], [sflag:$0x1] =	stream.indirect.gather [hbm4b:s10+s22], $0x80, s19, s22, $0xb8;
	[tilespmem:$0x1E800] =	vst v63  }
0x70: {  	s1 =	simm.s32 $0x80  }
0x71: {  	[tilespmem:s24], [sflag:$0x2] =	stream.indirect.gather [hbm4b:s10+s22], $0x80, s1, s22, $0xb8;
	[tilespmem:$0x1E800] =	vst v63  }
0x72: {  	_ =	swait.ge [sflag:s25], $0x4000  }
0x73: {  	[sflag:s25] =	ssyncset.done $0x0  }
0x74: {  	s5 =	simm.s32 $0x1400;
	[sflag:s25] =	ssyncadd.s32 $0xFFFFC000  }
0x75: {  	[spmem:s2] =	stream.indirect.scatter.add.f32 [tilespmem:s23], [sflag:$0x3], $0x80, s5, s22, $0xb8;
	[tilespmem:$0x1E800] =	vst v63  }
0x76: {  	_ =	swait.ge [sflag:s18], $0x4000  }
0x77: {  	[sflag:s18] =	ssyncset.done $0x0  }
0x78: {  	s6 =	simm.s32 $0x100;
	[sflag:s18] =	ssyncadd.s32 $0xFFFFC000  }
0x79: {  	[tilespmem:s23], [sflag:$0x1] =	stream.indirect.gather [hbm4b:s10+s22], $0x80, s6, s22, $0xb8;
	[tilespmem:$0x1E800] =	vst v63  }
0x7a: {  	_ =	swait.ge [sflag:s26], $0x4000  }
0x7b: {  	[sflag:s26] =	ssyncset.done $0x0  }
0x7c: {  	s19 =	simm.s32 $0x1480;
	[sflag:s26] =	ssyncadd.s32 $0xFFFFC000  }
0x7d: {  	[spmem:s2] =	stream.indirect.scatter.add.f32 [tilespmem:s24], [sflag:$0x3], $0x80, s19, s22, $0xb8;
	[tilespmem:$0x1E800] =	vst v63  }
0x7e: {  	_ =	swait.ge [sflag:s18], $0x4000  }
0x7f: {  	s0 =	simm.s32 $0x100;
	s1 =	simm.s32 $0x800;
	[sflag:s18] =	ssyncset.done $0x0  }
.LBB2_4:
0x80: {  	s5 =	sadd.s32 $0x80, s0  }
0x81: {  	[sflag:s18] =	ssyncadd.s32 $0xFFFFC000;
	s6 =	smov.u32 s1;
	s19 =	sadd.s32 $0x400, s1  }
0x82: {  	[tilespmem:s24], [sflag:$0x2] =	stream.indirect.gather [hbm4b:s10+s22], $0x80, s5, s22, $0xb8;
	[tilespmem:$0x1E800] =	vst v63  }
0x83: {  	p1 =	sne.s32 s1, $0x4800;
	_ =	swait.ge [sflag:s25], $0x4000  }
0x84: {  	[sflag:s25] =	ssyncset.done $0x0  }
0x85: {  	s1 =	sadd.s32 $0x1400, s0;
	[sflag:s25] =	ssyncadd.s32 $0xFFFFC000  }
0x86: {  	[spmem:s2] =	stream.indirect.scatter.add.f32 [tilespmem:s23], [sflag:$0x3], $0x80, s1, s22, $0xb8;
	[tilespmem:$0x1E800] =	vst v63  }
0x87: {  	_ =	swait.ge [sflag:s18], $0x4000  }
0x88: {  	[sflag:s18] =	ssyncset.done $0x0  }
0x89: {  	s1 =	sadd.s32 $0x100, s0;
	[sflag:s18] =	ssyncadd.s32 $0xFFFFC000  }
0x8a: {  	[tilespmem:s23], [sflag:$0x1] =	stream.indirect.gather [hbm4b:s10+s22], $0x80, s1, s22, $0xb8;
	[tilespmem:$0x1E800] =	vst v63  }
0x8b: {  	_ =	swait.ge [sflag:s26], $0x4000  }
.Ltmp1:
0x8c: {  	[sflag:s26] =	ssyncset.done $0x0;
	(pc) =	sbr.rel @p1 .LBB2_4-.Ltmp1, $4  }
0x8d: {  	s0 =	sadd.s32 $0x1480, s0;
	[sflag:s26] =	ssyncadd.s32 $0xFFFFC000  }
0x8e: {  	[spmem:s2] =	stream.indirect.scatter.add.f32 [tilespmem:s24], [sflag:$0x3], $0x80, s0, s22, $0xb8;
	[tilespmem:$0x1E800] =	vst v63  }
0x8f: {  	_ =	swait.ge [sflag:s18], $0x4000  }
0x90: {  	s1 =	smov.u32 s19;
	s0 =	sshra.s32 s6, $0x2;
	[sflag:s18] =	ssyncset.done $0x0  }
0x91: {  	s1 =	sadd.s32 $0x80, s0;
	[sflag:s18] =	ssyncadd.s32 $0xFFFFC000  }
0x92: {  	[tilespmem:s24], [sflag:$0x2] =	stream.indirect.gather [hbm4b:s10+s22], $0x80, s1, s22, $0xb8;
	[tilespmem:$0x1E800] =	vst v63  }
0x93: {  	_ =	swait.ge [sflag:s25], $0x4000  }
0x94: {  	[sflag:s25] =	ssyncset.done $0x0  }
0x95: {  	s19 =	sadd.s32 $0x1400, s0;
	[sflag:s25] =	ssyncadd.s32 $0xFFFFC000  }
0x96: {  	[spmem:s2] =	stream.indirect.scatter.add.f32 [tilespmem:s23], [sflag:$0x3], $0x80, s19, s22, $0xb8;
	[tilespmem:$0x1E800] =	vst v63  }
0x97: {  	_ =	swait.ge [sflag:s18], $0x4000  }
0x98: {  	[sflag:s18] =	ssyncset.done $0x0  }
0x99: {  	s5 =	sadd.s32 $0x100, s0;
	[sflag:s18] =	ssyncadd.s32 $0xFFFFC000  }
0x9a: {  	[tilespmem:s23], [sflag:$0x1] =	stream.indirect.gather [hbm4b:s10+s22], $0x80, s5, s22, $0xb8;
	[tilespmem:$0x1E800] =	vst v63  }
0x9b: {  	_ =	swait.ge [sflag:s26], $0x4000  }
0x9c: {  	[sflag:s26] =	ssyncset.done $0x0  }
0x9d: {  	s6 =	sadd.s32 $0x1480, s0;
	[sflag:s26] =	ssyncadd.s32 $0xFFFFC000  }
0x9e: {  	[spmem:s2] =	stream.indirect.scatter.add.f32 [tilespmem:s24], [sflag:$0x3], $0x80, s6, s22, $0xb8;
	[tilespmem:$0x1E800] =	vst v63  }
0x9f: {  	_ =	swait.ge [sflag:s18], $0x4000  }
0xa0: {  	[sflag:s18] =	ssyncset.done $0x0  }
0xa1: {  	[sflag:s18] =	ssyncadd.s32 $0xFFFFC000  }
0xa2: {  	[tilespmem:s24], [sflag:$0x2] =	stream.indirect.gather [hbm4b:s10+s22], $0x80, s28, s22, $0xb8;
	[tilespmem:$0x1E800] =	vst v63  }
0xa3: {  	_ =	swait.ge [sflag:s25], $0x4000  }
0xa4: {  	[sflag:s25] =	ssyncset.done $0x0  }
0xa5: {  	[sflag:s25] =	ssyncadd.s32 $0xFFFFC000  }
0xa6: {  	[spmem:s2] =	stream.indirect.scatter.add.f32 [tilespmem:s23], [sflag:$0x3], $0x80, s29, s22, $0xb8;
	[tilespmem:$0x1E800] =	vst v63  }
0xa7: {  	_ =	swait.ge [sflag:s18], $0x4000  }
0xa8: {  	[sflag:s18] =	ssyncset.done $0x0  }
0xa9: {  	[sflag:s18] =	ssyncadd.s32 $0xFFFFC000  }
0xaa: {  	_ =	swait.ge [sflag:s26], $0x4000  }
0xab: {  	[sflag:s26] =	ssyncset.done $0x0  }
0xac: {  	[sflag:s26] =	ssyncadd.s32 $0xFFFFC000  }
0xad: {  	[spmem:s2] =	stream.indirect.scatter.add.f32 [tilespmem:s24], [sflag:$0x3], $0x80, s30, s22, $0xb8;
	[tilespmem:$0x1E800] =	vst v63  }
0xae: {  	_ =	swait.ge [sflag:s18], $0x4000  }
0xaf: {  	[sflag:s18] =	ssyncset.done $0x0  }
0xb0: {  	[sflag:s18] =	ssyncadd.s32 $0xFFFFC000  }
0xb1: {  	[bflag:$0x0] =	sbarrier.arrive $0xFFFF  }
0xb2: {  	[hbm:s11], [sflag:s20] =	dma.local [spmem:s21], $0x2800  }
0xb3: {  	_ =	swait.ge [sflag:s18], $0x2800  }
0xb4: {  	s0 =	sadd.s32 @!p0 s7, s12;
	[sflag:s18] =	ssyncset.done $0x0  }
0xb5: {  	s0 =	smov.u32 @p0 s9;
	[sflag:s18] =	ssyncadd.s32 $0xFFFFD800  }
0xb6: {  	[spmem:s21], [sflag:s20] =	dma.local [hbm:s0], $0x2800  }
0xb7: {  	_ =	swait.ge [sflag:s18], $0x2800  }
0xb8: {  	[sflag:s18] =	ssyncset.done $0x0  }
0xb9: {  	[sflag:s18] =	ssyncadd.s32 $0xFFFFD800  }
0xba: {  	s19 =	simm.s32 $0x0;
	[bflag:$0x0] =	sbarrier.arrive $0xFFFF  }
0xbb: {  	[tilespmem:s23], [sflag:$0x1] =	stream.indirect.gather [hbm4b:s12+s22], $0x80, s19, s22, $0xb8;
	[tilespmem:$0x1E800] =	vst v63  }
0xbc: {  	s1 =	simm.s32 $0x80  }
0xbd: {  	[tilespmem:s24], [sflag:$0x2] =	stream.indirect.gather [hbm4b:s12+s22], $0x80, s1, s22, $0xb8;
	[tilespmem:$0x1E800] =	vst v63  }
0xbe: {  	_ =	swait.ge [sflag:s25], $0x4000  }
0xbf: {  	[sflag:s25] =	ssyncset.done $0x0  }
0xc0: {  	s5 =	simm.s32 $0x1400;
	[sflag:s25] =	ssyncadd.s32 $0xFFFFC000  }
0xc1: {  	[spmem:s2] =	stream.indirect.scatter.add.f32 [tilespmem:s23], [sflag:$0x3], $0x80, s5, s22, $0xb8;
	[tilespmem:$0x1E800] =	vst v63  }
0xc2: {  	_ =	swait.ge [sflag:s18], $0x4000  }
0xc3: {  	[sflag:s18] =	ssyncset.done $0x0  }
0xc4: {  	s6 =	simm.s32 $0x100;
	[sflag:s18] =	ssyncadd.s32 $0xFFFFC000  }
0xc5: {  	[tilespmem:s23], [sflag:$0x1] =	stream.indirect.gather [hbm4b:s12+s22], $0x80, s6, s22, $0xb8;
	[tilespmem:$0x1E800] =	vst v63  }
0xc6: {  	_ =	swait.ge [sflag:s26], $0x4000  }
0xc7: {  	[sflag:s26] =	ssyncset.done $0x0  }
0xc8: {  	s19 =	simm.s32 $0x1480;
	[sflag:s26] =	ssyncadd.s32 $0xFFFFC000  }
0xc9: {  	[spmem:s2] =	stream.indirect.scatter.add.f32 [tilespmem:s24], [sflag:$0x3], $0x80, s19, s22, $0xb8;
	[tilespmem:$0x1E800] =	vst v63  }
0xca: {  	_ =	swait.ge [sflag:s18], $0x4000  }
0xcb: {  	s0 =	simm.s32 $0x100;
	s1 =	simm.s32 $0x800;
	[sflag:s18] =	ssyncset.done $0x0  }
.LBB2_6:
0xcc: {  	s5 =	sadd.s32 $0x80, s0  }
0xcd: {  	[sflag:s18] =	ssyncadd.s32 $0xFFFFC000;
	s6 =	smov.u32 s1;
	s19 =	sadd.s32 $0x400, s1  }
0xce: {  	[tilespmem:s24], [sflag:$0x2] =	stream.indirect.gather [hbm4b:s12+s22], $0x80, s5, s22, $0xb8;
	[tilespmem:$0x1E800] =	vst v63  }
0xcf: {  	p1 =	sne.s32 s1, $0x4800;
	_ =	swait.ge [sflag:s25], $0x4000  }
0xd0: {  	[sflag:s25] =	ssyncset.done $0x0  }
0xd1: {  	s1 =	sadd.s32 $0x1400, s0;
	[sflag:s25] =	ssyncadd.s32 $0xFFFFC000  }
0xd2: {  	[spmem:s2] =	stream.indirect.scatter.add.f32 [tilespmem:s23], [sflag:$0x3], $0x80, s1, s22, $0xb8;
	[tilespmem:$0x1E800] =	vst v63  }
0xd3: {  	_ =	swait.ge [sflag:s18], $0x4000  }
0xd4: {  	[sflag:s18] =	ssyncset.done $0x0  }
0xd5: {  	s1 =	sadd.s32 $0x100, s0;
	[sflag:s18] =	ssyncadd.s32 $0xFFFFC000  }
0xd6: {  	[tilespmem:s23], [sflag:$0x1] =	stream.indirect.gather [hbm4b:s12+s22], $0x80, s1, s22, $0xb8;
	[tilespmem:$0x1E800] =	vst v63  }
0xd7: {  	_ =	swait.ge [sflag:s26], $0x4000  }
.Ltmp2:
0xd8: {  	[sflag:s26] =	ssyncset.done $0x0;
	(pc) =	sbr.rel @p1 .LBB2_6-.Ltmp2, $4  }
0xd9: {  	s0 =	sadd.s32 $0x1480, s0;
	[sflag:s26] =	ssyncadd.s32 $0xFFFFC000  }
0xda: {  	[spmem:s2] =	stream.indirect.scatter.add.f32 [tilespmem:s24], [sflag:$0x3], $0x80, s0, s22, $0xb8;
	[tilespmem:$0x1E800] =	vst v63  }
0xdb: {  	_ =	swait.ge [sflag:s18], $0x4000  }
0xdc: {  	s1 =	smov.u32 s19;
	s0 =	sshra.s32 s6, $0x2;
	[sflag:s18] =	ssyncset.done $0x0  }
0xdd: {  	s1 =	sadd.s32 $0x80, s0;
	[sflag:s18] =	ssyncadd.s32 $0xFFFFC000  }
0xde: {  	[tilespmem:s24], [sflag:$0x2] =	stream.indirect.gather [hbm4b:s12+s22], $0x80, s1, s22, $0xb8;
	[tilespmem:$0x1E800] =	vst v63  }
0xdf: {  	_ =	swait.ge [sflag:s25], $0x4000  }
0xe0: {  	[sflag:s25] =	ssyncset.done $0x0  }
0xe1: {  	s19 =	sadd.s32 $0x1400, s0;
	[sflag:s25] =	ssyncadd.s32 $0xFFFFC000  }
0xe2: {  	[spmem:s2] =	stream.indirect.scatter.add.f32 [tilespmem:s23], [sflag:$0x3], $0x80, s19, s22, $0xb8;
	[tilespmem:$0x1E800] =	vst v63  }
0xe3: {  	_ =	swait.ge [sflag:s18], $0x4000  }
0xe4: {  	[sflag:s18] =	ssyncset.done $0x0  }
0xe5: {  	s5 =	sadd.s32 $0x100, s0;
	[sflag:s18] =	ssyncadd.s32 $0xFFFFC000  }
0xe6: {  	[tilespmem:s23], [sflag:$0x1] =	stream.indirect.gather [hbm4b:s12+s22], $0x80, s5, s22, $0xb8;
	[tilespmem:$0x1E800] =	vst v63  }
0xe7: {  	_ =	swait.ge [sflag:s26], $0x4000  }
0xe8: {  	[sflag:s26] =	ssyncset.done $0x0  }
0xe9: {  	s6 =	sadd.s32 $0x1480, s0;
	[sflag:s26] =	ssyncadd.s32 $0xFFFFC000  }
0xea: {  	[spmem:s2] =	stream.indirect.scatter.add.f32 [tilespmem:s24], [sflag:$0x3], $0x80, s6, s22, $0xb8;
	[tilespmem:$0x1E800] =	vst v63  }
0xeb: {  	_ =	swait.ge [sflag:s18], $0x4000  }
0xec: {  	[sflag:s18] =	ssyncset.done $0x0  }
0xed: {  	[sflag:s18] =	ssyncadd.s32 $0xFFFFC000  }
0xee: {  	[tilespmem:s24], [sflag:$0x2] =	stream.indirect.gather [hbm4b:s12+s22], $0x80, s28, s22, $0xb8;
	[tilespmem:$0x1E800] =	vst v63  }
0xef: {  	_ =	swait.ge [sflag:s25], $0x4000  }
0xf0: {  	[sflag:s25] =	ssyncset.done $0x0  }
0xf1: {  	[sflag:s25] =	ssyncadd.s32 $0xFFFFC000  }
0xf2: {  	[spmem:s2] =	stream.indirect.scatter.add.f32 [tilespmem:s23], [sflag:$0x3], $0x80, s29, s22, $0xb8;
	[tilespmem:$0x1E800] =	vst v63  }
0xf3: {  	_ =	swait.ge [sflag:s18], $0x4000  }
0xf4: {  	[sflag:s18] =	ssyncset.done $0x0  }
0xf5: {  	[sflag:s18] =	ssyncadd.s32 $0xFFFFC000  }
0xf6: {  	_ =	swait.ge [sflag:s26], $0x4000  }
0xf7: {  	[sflag:s26] =	ssyncset.done $0x0  }
0xf8: {  	[sflag:s26] =	ssyncadd.s32 $0xFFFFC000  }
0xf9: {  	[spmem:s2] =	stream.indirect.scatter.add.f32 [tilespmem:s24], [sflag:$0x3], $0x80, s30, s22, $0xb8;
	[tilespmem:$0x1E800] =	vst v63  }
0xfa: {  	_ =	swait.ge [sflag:s18], $0x4000  }
0xfb: {  	[sflag:s18] =	ssyncset.done $0x0  }
0xfc: {  	[sflag:s18] =	ssyncadd.s32 $0xFFFFC000  }
0xfd: {  	[bflag:$0x0] =	sbarrier.arrive $0xFFFF  }
0xfe: {  	[hbm:s13], [sflag:s20] =	dma.local [spmem:s21], $0x2800  }
0xff: {  	_ =	swait.ge [sflag:s18], $0x2800  }
0x100: {  	s0 =	sadd.s32 @!p0 s7, s14;
	[sflag:s18] =	ssyncset.done $0x0  }
0x101: {  	s0 =	smov.u32 @p0 s9;
	[sflag:s18] =	ssyncadd.s32 $0xFFFFD800  }
0x102: {  	[spmem:s21], [sflag:s20] =	dma.local [hbm:s0], $0x2800  }
0x103: {  	_ =	swait.ge [sflag:s18], $0x2800  }
0x104: {  	[sflag:s18] =	ssyncset.done $0x0  }
0x105: {  	[sflag:s18] =	ssyncadd.s32 $0xFFFFD800  }
0x106: {  	s19 =	simm.s32 $0x0;
	[bflag:$0x0] =	sbarrier.arrive $0xFFFF  }
0x107: {  	[tilespmem:s23], [sflag:$0x1] =	stream.indirect.gather [hbm4b:s14+s22], $0x80, s19, s22, $0xb8;
	[tilespmem:$0x1E800] =	vst v63  }
0x108: {  	s1 =	simm.s32 $0x80  }
0x109: {  	[tilespmem:s24], [sflag:$0x2] =	stream.indirect.gather [hbm4b:s14+s22], $0x80, s1, s22, $0xb8;
	[tilespmem:$0x1E800] =	vst v63  }
0x10a: {  	_ =	swait.ge [sflag:s25], $0x4000  }
0x10b: {  	[sflag:s25] =	ssyncset.done $0x0  }
0x10c: {  	s5 =	simm.s32 $0x1400;
	[sflag:s25] =	ssyncadd.s32 $0xFFFFC000  }
0x10d: {  	[spmem:s2] =	stream.indirect.scatter.add.f32 [tilespmem:s23], [sflag:$0x3], $0x80, s5, s22, $0xb8;
	[tilespmem:$0x1E800] =	vst v63  }
0x10e: {  	_ =	swait.ge [sflag:s18], $0x4000  }
0x10f: {  	[sflag:s18] =	ssyncset.done $0x0  }
0x110: {  	s6 =	simm.s32 $0x100;
	[sflag:s18] =	ssyncadd.s32 $0xFFFFC000  }
0x111: {  	[tilespmem:s23], [sflag:$0x1] =	stream.indirect.gather [hbm4b:s14+s22], $0x80, s6, s22, $0xb8;
	[tilespmem:$0x1E800] =	vst v63  }
0x112: {  	_ =	swait.ge [sflag:s26], $0x4000  }
0x113: {  	[sflag:s26] =	ssyncset.done $0x0  }
0x114: {  	s19 =	simm.s32 $0x1480;
	[sflag:s26] =	ssyncadd.s32 $0xFFFFC000  }
0x115: {  	[spmem:s2] =	stream.indirect.scatter.add.f32 [tilespmem:s24], [sflag:$0x3], $0x80, s19, s22, $0xb8;
	[tilespmem:$0x1E800] =	vst v63  }
0x116: {  	_ =	swait.ge [sflag:s18], $0x4000  }
0x117: {  	s0 =	simm.s32 $0x100;
	s1 =	simm.s32 $0x800;
	[sflag:s18] =	ssyncset.done $0x0  }
.LBB2_8:
0x118: {  	s5 =	sadd.s32 $0x80, s0  }
0x119: {  	[sflag:s18] =	ssyncadd.s32 $0xFFFFC000;
	s6 =	smov.u32 s1;
	s19 =	sadd.s32 $0x400, s1  }
0x11a: {  	[tilespmem:s24], [sflag:$0x2] =	stream.indirect.gather [hbm4b:s14+s22], $0x80, s5, s22, $0xb8;
	[tilespmem:$0x1E800] =	vst v63  }
0x11b: {  	p1 =	sne.s32 s1, $0x4800;
	_ =	swait.ge [sflag:s25], $0x4000  }
0x11c: {  	[sflag:s25] =	ssyncset.done $0x0  }
0x11d: {  	s1 =	sadd.s32 $0x1400, s0;
	[sflag:s25] =	ssyncadd.s32 $0xFFFFC000  }
0x11e: {  	[spmem:s2] =	stream.indirect.scatter.add.f32 [tilespmem:s23], [sflag:$0x3], $0x80, s1, s22, $0xb8;
	[tilespmem:$0x1E800] =	vst v63  }
0x11f: {  	_ =	swait.ge [sflag:s18], $0x4000  }
0x120: {  	[sflag:s18] =	ssyncset.done $0x0  }
0x121: {  	s1 =	sadd.s32 $0x100, s0;
	[sflag:s18] =	ssyncadd.s32 $0xFFFFC000  }
0x122: {  	[tilespmem:s23], [sflag:$0x1] =	stream.indirect.gather [hbm4b:s14+s22], $0x80, s1, s22, $0xb8;
	[tilespmem:$0x1E800] =	vst v63  }
0x123: {  	_ =	swait.ge [sflag:s26], $0x4000  }
.Ltmp3:
0x124: {  	[sflag:s26] =	ssyncset.done $0x0;
	(pc) =	sbr.rel @p1 .LBB2_8-.Ltmp3, $4  }
0x125: {  	s0 =	sadd.s32 $0x1480, s0;
	[sflag:s26] =	ssyncadd.s32 $0xFFFFC000  }
0x126: {  	[spmem:s2] =	stream.indirect.scatter.add.f32 [tilespmem:s24], [sflag:$0x3], $0x80, s0, s22, $0xb8;
	[tilespmem:$0x1E800] =	vst v63  }
0x127: {  	_ =	swait.ge [sflag:s18], $0x4000  }
0x128: {  	s1 =	smov.u32 s19;
	s0 =	sshra.s32 s6, $0x2;
	[sflag:s18] =	ssyncset.done $0x0  }
0x129: {  	s1 =	sadd.s32 $0x80, s0;
	[sflag:s18] =	ssyncadd.s32 $0xFFFFC000  }
0x12a: {  	[tilespmem:s24], [sflag:$0x2] =	stream.indirect.gather [hbm4b:s14+s22], $0x80, s1, s22, $0xb8;
	[tilespmem:$0x1E800] =	vst v63  }
0x12b: {  	_ =	swait.ge [sflag:s25], $0x4000  }
0x12c: {  	[sflag:s25] =	ssyncset.done $0x0  }
0x12d: {  	s5 =	sadd.s32 $0x1400, s0;
	[sflag:s25] =	ssyncadd.s32 $0xFFFFC000  }
0x12e: {  	[spmem:s2] =	stream.indirect.scatter.add.f32 [tilespmem:s23], [sflag:$0x3], $0x80, s5, s22, $0xb8;
	[tilespmem:$0x1E800] =	vst v63  }
0x12f: {  	_ =	swait.ge [sflag:s18], $0x4000  }
0x130: {  	[sflag:s18] =	ssyncset.done $0x0  }
0x131: {  	s6 =	sadd.s32 $0x100, s0;
	[sflag:s18] =	ssyncadd.s32 $0xFFFFC000  }
0x132: {  	[tilespmem:s23], [sflag:$0x1] =	stream.indirect.gather [hbm4b:s14+s22], $0x80, s6, s22, $0xb8;
	[tilespmem:$0x1E800] =	vst v63  }
0x133: {  	_ =	swait.ge [sflag:s26], $0x4000  }
0x134: {  	[sflag:s26] =	ssyncset.done $0x0  }
0x135: {  	s19 =	sadd.s32 $0x1480, s0;
	[sflag:s26] =	ssyncadd.s32 $0xFFFFC000  }
0x136: {  	[spmem:s2] =	stream.indirect.scatter.add.f32 [tilespmem:s24], [sflag:$0x3], $0x80, s19, s22, $0xb8;
	[tilespmem:$0x1E800] =	vst v63  }
0x137: {  	_ =	swait.ge [sflag:s18], $0x4000  }
0x138: {  	[sflag:s18] =	ssyncset.done $0x0  }
0x139: {  	[sflag:s18] =	ssyncadd.s32 $0xFFFFC000  }
0x13a: {  	[tilespmem:s24], [sflag:$0x2] =	stream.indirect.gather [hbm4b:s14+s22], $0x80, s28, s22, $0xb8;
	[tilespmem:$0x1E800] =	vst v63  }
0x13b: {  	_ =	swait.ge [sflag:s25], $0x4000  }
0x13c: {  	[sflag:s25] =	ssyncset.done $0x0  }
0x13d: {  	[sflag:s25] =	ssyncadd.s32 $0xFFFFC000  }
0x13e: {  	[spmem:s2] =	stream.indirect.scatter.add.f32 [tilespmem:s23], [sflag:$0x3], $0x80, s29, s22, $0xb8;
	[tilespmem:$0x1E800] =	vst v63  }
0x13f: {  	_ =	swait.ge [sflag:s18], $0x4000  }
0x140: {  	[sflag:s18] =	ssyncset.done $0x0  }
0x141: {  	[sflag:s18] =	ssyncadd.s32 $0xFFFFC000  }
0x142: {  	_ =	swait.ge [sflag:s26], $0x4000  }
0x143: {  	[sflag:s26] =	ssyncset.done $0x0  }
0x144: {  	[sflag:s26] =	ssyncadd.s32 $0xFFFFC000  }
0x145: {  	[spmem:s2] =	stream.indirect.scatter.add.f32 [tilespmem:s24], [sflag:$0x3], $0x80, s30, s22, $0xb8;
	[tilespmem:$0x1E800] =	vst v63  }
0x146: {  	_ =	swait.ge [sflag:s18], $0x4000  }
0x147: {  	s31 =	sadd.s32 $0x1, s31;
	[sflag:s18] =	ssyncset.done $0x0  }
0x148: {  	p1 =	sne.s32 s31, s16;
	[sflag:s18] =	ssyncadd.s32 $0xFFFFC000  }
.Ltmp4:
0x149: {  	[bflag:$0x0] =	sbarrier.arrive $0xFFFF;
	(pc) =	sbr.rel @p1 .LBB2_1-.Ltmp4, $4  }
0x14a: {  	[hbm:s15], [sflag:s20] =	dma.local [spmem:s21], $0x2800  }
0x14b: {  	_ =	swait.ge [sflag:s18], $0x2800  }
0x14c: {  	[sflag:s18] =	ssyncset.done $0x0  }
0x14d: {  	[sflag:s18] =	ssyncadd.s32 $0xFFFFD800  }
0x14e: {  	_ =	sfence.sel $0x180000  }
0x14f: {  	[bflag:$0x0] =	sbarrier.arrive $0xFFFF  }
0x150: {  	_ =	strace $0x90000050  }
0x151: {  	s0 =	stileid.u32;
	[bflag:$0x2] =	sbarrier.arrive $0xFFFF  }
0x152: {  	p0 =	sne.s32 s0, $0x0;
	s0 =	rddreg [dreg:$0x3]  }
0x153: {  	s0 =	sadd.s32 @!p0 $0x100000, s0  }
0x154: {  	[sflag:s0] =	ssyncadd.tile.s32 @!p0 $0x1;
	_ =	shalt  }
.Lfunc_end2:
_tile_overlayer_lowered:
.L_overlay_start_2:
0x155: {  	(tag) =	ssettag $0x2  }
0x156: {  	s0 =	rddreg [dreg:$0x0];
	s2 =	stileid.u32  }
0x157: {  	s1 =	rddreg [dreg:$0x1];
	p0 =	sne.s32 s2, $0x0  }
0x158: {  	s3 =	rddreg [dreg:$0x2];
	[bflag:$0x3] =	sbarrier.arrive $0xFFFF;
	s2 =	simm.s32 @!p0 $0x1C03  }
0x159: {  	[timem:s3], [sflag:s2] =	dma.local @!p0 [hbm:s0], s1  }
0x15a: {  	s0 =	simm.s32 @!p0 $0x3  }
0x15b: {  	_ =	swait.ge @!p0 [sflag:s0], s1  }
0x15c: {  	s1 =	ssub.s32 @!p0 $0x0, s1;
	[sflag:s0] =	ssyncset.done @!p0 $0x0  }
0x15d: {  	[sflag:s0] =	ssyncadd.s32 @!p0 s1  }
0x15e: {  	[bflag:$0x3] =	sbarrier.arrive $0xFFFF  }
0x15f: {  	_ =	shalt  }

// kernel: kernel.15.cloned.1.call-start
scs
__scs_entry_jumppad:
0x0: {  	(pc) =	sbr.rel $0x88, $3  }
0x1: {  	(tag) =	ssettag $0x0;
	lr =	simm.s32 $0x1  }
0x2: {  	[smem:$0x3F98] =	sst lr;
	_ =	strace $0xD0000000  }
0x3: {  	_ = 	snop  }
0x4: {  	_ = 	snop  }
0x5: {  	_ = 	snop  }
0x6: {  	_ = 	snop  }
0x7: {  	_ = 	snop  }
__scs_overlays_trampoline_lowered:
0x8: {  	[smem:$0x3FA7] =	sst s0  }
0x9: {  	[smem:$0x3FA8] =	sst s1  }
0xa: {  	[smem:$0x3FA9] =	sst s2  }
0xb: {  	[smem:$0x3FAA] =	sst s3  }
0xc: {  	[smem:$0x3FAB] =	sst s4  }
0xd: {  	[smem:$0x3FAC] =	sst s5  }
0xe: {  	[smem:$0x3FAD] =	sst s6  }
0xf: {  	[smem:$0x3FAE] =	sst s7  }
0x10: {  	[smem:$0x3FAF] =	sst s8  }
0x11: {  	[smem:$0x3FB0] =	sst s9;
	s0 =	simm.s32 @!p0 $0x0  }
0x12: {  	s1 =	sld [smem:$0x3F96];
	s0 =	simm.s32 @p0 $0x1  }
0x13: {  	[smem:$0x3FB1] =	sst s0;
	s0 =	simm.s32 @!p1 $0x0  }
0x14: {  	s2 =	sld [smem:$0x3F95];
	s0 =	simm.s32 @p1 $0x1  }
0x15: {  	[smem:$0x3FB2] =	sst s0;
	s0 =	simm.s32 @!p2 $0x0  }
0x16: {  	s3 =	sld [smem:$0x3FDB];
	s0 =	simm.s32 @p2 $0x1  }
0x17: {  	s4 =	simm.s32 $0x1BF5;
	[smem:$0x3FB4] =	sst s0  }
0x18: {  	s0 =	sld [smem:$0x3F97];
	_ =	swait.ge [sflag:s4], $0x0  }
0x19: {  	s7 =	sld [smem:$0x3F98]  }
0x1a: {  	s8 =	sadd.s32 $0xFFFFE003, lr  }
0x1b: {  	s9 =	sadd.s32 $0xFFFFFEF7, lr;
	s5 =	simm.s32 $0xFFFFFFFF;
	p2 =	slt.u32 s8, $0xFFFFF086  }
0x1c: {  	p1 =	slt.u32 s9, $0xF7A;
	s5 =	simm.s32 @!p2 $0x0  }
0x1d: {  	s5 =	simm.s32 @p1 $0x1;
	p0 =	seq.s32 s7, s2  }
0x1e: {  	s7 =	smul.u32 @!p0 $0xF7A, s2;
	p2 =	seq.s32 @!p0 s5, $0x0  }
0x1f: {  	s9 =	smul.u32 $0xF7A, s1;
	s8 =	simm.s32 @!p0 $0x1BF5;
	p2 =	por !p2, p0  }
0x20: {  	[sflag:s8] =	ssyncset.s32 @!p0 $0xFFFFF086;
	s6 =	sadd.s32 @!p0 s3, s7;
	s7 =	simm.s32 @!p0 $0x108  }
0x21: {  	s3 =	sadd.s32 s3, s9;
	s6 =	sadd.s32 @!p0 $0x88, s6;
	s7 =	simm.s32 @p2 $0x1082  }
0x22: {  	[simem:s7], [sflag:s8] =	dma.local @!p0 [hbm:s6], $0xF7A  }
0x23: {  	s9 =	sor.u32 $0xD0000000, s2;
	s6 =	simm.s32 $0x108;
	_ =	swait.ge @!p0 [sflag:s8], $0x0  }
0x24: {  	s3 =	sadd.s32 $0x88, s3;
	s6 =	simm.s32 @!p1 $0x1082;
	[sflag:s4] =	ssyncset.s32 $0xFFFFF086  }
0x25: {  	[simem:s6], [sflag:s4] =	dma.local [hbm:s3], $0xF7A  }
0x26: {  	[smem:$0x3F98] =	sst s1;
	(tag) =	ssettag s2;
	_ =	strace s9  }
0x27: {  	s1 =	sld [smem:$0x3FA8]  }
0x28: {  	s2 =	sld [smem:$0x3FA9]  }
0x29: {  	s4 =	sld [smem:$0x3FAB]  }
0x2a: {  	p0 =	seq.s32 s5, $0x0;
	s5 =	sld [smem:$0x3FAC]  }
0x2b: {  	s6 =	sld [smem:$0x3FAD]  }
0x2c: {  	s7 =	sld [smem:$0x3FAE]  }
0x2d: {  	s3 =	simm.s32 $0x108;
	s8 =	sld [smem:$0x3FAF]  }
0x2e: {  	s3 =	simm.s32 @!p0 $0x1082;
	s9 =	sld [smem:$0x3FB0]  }
0x2f: {  	lr =	sadd.s32 s0, s3;
	s0 =	sld [smem:$0x3FA7]  }
0x30: {  	s3 =	sld [smem:$0x3FAA]  }
0x31: {  	[smem:$0x3FB3] =	sst s10  }
0x32: {  	s10 =	sld [smem:$0x3FB1];
	_ =	sdelay $0x3  }
0x33: {  	p0 =	seq.s32 s10, $0x1;
	s10 =	sld [smem:$0x3FB3];
	_ =	sdelay $0x3  }
0x34: {  	[smem:$0x3FB3] =	sst s10  }
0x35: {  	s10 =	sld [smem:$0x3FB2];
	_ =	sdelay $0x3  }
0x36: {  	p1 =	seq.s32 s10, $0x1;
	s10 =	sld [smem:$0x3FB3];
	_ =	sdelay $0x3  }
0x37: {  	[smem:$0x3FB3] =	sst s10  }
0x38: {  	s10 =	sld [smem:$0x3FB4]  }
0x39: {  	_ = 	snop;
	(pc) =	sbr.ind lr, $3  }
0x3a: {  	_ = 	snop  }
0x3b: {  	_ = 	snop  }
0x3c: {  	p2 =	seq.s32 s10, $0x1;
	s10 =	sld [smem:$0x3FB3]  }
0x3d: {  	_ =	shalt  }
0x3e: {  	_ =	shalt  }
0x3f: {  	_ =	shalt  }
0x40: {  	_ =	shalt  }
0x41: {  	_ =	shalt  }
0x42: {  	_ =	shalt  }
0x43: {  	_ =	shalt  }
0x44: {  	_ =	shalt  }
0x45: {  	_ =	shalt  }
0x46: {  	_ =	shalt  }
0x47: {  	_ =	shalt  }
0x48: {  	_ =	shalt  }
0x49: {  	_ =	shalt  }
0x4a: {  	_ =	shalt  }
0x4b: {  	_ =	shalt  }
0x4c: {  	_ =	shalt  }
0x4d: {  	_ =	shalt  }
0x4e: {  	_ =	shalt  }
0x4f: {  	_ =	shalt  }
0x50: {  	_ =	shalt  }
0x51: {  	_ =	shalt  }
0x52: {  	_ =	shalt  }
0x53: {  	_ =	shalt  }
0x54: {  	_ =	shalt  }
0x55: {  	_ =	shalt  }
0x56: {  	_ =	shalt  }
0x57: {  	_ =	shalt  }
0x58: {  	_ =	shalt  }
0x59: {  	_ =	shalt  }
0x5a: {  	_ =	shalt  }
0x5b: {  	_ =	shalt  }
0x5c: {  	_ =	shalt  }
0x5d: {  	_ =	shalt  }
0x5e: {  	_ =	shalt  }
0x5f: {  	_ =	shalt  }
0x60: {  	_ =	shalt  }
0x61: {  	_ =	shalt  }
0x62: {  	_ =	shalt  }
0x63: {  	_ =	shalt  }
0x64: {  	_ =	shalt  }
0x65: {  	_ =	shalt  }
0x66: {  	_ =	shalt  }
0x67: {  	_ =	shalt  }
0x68: {  	_ =	shalt  }
0x69: {  	_ =	shalt  }
0x6a: {  	_ =	shalt  }
0x6b: {  	_ =	shalt  }
0x6c: {  	_ =	shalt  }
0x6d: {  	_ =	shalt  }
0x6e: {  	_ =	shalt  }
0x6f: {  	_ =	shalt  }
0x70: {  	_ =	shalt  }
0x71: {  	_ =	shalt  }
0x72: {  	_ =	shalt  }
0x73: {  	_ =	shalt  }
0x74: {  	_ =	shalt  }
0x75: {  	_ =	shalt  }
0x76: {  	_ =	shalt  }
0x77: {  	_ =	shalt  }
0x78: {  	_ =	shalt  }
0x79: {  	_ =	shalt  }
0x7a: {  	_ =	shalt  }
0x7b: {  	_ =	shalt  }
0x7c: {  	_ =	shalt  }
0x7d: {  	_ =	shalt  }
0x7e: {  	_ =	shalt  }
0x7f: {  	_ =	shalt  }
0x80: {  	_ =	shalt  }
0x81: {  	_ =	shalt  }
0x82: {  	_ =	shalt  }
0x83: {  	_ =	shalt  }
0x84: {  	_ =	shalt  }
0x85: {  	_ =	shalt  }
0x86: {  	_ =	shalt  }
0x87: {  	_ =	shalt  }
.Lfunc_end0:
.L_simem_size_0:
called_computation.4_lowered:
.L_overlay_start_0:
0x88: {  	s2 =	sld [smem:$0x3FD9]  }
0x89: {  	s3 =	sld [smem:$0x3FFE];
	_ =	sdelay $0x1  }
0x8a: {  	s1 =	srdreg.scid  }
0x8b: {  	s0 =	sand.u32 $0x1, s1  }
0x8c: {  	s17 =	sshll.u32 s0, $0xA;
	s2 =	sadd.s32 s3, s2  }
0x8d: {  	s2 =	sadd.s32 s2, s17  }
0x8e: {  	[smem:$0x3FBF] =	sst s2  }
0x8f: {  	_ = 	snop  }
0x90: {  	s2 =	sld [smem:$0x3FD0];
	(tm) =	ssettm $0x1  }
0x91: {  	s18 =	sld [smem:$0x3FFB];
	_ =	sdelay $0x3  }
0x92: {  	_ =	strace s18  }
0x93: {  	s3 =	sld [smem:$0x3FFC];
	_ =	sdelay $0x3  }
0x94: {  	_ =	strace s3  }
0x95: {  	s3 =	sld [smem:$0x3FFD];
	_ =	sdelay $0x3  }
0x96: {  	_ =	strace s3  }
0x97: {  	_ =	strace $0x8FFFFFFF  }
0x98: {  	s19 =	sld [smem:$0x3FDB];
	_ =	sdelay $0x1  }
0x99: {  	s4 =	simm.s32 $_scs_section_size  }
0x9a: {  	s5 =	simm.s32 $_size__tile_overlayer_lowered;
	s6 =	simm.s32 $_tile_overlayer_lowered  }
0x9b: {  	s22 =	simm.s32 $0x1BFF;
	s21 =	sshll.u32 s6, $0x1;
	s3 =	sadd.s32 s4, s19  }
0x9c: {  	s7 =	simm.s32 $0x0;
	s20 =	sshll.u32 s5, $0x1;
	s5 =	sadd.s32 s21, s3  }
0x9d: {  	[timem:s7], [sflag:s22] =	dma.local [hbm:s5], s20  }
0x9e: {  	_ =	swait.ge [sflag:s22], s20  }
0x9f: {  	s4 =	ssub.s32 $0x0, s20;
	[sflag:s22] =	ssyncset.done $0x0  }
0xa0: {  	[sflag:s22] =	ssyncadd.s32 s4;
	_ =	sdelay $0x1  }
0xa1: {  	s23 =	simm.s32 $0x1B8B  }
0xa2: {  	_ =	swait.ge [sflag:s23], $0x1  }
0xa3: {  	[sflag:s23] =	ssyncset.done $0x0  }
0xa4: {  	s25 =	simm.s32 $0x1B8E;
	s24 =	sld [smem:$0x3FFE];
	[sflag:s23] =	ssyncadd.s32 $0xFFFFFFFF  }
0xa5: {  	s26 =	simm.s32 $execute0_lowered;
	[smem:$0x3FD2] =	sst s25  }
0xa6: {  	s5 =	sshll.u32 s26, $0x1;
	_ =	strace $0x80000052;
	[dreg:$0x1] =	wrdreg $0xFFFFFFFF  }
0xa7: {  	s28 =	simm.s32 $_size_execute0_lowered;
	s3 =	sadd.s32 s3, s5;
	[dreg:$0x0] =	wrdreg $0x0  }
0xa8: {  	s5 =	sshll.u32 s28, $0x1;
	[dreg:$0x2] =	wrdreg s3  }
0xa9: {  	[dreg:$0x3] =	wrdreg s5  }
0xaa: {  	[dreg:$0x4] =	wrdreg $0xC0  }
0xab: {  	_ =	task [dreg:s7], $0x5FFFF  }
0xac: {  	[dreg:$0x1] =	wrdreg $0xFFFFFFFF  }
0xad: {  	[dreg:$0x0] =	wrdreg $0x60  }
0xae: {  	[dreg:$0x2] =	wrdreg s24  }
0xaf: {  	[dreg:$0x3] =	wrdreg s2  }
0xb0: {  	[dreg:$0x4] =	wrdreg $0xA8000  }
0xb1: {  	[dreg:$0x5] =	wrdreg $0x9  }
0xb2: {  	_ =	task.clear_ibuf [dreg:s7], $0x6FFFF;
	_ =	strace $0x90000052  }
0xb3: {  	s29 =	simm.s32 $0x9;
	_ =	strace $0x80000054  }
0xb4: {  	_ =	swait.ge [sflag:s29], $0x1  }
0xb5: {  	[sflag:s29] =	ssyncadd.s32 $0xFFFFFFFF  }
0xb6: {  	_ =	strace $0x90000054  }
0xb7: {  	_ =	sfence  }
0xb8: {  	s30 =	sld [smem:$0x0];
	_ =	sdelay $0x2  }
0xb9: {  	s31 =	sshll.u32 s1, $0xD;
	s1 =	sshrl.u32 s1, $0x2  }
0xba: {  	s3 =	sand.u32 $0x4000, s31;
	s1 =	sadd.s32 s1, s30  }
0xbb: {  	s0 =	sor.u32 s3, s0;
	s1 =	sshll.u32 s1, $0x11  }
0xbc: {  	s0 =	sor.u32 s1, s0  }
0xbd: {  	s0 =	sadd.s32 $0x8F2B, s0  }
0xbe: {  	[sflag:s0] =	ssyncadd.remote.s32 $0x1  }
0xbf: {  	_ =	sfence.sel $0xFFFF  }
0xc0: {  	[dreg:$0x0] =	wrdreg $0xFFFFFFFF;
	(pc) =	sbr.abs _section_cstart, $3  }
0xc1: {  	[dreg:$0x1] =	wrdreg $0xFFFFFFFF  }
0xc2: {  	_ =	task.clear_ibuf [dreg:s7], $0x2FFFF;
	_ =	strace $0x9FFFFFFF  }
0xc3: {  	(tm) =	ssettm $0x7FFFFFFF  }
tec
execute0_lowered:
.L_overlay_start_1:
0x0: {  	(tag) =	ssettag $0x1  }
0x1: {  	s10 =	rddreg [dreg:$0x0]  }
0x2: {  	s9 =	rddreg [dreg:$0x1]  }
0x3: {  	s0 =	srdreg.scid;
	s2 =	rddreg [dreg:$0x2]  }
0x4: {  	s1 =	stileid.u32;
	s3 =	simm.s32 $0x0;
	s15 =	simm.s32 $0x1400  }
0x5: {  	s18 =	simm.s32 $0x80;
	s19 =	simm.s32 $0x2800;
	s20 =	simm.s32 $0x6800  }
0x6: {  	s21 =	simm.s32 $0x1;
	s22 =	simm.s32 $0x2;
	s24 =	simm.s32 $0x2700  }
0x7: {  	s25 =	simm.s32 $0x2780;
	s26 =	simm.s32 $0x0;
	s7 =	smul.u32 $0x50000, s1  }
0x8: {  	s23 =	sand.u32 $0x1, s0;
	[smem:$0x7FF] =	sst s3;
	s31 =	smul.u32 $0x14000, s1  }
0x9: {  	s13 =	sadd.s32 $0xBD000, s10;
	s14 =	smul.u32 $0x2800, s1;
	s16 =	sshll.u32 s1, $0x6  }
0xa: {  	s4 =	sshll.u32 s23, $0x4;
	_ =	strace $0x80000053;
	s30 =	ssub.s32 $0x2, s23  }
0xb: {  	s11 =	smul.u32 $0x140000, s23;
	p0 =	seq.s32 s23, $0x0;
	s16 =	sor.u32 $0x1C03, s16  }
0xc: {  	s4 =	sor.u32 s1, s4;
	s8 =	sshrl.u32 s30, $0x1;
	s7 =	sshrl.u32 s7, $0x2  }
0xd: {  	s5 =	smul.u32 $0x280, s4;
	s4 =	sadd.s32 $0x1D000, s10;
	s12 =	ssub.s32 s30, s8  }
0xe: {  	s17 =	sadd.s32 s7, s2;
	s11 =	sadd.s32 s31, s11;
	s7 =	sshrl.u32 s31, $0x3  }
0xf: {  	s11 =	sshrl.u32 s11, $0x3;
	s8 =	sadd.s32 s13, s7;
	s13 =	smov.u32 @p0 s4  }
0x10: {  	s12 =	smax.u32 s12, $0x1;
	s17 =	sshrl.u32 s17, $0x3;
	p0 =	sne.s32 s23, $0x0  }
0x11: {  	s23 =	simm.s32 $0x1380;
	s6 =	sadd.s32 s5, s10;
	s9 =	sadd.s32 s9, s11  }
0x12: {  	s10 =	sadd.s32 $0x45000, s10;
	s13 =	sadd.s32 s13, s14;
	s14 =	simm.s32 $0x3  }
0x13: {  	s5 =	sadd.s32 $0x18000, s6;
	s6 =	sadd.s32 $0x11E00, s6;
	s11 =	sadd.s32 $0x50000, s9  }
.LBB2_1:
0x14: {  	[tilespmem:s3], [sflag:$0x3] =	stream.linear.gather [hbm4b:s5+s3], $0x1400, $0x38;
	[tilespmem:$0x1E800] =	vst v63  }
0x15: {  	_ =	swait.ge [sflag:s14], $0x1400  }
0x16: {  	[sflag:s14] =	ssyncset.done $0x0  }
0x17: {  	[sflag:s14] =	ssyncadd.s32 $0xFFFFEC00  }
0x18: {  	[tilespmem:s15], [sflag:$0x3] =	stream.linear.gather [hbm4b:s6+s3], $0x1400, $0x38;
	[tilespmem:$0x1E800] =	vst v63  }
0x19: {  	_ =	swait.ge [sflag:s14], $0x1400  }
0x1a: {  	[sflag:s14] =	ssyncset.done $0x0  }
0x1b: {  	[sflag:s14] =	ssyncadd.s32 $0xFFFFEC00  }
0x1c: {  	[spmem:s17], [sflag:s16] =	dma.local [hbm:s13], $0x2800  }
0x1d: {  	_ =	swait.ge [sflag:s14], $0x2800  }
0x1e: {  	[sflag:s14] =	ssyncset.done $0x0  }
0x1f: {  	[sflag:s14] =	ssyncadd.s32 $0xFFFFD800  }
0x20: {  	[bflag:$0x0] =	sbarrier.arrive $0xFFFF  }
0x21: {  	[tilespmem:s19], [sflag:$0x1] =	stream.indirect.gather [hbm4b:s4+s18], $0x80, s3, s18, $0xb8;
	[tilespmem:$0x1E800] =	vst v63  }
0x22: {  	s28 =	simm.s32 $0x80  }
0x23: {  	[tilespmem:s20], [sflag:$0x2] =	stream.indirect.gather [hbm4b:s4+s18], $0x80, s28, s18, $0xb8;
	[tilespmem:$0x1E800] =	vst v63  }
0x24: {  	_ =	swait.ge [sflag:s21], $0x4000  }
0x25: {  	[sflag:s21] =	ssyncset.done $0x0  }
0x26: {  	s28 =	simm.s32 $0x1400;
	[sflag:s21] =	ssyncadd.s32 $0xFFFFC000  }
0x27: {  	[spmem:s2] =	stream.indirect.scatter.add.f32 [tilespmem:s19], [sflag:$0x3], $0x80, s28, s18, $0xb8;
	[tilespmem:$0x1E800] =	vst v63  }
0x28: {  	_ =	swait.ge [sflag:s14], $0x4000  }
0x29: {  	[sflag:s14] =	ssyncset.done $0x0  }
0x2a: {  	s28 =	simm.s32 $0x100;
	[sflag:s14] =	ssyncadd.s32 $0xFFFFC000  }
0x2b: {  	[tilespmem:s19], [sflag:$0x1] =	stream.indirect.gather [hbm4b:s4+s18], $0x80, s28, s18, $0xb8;
	[tilespmem:$0x1E800] =	vst v63  }
0x2c: {  	_ =	swait.ge [sflag:s22], $0x4000  }
0x2d: {  	[sflag:s22] =	ssyncset.done $0x0  }
0x2e: {  	s28 =	simm.s32 $0x1480;
	[sflag:s22] =	ssyncadd.s32 $0xFFFFC000  }
0x2f: {  	[spmem:s2] =	stream.indirect.scatter.add.f32 [tilespmem:s20], [sflag:$0x3], $0x80, s28, s18, $0xb8;
	[tilespmem:$0x1E800] =	vst v63  }
0x30: {  	_ =	swait.ge [sflag:s14], $0x4000  }
0x31: {  	s29 =	simm.s32 $0x800;
	s28 =	simm.s32 $0x100;
	[sflag:s14] =	ssyncset.done $0x0  }
.LBB2_2:
0x32: {  	s30 =	sadd.s32 $0x80, s28  }
0x33: {  	[sflag:s14] =	ssyncadd.s32 $0xFFFFC000;
	s31 =	smov.u32 s29;
	s0 =	sadd.s32 $0x400, s29  }
0x34: {  	[tilespmem:s20], [sflag:$0x2] =	stream.indirect.gather [hbm4b:s4+s18], $0x80, s30, s18, $0xb8;
	[tilespmem:$0x1E800] =	vst v63  }
0x35: {  	p1 =	sne.s32 s29, $0x4800;
	_ =	swait.ge [sflag:s21], $0x4000  }
0x36: {  	[sflag:s21] =	ssyncset.done $0x0  }
0x37: {  	s29 =	sadd.s32 $0x1400, s28;
	[sflag:s21] =	ssyncadd.s32 $0xFFFFC000  }
0x38: {  	[spmem:s2] =	stream.indirect.scatter.add.f32 [tilespmem:s19], [sflag:$0x3], $0x80, s29, s18, $0xb8;
	[tilespmem:$0x1E800] =	vst v63  }
0x39: {  	_ =	swait.ge [sflag:s14], $0x4000  }
0x3a: {  	[sflag:s14] =	ssyncset.done $0x0  }
0x3b: {  	s29 =	sadd.s32 $0x100, s28;
	[sflag:s14] =	ssyncadd.s32 $0xFFFFC000  }
0x3c: {  	[tilespmem:s19], [sflag:$0x1] =	stream.indirect.gather [hbm4b:s4+s18], $0x80, s29, s18, $0xb8;
	[tilespmem:$0x1E800] =	vst v63  }
0x3d: {  	_ =	swait.ge [sflag:s22], $0x4000  }
.Ltmp0:
0x3e: {  	[sflag:s22] =	ssyncset.done $0x0;
	(pc) =	sbr.rel @p1 .LBB2_2-.Ltmp0, $4  }
0x3f: {  	s28 =	sadd.s32 $0x1480, s28;
	[sflag:s22] =	ssyncadd.s32 $0xFFFFC000  }
0x40: {  	[spmem:s2] =	stream.indirect.scatter.add.f32 [tilespmem:s20], [sflag:$0x3], $0x80, s28, s18, $0xb8;
	[tilespmem:$0x1E800] =	vst v63  }
0x41: {  	_ =	swait.ge [sflag:s14], $0x4000  }
0x42: {  	s29 =	smov.u32 s0;
	s28 =	sshra.s32 s31, $0x2;
	[sflag:s14] =	ssyncset.done $0x0  }
0x43: {  	s0 =	sadd.s32 $0x80, s28;
	[sflag:s14] =	ssyncadd.s32 $0xFFFFC000  }
0x44: {  	[tilespmem:s20], [sflag:$0x2] =	stream.indirect.gather [hbm4b:s4+s18], $0x80, s0, s18, $0xb8;
	[tilespmem:$0x1E800] =	vst v63  }
0x45: {  	_ =	swait.ge [sflag:s21], $0x4000  }
0x46: {  	[sflag:s21] =	ssyncset.done $0x0  }
0x47: {  	s30 =	sadd.s32 $0x1400, s28;
	[sflag:s21] =	ssyncadd.s32 $0xFFFFC000  }
0x48: {  	[spmem:s2] =	stream.indirect.scatter.add.f32 [tilespmem:s19], [sflag:$0x3], $0x80, s30, s18, $0xb8;
	[tilespmem:$0x1E800] =	vst v63  }
0x49: {  	_ =	swait.ge [sflag:s14], $0x4000  }
0x4a: {  	[sflag:s14] =	ssyncset.done $0x0  }
0x4b: {  	s31 =	sadd.s32 $0x100, s28;
	[sflag:s14] =	ssyncadd.s32 $0xFFFFC000  }
0x4c: {  	[tilespmem:s19], [sflag:$0x1] =	stream.indirect.gather [hbm4b:s4+s18], $0x80, s31, s18, $0xb8;
	[tilespmem:$0x1E800] =	vst v63  }
0x4d: {  	_ =	swait.ge [sflag:s22], $0x4000  }
0x4e: {  	[sflag:s22] =	ssyncset.done $0x0  }
0x4f: {  	s30 =	sadd.s32 $0x1480, s28;
	[sflag:s22] =	ssyncadd.s32 $0xFFFFC000  }
0x50: {  	[spmem:s2] =	stream.indirect.scatter.add.f32 [tilespmem:s20], [sflag:$0x3], $0x80, s30, s18, $0xb8;
	[tilespmem:$0x1E800] =	vst v63  }
0x51: {  	_ =	swait.ge [sflag:s14], $0x4000  }
0x52: {  	[sflag:s14] =	ssyncset.done $0x0  }
0x53: {  	[sflag:s14] =	ssyncadd.s32 $0xFFFFC000  }
0x54: {  	[tilespmem:s20], [sflag:$0x2] =	stream.indirect.gather [hbm4b:s4+s18], $0x80, s23, s18, $0xb8;
	[tilespmem:$0x1E800] =	vst v63  }
0x55: {  	_ =	swait.ge [sflag:s21], $0x4000  }
0x56: {  	[sflag:s21] =	ssyncset.done $0x0  }
0x57: {  	[sflag:s21] =	ssyncadd.s32 $0xFFFFC000  }
0x58: {  	[spmem:s2] =	stream.indirect.scatter.add.f32 [tilespmem:s19], [sflag:$0x3], $0x80, s24, s18, $0xb8;
	[tilespmem:$0x1E800] =	vst v63  }
0x59: {  	_ =	swait.ge [sflag:s14], $0x4000  }
0x5a: {  	[sflag:s14] =	ssyncset.done $0x0  }
0x5b: {  	[sflag:s14] =	ssyncadd.s32 $0xFFFFC000  }
0x5c: {  	_ =	swait.ge [sflag:s22], $0x4000  }
0x5d: {  	[sflag:s22] =	ssyncset.done $0x0  }
0x5e: {  	[sflag:s22] =	ssyncadd.s32 $0xFFFFC000  }
0x5f: {  	[spmem:s2] =	stream.indirect.scatter.add.f32 [tilespmem:s20], [sflag:$0x3], $0x80, s25, s18, $0xb8;
	[tilespmem:$0x1E800] =	vst v63  }
0x60: {  	_ =	swait.ge [sflag:s14], $0x4000  }
0x61: {  	[sflag:s14] =	ssyncset.done $0x0  }
0x62: {  	[sflag:s14] =	ssyncadd.s32 $0xFFFFC000  }
0x63: {  	[bflag:$0x0] =	sbarrier.arrive $0xFFFF  }
0x64: {  	[hbm:s9], [sflag:s16] =	dma.local [spmem:s17], $0x2800  }
0x65: {  	_ =	swait.ge [sflag:s14], $0x2800  }
0x66: {  	s0 =	sadd.s32 @!p0 s7, s10;
	[sflag:s14] =	ssyncset.done $0x0  }
0x67: {  	s0 =	smov.u32 @p0 s8;
	[sflag:s14] =	ssyncadd.s32 $0xFFFFD800  }
0x68: {  	[spmem:s17], [sflag:s16] =	dma.local [hbm:s0], $0x2800  }
0x69: {  	_ =	swait.ge [sflag:s14], $0x2800  }
0x6a: {  	[sflag:s14] =	ssyncset.done $0x0  }
0x6b: {  	[sflag:s14] =	ssyncadd.s32 $0xFFFFD800  }
0x6c: {  	s31 =	simm.s32 $0x0;
	[bflag:$0x0] =	sbarrier.arrive $0xFFFF  }
0x6d: {  	[tilespmem:s19], [sflag:$0x1] =	stream.indirect.gather [hbm4b:s10+s18], $0x80, s31, s18, $0xb8;
	[tilespmem:$0x1E800] =	vst v63  }
0x6e: {  	s30 =	simm.s32 $0x80  }
0x6f: {  	[tilespmem:s20], [sflag:$0x2] =	stream.indirect.gather [hbm4b:s10+s18], $0x80, s30, s18, $0xb8;
	[tilespmem:$0x1E800] =	vst v63  }
0x70: {  	_ =	swait.ge [sflag:s21], $0x4000  }
0x71: {  	[sflag:s21] =	ssyncset.done $0x0  }
0x72: {  	s31 =	simm.s32 $0x1400;
	[sflag:s21] =	ssyncadd.s32 $0xFFFFC000  }
0x73: {  	[spmem:s2] =	stream.indirect.scatter.add.f32 [tilespmem:s19], [sflag:$0x3], $0x80, s31, s18, $0xb8;
	[tilespmem:$0x1E800] =	vst v63  }
0x74: {  	_ =	swait.ge [sflag:s14], $0x4000  }
0x75: {  	[sflag:s14] =	ssyncset.done $0x0  }
0x76: {  	s30 =	simm.s32 $0x100;
	[sflag:s14] =	ssyncadd.s32 $0xFFFFC000  }
0x77: {  	[tilespmem:s19], [sflag:$0x1] =	stream.indirect.gather [hbm4b:s10+s18], $0x80, s30, s18, $0xb8;
	[tilespmem:$0x1E800] =	vst v63  }
0x78: {  	_ =	swait.ge [sflag:s22], $0x4000  }
0x79: {  	[sflag:s22] =	ssyncset.done $0x0  }
0x7a: {  	s31 =	simm.s32 $0x1480;
	[sflag:s22] =	ssyncadd.s32 $0xFFFFC000  }
0x7b: {  	[spmem:s2] =	stream.indirect.scatter.add.f32 [tilespmem:s20], [sflag:$0x3], $0x80, s31, s18, $0xb8;
	[tilespmem:$0x1E800] =	vst v63  }
0x7c: {  	_ =	swait.ge [sflag:s14], $0x4000  }
0x7d: {  	s29 =	simm.s32 $0x800;
	s28 =	simm.s32 $0x100;
	[sflag:s14] =	ssyncset.done $0x0  }
.LBB2_4:
0x7e: {  	s0 =	sadd.s32 $0x80, s28  }
0x7f: {  	[sflag:s14] =	ssyncadd.s32 $0xFFFFC000;
	s30 =	smov.u32 s29;
	s31 =	sadd.s32 $0x400, s29  }
0x80: {  	[tilespmem:s20], [sflag:$0x2] =	stream.indirect.gather [hbm4b:s10+s18], $0x80, s0, s18, $0xb8;
	[tilespmem:$0x1E800] =	vst v63  }
0x81: {  	p1 =	sne.s32 s29, $0x4800;
	_ =	swait.ge [sflag:s21], $0x4000  }
0x82: {  	[sflag:s21] =	ssyncset.done $0x0  }
0x83: {  	s0 =	sadd.s32 $0x1400, s28;
	[sflag:s21] =	ssyncadd.s32 $0xFFFFC000  }
0x84: {  	[spmem:s2] =	stream.indirect.scatter.add.f32 [tilespmem:s19], [sflag:$0x3], $0x80, s0, s18, $0xb8;
	[tilespmem:$0x1E800] =	vst v63  }
0x85: {  	_ =	swait.ge [sflag:s14], $0x4000  }
0x86: {  	[sflag:s14] =	ssyncset.done $0x0  }
0x87: {  	s0 =	sadd.s32 $0x100, s28;
	[sflag:s14] =	ssyncadd.s32 $0xFFFFC000  }
0x88: {  	[tilespmem:s19], [sflag:$0x1] =	stream.indirect.gather [hbm4b:s10+s18], $0x80, s0, s18, $0xb8;
	[tilespmem:$0x1E800] =	vst v63  }
0x89: {  	_ =	swait.ge [sflag:s22], $0x4000  }
.Ltmp1:
0x8a: {  	[sflag:s22] =	ssyncset.done $0x0;
	(pc) =	sbr.rel @p1 .LBB2_4-.Ltmp1, $4  }
0x8b: {  	s0 =	sadd.s32 $0x1480, s28;
	[sflag:s22] =	ssyncadd.s32 $0xFFFFC000  }
0x8c: {  	[spmem:s2] =	stream.indirect.scatter.add.f32 [tilespmem:s20], [sflag:$0x3], $0x80, s0, s18, $0xb8;
	[tilespmem:$0x1E800] =	vst v63  }
0x8d: {  	_ =	swait.ge [sflag:s14], $0x4000  }
0x8e: {  	s29 =	smov.u32 s31;
	s28 =	sshra.s32 s30, $0x2;
	[sflag:s14] =	ssyncset.done $0x0  }
0x8f: {  	s0 =	sadd.s32 $0x80, s28;
	[sflag:s14] =	ssyncadd.s32 $0xFFFFC000  }
0x90: {  	[tilespmem:s20], [sflag:$0x2] =	stream.indirect.gather [hbm4b:s10+s18], $0x80, s0, s18, $0xb8;
	[tilespmem:$0x1E800] =	vst v63  }
0x91: {  	_ =	swait.ge [sflag:s21], $0x4000  }
0x92: {  	[sflag:s21] =	ssyncset.done $0x0  }
0x93: {  	s29 =	sadd.s32 $0x1400, s28;
	[sflag:s21] =	ssyncadd.s32 $0xFFFFC000  }
0x94: {  	[spmem:s2] =	stream.indirect.scatter.add.f32 [tilespmem:s19], [sflag:$0x3], $0x80, s29, s18, $0xb8;
	[tilespmem:$0x1E800] =	vst v63  }
0x95: {  	_ =	swait.ge [sflag:s14], $0x4000  }
0x96: {  	[sflag:s14] =	ssyncset.done $0x0  }
0x97: {  	s30 =	sadd.s32 $0x100, s28;
	[sflag:s14] =	ssyncadd.s32 $0xFFFFC000  }
0x98: {  	[tilespmem:s19], [sflag:$0x1] =	stream.indirect.gather [hbm4b:s10+s18], $0x80, s30, s18, $0xb8;
	[tilespmem:$0x1E800] =	vst v63  }
0x99: {  	_ =	swait.ge [sflag:s22], $0x4000  }
0x9a: {  	[sflag:s22] =	ssyncset.done $0x0  }
0x9b: {  	s31 =	sadd.s32 $0x1480, s28;
	[sflag:s22] =	ssyncadd.s32 $0xFFFFC000  }
0x9c: {  	[spmem:s2] =	stream.indirect.scatter.add.f32 [tilespmem:s20], [sflag:$0x3], $0x80, s31, s18, $0xb8;
	[tilespmem:$0x1E800] =	vst v63  }
0x9d: {  	_ =	swait.ge [sflag:s14], $0x4000  }
0x9e: {  	[sflag:s14] =	ssyncset.done $0x0  }
0x9f: {  	[sflag:s14] =	ssyncadd.s32 $0xFFFFC000  }
0xa0: {  	[tilespmem:s20], [sflag:$0x2] =	stream.indirect.gather [hbm4b:s10+s18], $0x80, s23, s18, $0xb8;
	[tilespmem:$0x1E800] =	vst v63  }
0xa1: {  	_ =	swait.ge [sflag:s21], $0x4000  }
0xa2: {  	[sflag:s21] =	ssyncset.done $0x0  }
0xa3: {  	[sflag:s21] =	ssyncadd.s32 $0xFFFFC000  }
0xa4: {  	[spmem:s2] =	stream.indirect.scatter.add.f32 [tilespmem:s19], [sflag:$0x3], $0x80, s24, s18, $0xb8;
	[tilespmem:$0x1E800] =	vst v63  }
0xa5: {  	_ =	swait.ge [sflag:s14], $0x4000  }
0xa6: {  	[sflag:s14] =	ssyncset.done $0x0  }
0xa7: {  	[sflag:s14] =	ssyncadd.s32 $0xFFFFC000  }
0xa8: {  	_ =	swait.ge [sflag:s22], $0x4000  }
0xa9: {  	[sflag:s22] =	ssyncset.done $0x0  }
0xaa: {  	[sflag:s22] =	ssyncadd.s32 $0xFFFFC000  }
0xab: {  	[spmem:s2] =	stream.indirect.scatter.add.f32 [tilespmem:s20], [sflag:$0x3], $0x80, s25, s18, $0xb8;
	[tilespmem:$0x1E800] =	vst v63  }
0xac: {  	_ =	swait.ge [sflag:s14], $0x4000  }
0xad: {  	s26 =	sadd.s32 $0x1, s26;
	[sflag:s14] =	ssyncset.done $0x0  }
0xae: {  	p1 =	sne.s32 s26, s12;
	[sflag:s14] =	ssyncadd.s32 $0xFFFFC000  }
.Ltmp2:
0xaf: {  	[bflag:$0x0] =	sbarrier.arrive $0xFFFF;
	(pc) =	sbr.rel @p1 .LBB2_1-.Ltmp2, $4  }
0xb0: {  	[hbm:s11], [sflag:s16] =	dma.local [spmem:s17], $0x2800  }
0xb1: {  	_ =	swait.ge [sflag:s14], $0x2800  }
0xb2: {  	[sflag:s14] =	ssyncset.done $0x0  }
0xb3: {  	[sflag:s14] =	ssyncadd.s32 $0xFFFFD800  }
0xb4: {  	_ =	sfence.sel $0x180000  }
0xb5: {  	[bflag:$0x0] =	sbarrier.arrive $0xFFFF  }
0xb6: {  	_ =	strace $0x90000053  }
0xb7: {  	[bflag:$0x2] =	sbarrier.arrive $0xFFFF  }
0xb8: {  	p0 =	sne.s32 s1, $0x0;
	s0 =	rddreg [dreg:$0x3]  }
0xb9: {  	s0 =	sadd.s32 @!p0 $0x100000, s0  }
0xba: {  	[sflag:s0] =	ssyncadd.tile.s32 @!p0 $0x1;
	_ =	shalt  }
.Lfunc_end2:
_tile_overlayer_lowered:
.L_overlay_start_2:
0xbb: {  	(tag) =	ssettag $0x2  }
0xbc: {  	s0 =	rddreg [dreg:$0x0];
	s2 =	stileid.u32  }
0xbd: {  	s1 =	rddreg [dreg:$0x1];
	p0 =	sne.s32 s2, $0x0  }
0xbe: {  	s3 =	rddreg [dreg:$0x2];
	[bflag:$0x3] =	sbarrier.arrive $0xFFFF;
	s2 =	simm.s32 @!p0 $0x1C03  }
0xbf: {  	[timem:s3], [sflag:s2] =	dma.local @!p0 [hbm:s0], s1  }
0xc0: {  	s0 =	simm.s32 @!p0 $0x3  }
0xc1: {  	_ =	swait.ge @!p0 [sflag:s0], s1  }
0xc2: {  	s1 =	ssub.s32 @!p0 $0x0, s1;
	[sflag:s0] =	ssyncset.done @!p0 $0x0  }
0xc3: {  	[sflag:s0] =	ssyncadd.s32 @!p0 s1  }
0xc4: {  	[bflag:$0x3] =	sbarrier.arrive $0xFFFF  }
0xc5: {  	_ =	shalt  }

// kernel: kernel.9.cloned.1.call-start
scs
__scs_entry_jumppad:
0x0: {  	(pc) =	sbr.rel $0x88, $3  }
0x1: {  	(tag) =	ssettag $0x0;
	lr =	simm.s32 $0x1  }
0x2: {  	[smem:$0x3F98] =	sst lr;
	_ =	strace $0xD0000000  }
0x3: {  	_ = 	snop  }
0x4: {  	_ = 	snop  }
0x5: {  	_ = 	snop  }
0x6: {  	_ = 	snop  }
0x7: {  	_ = 	snop  }
__scs_overlays_trampoline_lowered:
0x8: {  	[smem:$0x3FA7] =	sst s0  }
0x9: {  	[smem:$0x3FA8] =	sst s1  }
0xa: {  	[smem:$0x3FA9] =	sst s2  }
0xb: {  	[smem:$0x3FAA] =	sst s3  }
0xc: {  	[smem:$0x3FAB] =	sst s4  }
0xd: {  	[smem:$0x3FAC] =	sst s5  }
0xe: {  	[smem:$0x3FAD] =	sst s6  }
0xf: {  	[smem:$0x3FAE] =	sst s7  }
0x10: {  	[smem:$0x3FAF] =	sst s8  }
0x11: {  	[smem:$0x3FB0] =	sst s9;
	s0 =	simm.s32 @!p0 $0x0  }
0x12: {  	s1 =	sld [smem:$0x3F96];
	s0 =	simm.s32 @p0 $0x1  }
0x13: {  	[smem:$0x3FB1] =	sst s0;
	s0 =	simm.s32 @!p1 $0x0  }
0x14: {  	s2 =	sld [smem:$0x3F95];
	s0 =	simm.s32 @p1 $0x1  }
0x15: {  	[smem:$0x3FB2] =	sst s0;
	s0 =	simm.s32 @!p2 $0x0  }
0x16: {  	s3 =	sld [smem:$0x3FDB];
	s0 =	simm.s32 @p2 $0x1  }
0x17: {  	s4 =	simm.s32 $0x1BF5;
	[smem:$0x3FB4] =	sst s0  }
0x18: {  	s0 =	sld [smem:$0x3F97];
	_ =	swait.ge [sflag:s4], $0x0  }
0x19: {  	s7 =	sld [smem:$0x3F98]  }
0x1a: {  	s8 =	sadd.s32 $0xFFFFE003, lr  }
0x1b: {  	s9 =	sadd.s32 $0xFFFFFEF7, lr;
	s5 =	simm.s32 $0xFFFFFFFF;
	p2 =	slt.u32 s8, $0xFFFFF086  }
0x1c: {  	p1 =	slt.u32 s9, $0xF7A;
	s5 =	simm.s32 @!p2 $0x0  }
0x1d: {  	s5 =	simm.s32 @p1 $0x1;
	p0 =	seq.s32 s7, s2  }
0x1e: {  	s7 =	smul.u32 @!p0 $0xF7A, s2;
	p2 =	seq.s32 @!p0 s5, $0x0  }
0x1f: {  	s9 =	smul.u32 $0xF7A, s1;
	s8 =	simm.s32 @!p0 $0x1BF5;
	p2 =	por !p2, p0  }
0x20: {  	[sflag:s8] =	ssyncset.s32 @!p0 $0xFFFFF086;
	s6 =	sadd.s32 @!p0 s3, s7;
	s7 =	simm.s32 @!p0 $0x108  }
0x21: {  	s3 =	sadd.s32 s3, s9;
	s6 =	sadd.s32 @!p0 $0x88, s6;
	s7 =	simm.s32 @p2 $0x1082  }
0x22: {  	[simem:s7], [sflag:s8] =	dma.local @!p0 [hbm:s6], $0xF7A  }
0x23: {  	s9 =	sor.u32 $0xD0000000, s2;
	s6 =	simm.s32 $0x108;
	_ =	swait.ge @!p0 [sflag:s8], $0x0  }
0x24: {  	s3 =	sadd.s32 $0x88, s3;
	s6 =	simm.s32 @!p1 $0x1082;
	[sflag:s4] =	ssyncset.s32 $0xFFFFF086  }
0x25: {  	[simem:s6], [sflag:s4] =	dma.local [hbm:s3], $0xF7A  }
0x26: {  	[smem:$0x3F98] =	sst s1;
	(tag) =	ssettag s2;
	_ =	strace s9  }
0x27: {  	s1 =	sld [smem:$0x3FA8]  }
0x28: {  	s2 =	sld [smem:$0x3FA9]  }
0x29: {  	s4 =	sld [smem:$0x3FAB]  }
0x2a: {  	p0 =	seq.s32 s5, $0x0;
	s5 =	sld [smem:$0x3FAC]  }
0x2b: {  	s6 =	sld [smem:$0x3FAD]  }
0x2c: {  	s7 =	sld [smem:$0x3FAE]  }
0x2d: {  	s3 =	simm.s32 $0x108;
	s8 =	sld [smem:$0x3FAF]  }
0x2e: {  	s3 =	simm.s32 @!p0 $0x1082;
	s9 =	sld [smem:$0x3FB0]  }
0x2f: {  	lr =	sadd.s32 s0, s3;
	s0 =	sld [smem:$0x3FA7]  }
0x30: {  	s3 =	sld [smem:$0x3FAA]  }
0x31: {  	[smem:$0x3FB3] =	sst s10  }
0x32: {  	s10 =	sld [smem:$0x3FB1];
	_ =	sdelay $0x3  }
0x33: {  	p0 =	seq.s32 s10, $0x1;
	s10 =	sld [smem:$0x3FB3];
	_ =	sdelay $0x3  }
0x34: {  	[smem:$0x3FB3] =	sst s10  }
0x35: {  	s10 =	sld [smem:$0x3FB2];
	_ =	sdelay $0x3  }
0x36: {  	p1 =	seq.s32 s10, $0x1;
	s10 =	sld [smem:$0x3FB3];
	_ =	sdelay $0x3  }
0x37: {  	[smem:$0x3FB3] =	sst s10  }
0x38: {  	s10 =	sld [smem:$0x3FB4]  }
0x39: {  	_ = 	snop;
	(pc) =	sbr.ind lr, $3  }
0x3a: {  	_ = 	snop  }
0x3b: {  	_ = 	snop  }
0x3c: {  	p2 =	seq.s32 s10, $0x1;
	s10 =	sld [smem:$0x3FB3]  }
0x3d: {  	_ =	shalt  }
0x3e: {  	_ =	shalt  }
0x3f: {  	_ =	shalt  }
0x40: {  	_ =	shalt  }
0x41: {  	_ =	shalt  }
0x42: {  	_ =	shalt  }
0x43: {  	_ =	shalt  }
0x44: {  	_ =	shalt  }
0x45: {  	_ =	shalt  }
0x46: {  	_ =	shalt  }
0x47: {  	_ =	shalt  }
0x48: {  	_ =	shalt  }
0x49: {  	_ =	shalt  }
0x4a: {  	_ =	shalt  }
0x4b: {  	_ =	shalt  }
0x4c: {  	_ =	shalt  }
0x4d: {  	_ =	shalt  }
0x4e: {  	_ =	shalt  }
0x4f: {  	_ =	shalt  }
0x50: {  	_ =	shalt  }
0x51: {  	_ =	shalt  }
0x52: {  	_ =	shalt  }
0x53: {  	_ =	shalt  }
0x54: {  	_ =	shalt  }
0x55: {  	_ =	shalt  }
0x56: {  	_ =	shalt  }
0x57: {  	_ =	shalt  }
0x58: {  	_ =	shalt  }
0x59: {  	_ =	shalt  }
0x5a: {  	_ =	shalt  }
0x5b: {  	_ =	shalt  }
0x5c: {  	_ =	shalt  }
0x5d: {  	_ =	shalt  }
0x5e: {  	_ =	shalt  }
0x5f: {  	_ =	shalt  }
0x60: {  	_ =	shalt  }
0x61: {  	_ =	shalt  }
0x62: {  	_ =	shalt  }
0x63: {  	_ =	shalt  }
0x64: {  	_ =	shalt  }
0x65: {  	_ =	shalt  }
0x66: {  	_ =	shalt  }
0x67: {  	_ =	shalt  }
0x68: {  	_ =	shalt  }
0x69: {  	_ =	shalt  }
0x6a: {  	_ =	shalt  }
0x6b: {  	_ =	shalt  }
0x6c: {  	_ =	shalt  }
0x6d: {  	_ =	shalt  }
0x6e: {  	_ =	shalt  }
0x6f: {  	_ =	shalt  }
0x70: {  	_ =	shalt  }
0x71: {  	_ =	shalt  }
0x72: {  	_ =	shalt  }
0x73: {  	_ =	shalt  }
0x74: {  	_ =	shalt  }
0x75: {  	_ =	shalt  }
0x76: {  	_ =	shalt  }
0x77: {  	_ =	shalt  }
0x78: {  	_ =	shalt  }
0x79: {  	_ =	shalt  }
0x7a: {  	_ =	shalt  }
0x7b: {  	_ =	shalt  }
0x7c: {  	_ =	shalt  }
0x7d: {  	_ =	shalt  }
0x7e: {  	_ =	shalt  }
0x7f: {  	_ =	shalt  }
0x80: {  	_ =	shalt  }
0x81: {  	_ =	shalt  }
0x82: {  	_ =	shalt  }
0x83: {  	_ =	shalt  }
0x84: {  	_ =	shalt  }
0x85: {  	_ =	shalt  }
0x86: {  	_ =	shalt  }
0x87: {  	_ =	shalt  }
.Lfunc_end0:
.L_simem_size_0:
called_computation.2_lowered:
.L_overlay_start_0:
0x88: {  	s2 =	sld [smem:$0x3FD9]  }
0x89: {  	s3 =	sld [smem:$0x3FFE];
	_ =	sdelay $0x1  }
0x8a: {  	s1 =	srdreg.scid  }
0x8b: {  	s0 =	sand.u32 $0x1, s1  }
0x8c: {  	s17 =	sshll.u32 s0, $0xA;
	s2 =	sadd.s32 s3, s2  }
0x8d: {  	s2 =	sadd.s32 s2, s17  }
0x8e: {  	[smem:$0x3FBF] =	sst s2  }
0x8f: {  	_ = 	snop  }
0x90: {  	(tm) =	ssettm $0x1  }
0x91: {  	s18 =	sld [smem:$0x3FFB];
	_ =	sdelay $0x3  }
0x92: {  	_ =	strace s18  }
0x93: {  	s2 =	sld [smem:$0x3FFC];
	_ =	sdelay $0x3  }
0x94: {  	_ =	strace s2  }
0x95: {  	s2 =	sld [smem:$0x3FFD];
	_ =	sdelay $0x3  }
0x96: {  	_ =	strace s2  }
0x97: {  	_ =	strace $0x8FFFFFFF  }
0x98: {  	s19 =	sld [smem:$0x3FDB];
	_ =	sdelay $0x1  }
0x99: {  	s20 =	simm.s32 $_scs_section_size  }
0x9a: {  	s4 =	simm.s32 $_size__tile_overlayer_lowered;
	s5 =	simm.s32 $_tile_overlayer_lowered  }
0x9b: {  	s6 =	simm.s32 $0x1BFF;
	s21 =	sshll.u32 s5, $0x1;
	s3 =	sadd.s32 s20, s19  }
0x9c: {  	s22 =	simm.s32 $0x0;
	s4 =	sshll.u32 s4, $0x1;
	s5 =	sadd.s32 s21, s3  }
0x9d: {  	[timem:s22], [sflag:s6] =	dma.local [hbm:s5], s4  }
0x9e: {  	_ =	swait.ge [sflag:s6], s4  }
0x9f: {  	s4 =	ssub.s32 $0x0, s4;
	[sflag:s6] =	ssyncset.done $0x0  }
0xa0: {  	[sflag:s6] =	ssyncadd.s32 s4;
	_ =	sdelay $0x1  }
0xa1: {  	s23 =	simm.s32 $0x1B8B  }
0xa2: {  	_ =	swait.ge [sflag:s23], $0x1  }
0xa3: {  	[sflag:s23] =	ssyncset.done $0x0  }
0xa4: {  	[sflag:s23] =	ssyncadd.s32 $0xFFFFFFFF  }
0xa5: {  	s4 =	sld [smem:$0x0]  }
0xa6: {  	s5 =	sand.u32 $0xFFFFFFFE, s1  }
0xa7: {  	p0 =	sne.s32 s1, s5  }
0xa8: {  	s5 =	sshll.u32 @p0 s5, $0xE  }
0xa9: {  	s5 =	sadd.s32 @p0 $0x11B8D, s5;
	s6 =	sshll.u32 @p0 s4, $0x11  }
0xaa: {  	s5 =	sor.u32 @p0 s6, s5  }
0xab: {  	[sflag:s5] =	ssyncadd.remote.s32 @p0 $0x1;
	_ =	sdelay $0x1  }
0xac: {  	s5 =	simm.s32 @p0 $0x1B8D  }
0xad: {  	_ =	swait.eq @p0 [sflag:s5], $0x1  }
0xae: {  	[sflag:s5] =	ssyncadd.s32 @p0 $0xFFFFFFFF  }
0xaf: {  	s6 =	sshll.u32 @!p0 s1, $0xE  }
0xb0: {  	s6 =	sor.u32 @!p0 $0x4000, s6;
	s5 =	simm.s32 @!p0 $0x1B8D  }
0xb1: {  	s4 =	sshll.u32 @!p0 s4, $0x11;
	s6 =	sadd.s32 @!p0 $0x11B8D, s6;
	_ =	swait.eq @!p0 [sflag:s5], $0x1  }
0xb2: {  	s4 =	sor.u32 @!p0 s4, s6;
	[sflag:s5] =	ssyncadd.s32 @!p0 $0xFFFFFFFF  }
0xb3: {  	s25 =	simm.s32 $0x1B8E;
	s24 =	sld [smem:$0x3FFE];
	[sflag:s4] =	ssyncadd.remote.s32 @!p0 $0x1  }
0xb4: {  	s26 =	simm.s32 $execute0_lowered;
	[smem:$0x3FD2] =	sst s25  }
0xb5: {  	s5 =	sshll.u32 s26, $0x1;
	_ =	strace $0x8000004C;
	[dreg:$0x1] =	wrdreg $0xFFFFFFFF  }
0xb6: {  	s28 =	simm.s32 $_size_execute0_lowered;
	s3 =	sadd.s32 s3, s5;
	[dreg:$0x0] =	wrdreg $0x0  }
0xb7: {  	s5 =	sshll.u32 s28, $0x1;
	[dreg:$0x2] =	wrdreg s3  }
0xb8: {  	[dreg:$0x3] =	wrdreg s5  }
0xb9: {  	[dreg:$0x4] =	wrdreg $0xC0  }
0xba: {  	_ =	task [dreg:s22], $0x5FFFF  }
0xbb: {  	[dreg:$0x1] =	wrdreg $0xFFFFFFFF  }
0xbc: {  	[dreg:$0x0] =	wrdreg $0x60  }
0xbd: {  	[dreg:$0x2] =	wrdreg s24  }
0xbe: {  	[dreg:$0x3] =	wrdreg $0x14800  }
0xbf: {  	[dreg:$0x4] =	wrdreg $0xB  }
0xc0: {  	_ =	task.clear_ibuf [dreg:s22], $0x5FFFF;
	_ =	strace $0x9000004C  }
0xc1: {  	s29 =	simm.s32 $0xB;
	_ =	strace $0x8000004E  }
0xc2: {  	_ =	swait.ge [sflag:s29], $0x1  }
0xc3: {  	[sflag:s29] =	ssyncadd.s32 $0xFFFFFFFF  }
0xc4: {  	_ =	strace $0x9000004E  }
0xc5: {  	_ =	sfence  }
0xc6: {  	s30 =	sld [smem:$0x0];
	_ =	sdelay $0x2  }
0xc7: {  	s31 =	sshll.u32 s1, $0xD;
	s1 =	sshrl.u32 s1, $0x2  }
0xc8: {  	s4 =	sand.u32 $0x4000, s31;
	s1 =	sadd.s32 s1, s30  }
0xc9: {  	s0 =	sor.u32 s4, s0;
	s1 =	sshll.u32 s1, $0x11  }
0xca: {  	s0 =	sor.u32 s1, s0  }
0xcb: {  	s0 =	sadd.s32 $0x8F2B, s0  }
0xcc: {  	[sflag:s0] =	ssyncadd.remote.s32 $0x1  }
0xcd: {  	_ =	sfence.sel $0xFFFF  }
0xce: {  	[dreg:$0x0] =	wrdreg $0xFFFFFFFF;
	(pc) =	sbr.abs _section_cstart, $3  }
0xcf: {  	[dreg:$0x1] =	wrdreg $0xFFFFFFFF  }
0xd0: {  	_ =	task.clear_ibuf [dreg:s22], $0x2FFFF;
	_ =	strace $0x9FFFFFFF  }
0xd1: {  	(tm) =	ssettm $0x7FFFFFFF  }
tec
execute0_lowered:
.L_overlay_start_1:
0x0: {  	(tag) =	ssettag $0x1  }
0x1: {  	s6 =	rddreg [dreg:$0x0]  }
0x2: {  	s0 =	srdreg.scid;
	s2 =	rddreg [dreg:$0x1]  }
0x3: {  	s3 =	simm.s32 $0x0;
	s13 =	simm.s32 $0x80;
	s14 =	simm.s32 $0x20  }
0x4: {  	s15 =	simm.s32 $0x10;
	s5 =	sand.u32 $0x1, s0;
	s0 =	stileid.u32  }
0x5: {  	s16 =	simm.s32 $0x0;
	[smem:$0x7FF] =	sst s3;
	s7 =	smul.u32 $0x500, s0  }
0x6: {  	s1 =	sshll.u32 s5, $0x4;
	s8 =	smul.u32 $0x280, s0;
	s9 =	sshll.u32 s5, $0x7  }
0x7: {  	s5 =	ssub.s32 $0x2, s5;
	s31 =	sshll.u32 s0, $0x6;
	s4 =	sor.u32 s0, s1  }
0x8: {  	s1 =	rddreg [dreg:$0x2];
	_ =	strace $0x8000004D;
	s30 =	sshrl.u32 s5, $0x1  }
0x9: {  	s4 =	smul.u32 $0x280, s4;
	s7 =	sor.u32 s9, s7;
	s29 =	sshrl.u32 s8, $0x3  }
0xa: {  	s11 =	ssub.s32 s5, s30;
	s12 =	sadd.s32 s8, s2;
	s7 =	sshrl.u32 s7, $0x3  }
0xb: {  	s9 =	sadd.s32 s29, s6;
	s8 =	smax.u32 s11, $0x1;
	s11 =	sor.u32 $0x1C01, s31  }
0xc: {  	s12 =	sshrl.u32 s12, $0x3;
	s10 =	sadd.s32 s4, s6;
	s4 =	sadd.s32 $0x16E00, s6  }
0xd: {  	s7 =	sadd.s32 s7, s6;
	s6 =	sadd.s32 $0x17000, s9;
	s9 =	simm.s32 $0x1  }
0xe: {  	s5 =	sadd.s32 $0x11E00, s10;
	s7 =	sadd.s32 $0x17600, s7;
	s10 =	simm.s32 $0x1400  }
.LBB2_1:
0xf: {  	[tilespmem:s3], [sflag:$0x1] =	stream.linear.gather [hbm4b:s5+s3], $0x1400, $0x38;
	[tilespmem:$0x1700] =	vst v63  }
0x10: {  	_ =	swait.ge [sflag:s9], $0x1400  }
0x11: {  	[sflag:s9] =	ssyncset.done $0x0  }
0x12: {  	[sflag:s9] =	ssyncadd.s32 $0xFFFFEC00  }
0x13: {  	[tilespmem:s10], [sflag:$0x1] =	stream.linear.gather [hbm4b:s4+s3], $0x80, $0x38;
	[tilespmem:$0x1700] =	vst v63  }
0x14: {  	_ =	swait.ge [sflag:s9], $0x80  }
0x15: {  	[sflag:s9] =	ssyncset.done $0x0  }
0x16: {  	[sflag:s9] =	ssyncadd.s32 $0xFFFFFF80  }
0x17: {  	[spmem:s12], [sflag:s11] =	dma.local [hbm:s6], $0x50  }
0x18: {  	_ =	swait.ge [sflag:s9], $0x50  }
0x19: {  	[sflag:s9] =	ssyncset.done $0x0  }
0x1a: {  	[sflag:s9] =	ssyncadd.s32 $0xFFFFFFB0  }
0x1b: {  	s17 =	simm.s32 $0x0;
	[bflag:$0x0] =	sbarrier.arrive $0xFFFF  }
0x1c: {  	[spmem:s2] =	stream.indirect.scatter.add.f32 [tilespmem:s10], [sflag:$0x1], $0x1, s17, s13, $0xb8;
	[tilespmem:$0x1700] =	vst v63  }
0x1d: {  	_ =	swait.ge [sflag:s9], $0x80  }
0x1e: {  	s17 =	simm.s32 $0x200;
	[sflag:s9] =	ssyncset.done $0x0  }
.LBB2_2:
0x1f: {  	s18 =	sshra.s32 s17, $0x2;
	[sflag:s9] =	ssyncadd.s32 $0xFFFFFF80;
	p0 =	sne.s32 s17, $0x4E00  }
0x20: {  	[spmem:s2] =	stream.indirect.scatter.add.f32 [tilespmem:s10], [sflag:$0x1], $0x1, s18, s13, $0xb8;
	[tilespmem:$0x1700] =	vst v63  }
.Ltmp0:
0x21: {  	_ = 	snop;
	(pc) =	sbr.rel @p0 .LBB2_2-.Ltmp0, $4  }
0x22: {  	_ = 	snop  }
0x23: {  	s17 =	sadd.s32 $0x200, s17  }
0x24: {  	_ =	swait.ge [sflag:s9], $0x80  }
0x25: {  	[sflag:s9] =	ssyncset.done $0x0  }
0x26: {  	s16 =	sadd.s32 $0x1, s16  }
0x27: {  	[sflag:s9] =	ssyncadd.s32 $0xFFFFFF80;
	p0 =	sne.s32 s16, s8  }
.Ltmp1:
0x28: {  	[bflag:$0x0] =	sbarrier.arrive $0xFFFF;
	(pc) =	sbr.rel @p0 .LBB2_1-.Ltmp1, $4  }
0x29: {  	[hbm:s7@s14], [sflag:s11] =	dma.strided [spmem:s12@s15], $0x50, s9, $0x10   }
0x2a: {  	_ =	swait.ge [sflag:s9], $0x50  }
0x2b: {  	[sflag:s9] =	ssyncset.done $0x0  }
0x2c: {  	[sflag:s9] =	ssyncadd.s32 $0xFFFFFFB0  }
0x2d: {  	_ =	sfence.sel $0x180000  }
0x2e: {  	[bflag:$0x0] =	sbarrier.arrive $0xFFFF  }
0x2f: {  	p0 =	sne.s32 s0, $0x0;
	_ =	strace $0x9000004D  }
0x30: {  	s0 =	sadd.s32 @!p0 $0x100000, s1;
	[bflag:$0x2] =	sbarrier.arrive $0xFFFF  }
0x31: {  	[sflag:s0] =	ssyncadd.tile.s32 @!p0 $0x1;
	_ =	shalt  }
.Lfunc_end2:
_tile_overlayer_lowered:
.L_overlay_start_2:
0x32: {  	(tag) =	ssettag $0x2  }
0x33: {  	s0 =	rddreg [dreg:$0x0];
	s2 =	stileid.u32  }
0x34: {  	s1 =	rddreg [dreg:$0x1];
	p0 =	sne.s32 s2, $0x0  }
0x35: {  	s3 =	rddreg [dreg:$0x2];
	[bflag:$0x3] =	sbarrier.arrive $0xFFFF;
	s2 =	simm.s32 @!p0 $0x1C01  }
0x36: {  	[timem:s3], [sflag:s2] =	dma.local @!p0 [hbm:s0], s1  }
0x37: {  	s0 =	simm.s32 @!p0 $0x1  }
0x38: {  	_ =	swait.ge @!p0 [sflag:s0], s1  }
0x39: {  	s1 =	ssub.s32 @!p0 $0x0, s1;
	[sflag:s0] =	ssyncset.done @!p0 $0x0  }
0x3a: {  	[sflag:s0] =	ssyncadd.s32 @!p0 s1  }
0x3b: {  	[bflag:$0x3] =	sbarrier.arrive $0xFFFF  }
0x3c: {  	_ =	shalt  }

</sc_bundles>
